<compile_context>
chip_gen: v7x
topology: tpu7x:2x2x1
jax: 0.10.2.dev20260603
libtpu: 0.0.44.dev20260713+nightly
codegen_flags: <defaults>
</compile_context>

<pallas_src>
import functools

import jax
import jax.numpy as jnp
from jax import lax
from jax.experimental import pallas as pl
from jax.experimental.pallas import tpu as pltpu
from jax.experimental.pallas import tpu_sc as plsc

N = 10000
E = 160000
D = 256
H = 8
HD = D // H
ALPHA = 0.2

NC = 2
NS = 16
HC = H // NC

EPT = E // NS
EPTP = 10080
EP = NS * EPTP
CA = 80
NCHA = EPTP // CA
CB = 112
NCHB = EPTP // CB
ROWS_PT = 624
TAILOFF = NS * ROWS_PT
TAIL = N - TAILOFF
DLEN = 2560
DPAD = NS * DLEN
SW = 16
NSP = (HC * HD) // SW



def _proj_body(x_ref, w_ref, as_ref, ad_ref, ha_ref, hb_ref, s_ref, d_ref):
    h = jnp.dot(x_ref[...], w_ref[...], preferred_element_type=jnp.float32)
    blk = h.shape[0]
    ha_ref[...] = h[:, :HC * HD]
    hb_ref[...] = h[:, HC * HD:]
    pad = jnp.zeros((blk, H), jnp.float32)
    s = jnp.dot(h, as_ref[...], preferred_element_type=jnp.float32)
    d = jnp.dot(h, ad_ref[...], preferred_element_type=jnp.float32)
    s_ref[...] = jnp.concatenate([s, pad], axis=1)
    d_ref[...] = jnp.concatenate([d, pad], axis=1)


def _infl_body(ew_ref, pw_ref, pb_ref, o_ref):
    vals = ew_ref[...] * pw_ref[...] + pb_ref[...]
    pad = jnp.full((EPTP - EPT, 16), -1e30, jnp.float32)
    o_ref[...] = jnp.concatenate([vals, pad], axis=0)



def _sc_body(hA, hB, asp, adp, inflP, srcI, dstI, zrows, zflat,
             outA, outB,
             srcp, dstp, arows_s, arows_d, inflc, eidx, idxg, idxb,
             gbuf, sbuf, zhm, invf, acc_sp, den_sp, gsem, ssem):
    c = lax.axis_index("c")
    s = lax.axis_index("s")
    iota = lax.iota(jnp.int32, 16)
    zero16 = jnp.zeros((16,), jnp.int32)

    def _zero_acc():
        pltpu.sync_copy(zrows, acc_sp.at[pl.ds(s * ROWS_PT, ROWS_PT)])

        @pl.when(s == 0)
        def _zt():
            pltpu.sync_copy(zrows.at[pl.ds(0, TAIL)],
                            acc_sp.at[pl.ds(TAILOFF, TAIL)])

    _zero_acc()
    pltpu.sync_copy(zflat, den_sp.at[pl.ds(s * DLEN, DLEN)])
    pltpu.sync_copy(srcI.at[pl.ds(s * EPTP, EPTP)], srcp)
    pltpu.sync_copy(dstI.at[pl.ds(s * EPTP, EPTP)], dstp)
    plsc.subcore_barrier()

    hmask = (iota >= c * HC) & (iota < c * HC + HC)
    lane = iota - c * HC

    def _fire_a(k):
        slot = k % 2
        pltpu.async_copy(asp.at[srcp.at[pl.ds(k * CA, CA)]],
                         arows_s.at[slot], gsem.at[slot])
        pltpu.async_copy(adp.at[dstp.at[pl.ds(k * CA, CA)]],
                         arows_d.at[slot], gsem.at[slot])
        pltpu.async_copy(inflP.at[pl.ds(s * EPTP + k * CA, CA)],
                         inflc.at[slot], gsem.at[slot])

    def _wait_a(slot):
        pltpu.make_async_copy(asp.at[srcp.at[pl.ds(0, CA)]],
                              arows_s.at[slot], gsem.at[slot]).wait()
        pltpu.make_async_copy(adp.at[dstp.at[pl.ds(0, CA)]],
                              arows_d.at[slot], gsem.at[slot]).wait()
        pltpu.make_async_copy(inflP.at[pl.ds(0, CA)],
                              inflc.at[slot], gsem.at[slot]).wait()

    def _wait_a_scat(slot):
        for h in range(HC):
            pltpu.make_async_copy(
                zhm.at[pl.ds(h * CA, CA)],
                den_sp.at[eidx.at[slot * HC + h]], ssem.at[slot]).wait()

    def _chunk_a(k, carry):
        slot = k % 2
        _wait_a(slot)
        for j in range(CA // 16):
            dstv = dstp[pl.ds(k * CA + j * 16, 16)]
            for h in range(HC):
                eidx[slot * HC + h, pl.ds(j * 16, 16)] = dstv * HC + h
        kc = k * CA

        @plsc.parallel_loop(0, CA, unroll=8)
        def edge_a(e):
            t = arows_s[slot, e] + arows_d[slot, e]
            t = jnp.where(t >= 0.0, t, t * ALPHA)
            t = t + inflc[slot, e]
            z = jnp.exp(t)
            plsc.store_scatter(zhm, [lane * EPTP + (kc + e)], z, mask=hmask)

        @pl.when(k >= 2)
        def _():
            _wait_a_scat(slot)

        for h in range(HC):
            pltpu.async_copy(zhm.at[pl.ds(h * EPTP + kc, CA)],
                             den_sp.at[eidx.at[slot * HC + h]], ssem.at[slot],
                             add=True)

        @pl.when(k < NCHA - 2)
        def _():
            _fire_a(k + 2)
        return carry

    def _prol_a(k, carry):
        _fire_a(k)
        return carry

    lax.fori_loop(0, 2, _prol_a, 0)
    lax.fori_loop(0, NCHA, _chunk_a, 0)
    _wait_a_scat(0)
    _wait_a_scat(1)
    plsc.subcore_barrier()

    off = s * DLEN
    pltpu.sync_copy(den_sp.at[pl.ds(off, DLEN)], invf.at[pl.ds(0, DLEN)])

    def recip(i, carry):
        v = invf[pl.ds(i * 16, 16)]
        invf[pl.ds(i * 16, 16)] = 1.0 / (v + 1e-16)
        return carry

    lax.fori_loop(0, DLEN // 16, recip, 0)
    pltpu.sync_copy(invf.at[pl.ds(0, DLEN)], den_sp.at[pl.ds(off, DLEN)])
    plsc.subcore_barrier()
    pltpu.sync_copy(den_sp, invf)

    def wtrans(i, carry):
        dstv = dstp[pl.ds(i * 16, 16)]
        for p in range(HC):
            o3 = p * EPTP + i * 16
            zhm[pl.ds(o3, 16)] = (zhm[pl.ds(o3, 16)] *
                                  plsc.load_gather(invf, [dstv * HC + p]))
        return carry

    lax.fori_loop(0, EPTP // 16, wtrans, 0)

    def _fire_b(k, p):
        slot = k % 2
        base = k * CB
        for j in range(CB // 16):
            idxg[slot, pl.ds(j * 16, 16)] = (
                srcp[pl.ds(base + j * 16, 16)] * NSP + p)

        @pl.when(c == 0)
        def _():
            pltpu.async_copy(hA.at[idxg.at[slot]], gbuf.at[slot],
                             gsem.at[slot])

        @pl.when(c == 1)
        def _():
            pltpu.async_copy(hB.at[idxg.at[slot]], gbuf.at[slot],
                             gsem.at[slot])

    def _chunk_b(k, p):
        slot = k % 2
        pltpu.make_async_copy(hA.at[idxg.at[slot]], gbuf.at[slot],
                              gsem.at[slot]).wait()
        for j in range(CB // 16):
            idxb[slot, pl.ds(j * 16, 16)] = dstp[pl.ds(k * CB + j * 16, 16)]

        @pl.when(k >= 2)
        def _():
            pltpu.make_async_copy(sbuf.at[slot],
                                  acc_sp.at[idxb.at[slot]],
                                  ssem.at[slot]).wait()

        woff = (p // (HD // SW)) * EPTP + k * CB

        @plsc.parallel_loop(0, CB // 16, unroll=2)
        def grp_b(j):
            wv = zhm[pl.ds(woff + j * 16, 16)]
            for l in range(16):
                ee = j * 16 + l
                for q in range(SW // 16):
                    sbuf[slot, ee, pl.ds(q * 16, 16)] = (
                        gbuf[slot, ee, pl.ds(q * 16, 16)] * wv[l])
        pltpu.async_copy(sbuf.at[slot], acc_sp.at[idxb.at[slot]],
                         ssem.at[slot], add=True)

        @pl.when(k < NCHB - 2)
        def _():
            _fire_b(k + 2, p)

    def subpass(p, carry):
        def _prol_b(k, carry2):
            _fire_b(k, p)
            return carry2

        lax.fori_loop(0, 2, _prol_b, 0)

        def loop_b(k, carry2):
            _chunk_b(k, p)
            return carry2

        lax.fori_loop(0, NCHB, loop_b, 0)
        for slot in range(2):
            pltpu.make_async_copy(sbuf.at[slot], acc_sp.at[idxb.at[slot]],
                                  ssem.at[slot]).wait()
        plsc.subcore_barrier()

        @pl.when(c == 0)
        def _o0():
            pltpu.sync_copy(acc_sp.at[pl.ds(s * ROWS_PT, ROWS_PT)],
                            outA.at[p, pl.ds(s * ROWS_PT, ROWS_PT)])

            @pl.when(s == 0)
            def _ot0():
                pltpu.sync_copy(acc_sp.at[pl.ds(TAILOFF, TAIL)],
                                outA.at[p, pl.ds(TAILOFF, TAIL)])

        @pl.when(c == 1)
        def _o1():
            pltpu.sync_copy(acc_sp.at[pl.ds(s * ROWS_PT, ROWS_PT)],
                            outB.at[p, pl.ds(s * ROWS_PT, ROWS_PT)])

            @pl.when(s == 0)
            def _ot1():
                pltpu.sync_copy(acc_sp.at[pl.ds(TAILOFF, TAIL)],
                                outB.at[p, pl.ds(TAILOFF, TAIL)])

        plsc.subcore_barrier()
        _zero_acc()
        plsc.subcore_barrier()
        return carry

    lax.fori_loop(0, NSP, subpass, 0)


_sc_call = functools.partial(
    pl.kernel,
    _sc_body,
    out_type=(jax.ShapeDtypeStruct((NSP, N, SW), jnp.float32),) * 2,
    mesh=plsc.VectorSubcoreMesh(core_axis_name="c", subcore_axis_name="s"),
    compiler_params=pltpu.CompilerParams(use_tc_tiling_on_sc=False,
                                         needs_layout_passes=False),
    scratch_types=(
        pltpu.VMEM((EPTP,), jnp.int32),
        pltpu.VMEM((EPTP,), jnp.int32),
        pltpu.VMEM((2, CA, 16), jnp.float32),
        pltpu.VMEM((2, CA, 16), jnp.float32),
        pltpu.VMEM((2, CA, 16), jnp.float32),
        pltpu.VMEM((2 * HC, CA), jnp.int32),
        pltpu.VMEM((2, CB), jnp.int32),
        pltpu.VMEM((2, CB), jnp.int32),
        pltpu.VMEM((2, CB, SW), jnp.float32),
        pltpu.VMEM((2, CB, SW), jnp.float32),
        pltpu.VMEM((HC * EPTP,), jnp.float32),
        pltpu.VMEM((DPAD,), jnp.float32),
        pltpu.VMEM_SHARED((N, SW), jnp.float32),
        pltpu.VMEM_SHARED((DPAD,), jnp.float32),
        pltpu.SemaphoreType.DMA((2,)),
        pltpu.SemaphoreType.DMA((2,)),
    ),
)()



def kernel(x, edge_index, edge_weight, W, a_src, a_dst, edge_proj_w,
           edge_proj_b, bias):
    src = edge_index[0]
    dst = edge_index[1]

    W2 = W.transpose(1, 0, 2).reshape(D, H * HD)
    hidx = jnp.arange(H * HD)
    As = jnp.zeros((H * HD, H), jnp.float32).at[hidx, hidx // HD].set(
        a_src[:, :, 0].reshape(-1))
    Ad = jnp.zeros((H * HD, H), jnp.float32).at[hidx, hidx // HD].set(
        a_dst[:, :, 0].reshape(-1))

    BLK = 1000
    hA, hB, asp, adp = pl.pallas_call(
        _proj_body,
        grid=(N // BLK,),
        in_specs=[
            pl.BlockSpec((BLK, D), lambda i: (i, 0)),
            pl.BlockSpec((D, H * HD), lambda i: (0, 0)),
            pl.BlockSpec((H * HD, H), lambda i: (0, 0)),
            pl.BlockSpec((H * HD, H), lambda i: (0, 0)),
        ],
        out_specs=[
            pl.BlockSpec((BLK, HC * HD), lambda i: (i, 0)),
            pl.BlockSpec((BLK, HC * HD), lambda i: (i, 0)),
            pl.BlockSpec((BLK, 16), lambda i: (i, 0)),
            pl.BlockSpec((BLK, 16), lambda i: (i, 0)),
        ],
        out_shape=[
            jax.ShapeDtypeStruct((N, HC * HD), jnp.float32),
            jax.ShapeDtypeStruct((N, HC * HD), jnp.float32),
            jax.ShapeDtypeStruct((N, 16), jnp.float32),
            jax.ShapeDtypeStruct((N, 16), jnp.float32),
        ],
    )(x, W2, As, Ad)

    pw_p = jnp.concatenate([edge_proj_w.reshape(1, H),
                            jnp.zeros((1, 16 - H), jnp.float32)], axis=1)
    pb_p = jnp.concatenate([edge_proj_b.reshape(1, H),
                            jnp.zeros((1, 16 - H), jnp.float32)], axis=1)
    infl_p = pl.pallas_call(
        _infl_body,
        grid=(NS,),
        in_specs=[
            pl.BlockSpec((EPT, 1), lambda i: (i, 0)),
            pl.BlockSpec((1, 16), lambda i: (0, 0)),
            pl.BlockSpec((1, 16), lambda i: (0, 0)),
        ],
        out_specs=pl.BlockSpec((EPTP, 16), lambda i: (i, 0)),
        out_shape=jax.ShapeDtypeStruct((EP, 16), jnp.float32),
    )(edge_weight.reshape(E, 1), pw_p, pb_p)

    padn = EPTP - EPT
    src_p = jnp.concatenate(
        [src.reshape(NS, EPT), jnp.zeros((NS, padn), jnp.int32)],
        axis=1).reshape(-1)
    dst_p = jnp.concatenate(
        [dst.reshape(NS, EPT), jnp.zeros((NS, padn), jnp.int32)],
        axis=1).reshape(-1)

    hA = hA.reshape(N * NSP, SW)
    hB = hB.reshape(N * NSP, SW)
    zrows = jnp.zeros((ROWS_PT, SW), jnp.float32)
    zflat = jnp.zeros((DLEN,), jnp.float32)
    oA, oB = _sc_call(hA, hB, asp, adp, infl_p, src_p, dst_p, zrows, zflat)
    out = jnp.concatenate(
        [oA.transpose(1, 0, 2).reshape(N, HC * HD),
         oB.transpose(1, 0, 2).reshape(N, HC * HD)], axis=1)
    return out + bias

# --- scband reference (transcript-rebuilt; emitter-appended) ---
"""Pipeline reference for scband-enhanced-correlation-gnn-47605417508977 (READ-ONLY COPY).

The authoritative reference and input builder live on the scoring server;
editing this copy changes nothing except your own understanding.
"""

import jax, jax.numpy as jnp
import numpy as np

N = 10000
E = 160000
D = 256
H = 8
HD = D // H  # 32, concat=True so head_dim = out_features // num_heads
ALPHA = 0.2


def setup_inputs(seed: int = 0) -> dict:
    key = jax.random.key(seed)
    ks = jax.random.split(key, 9)
    x = jax.random.normal(ks[0], (N, D), dtype=jnp.float32)
    edge_index = jax.random.randint(ks[1], (2, E), 0, N, dtype=jnp.int32)
    edge_weight = jax.random.uniform(ks[2], (E,), dtype=jnp.float32)
    # learned parameters (xavier-ish scale)
    W = jax.random.normal(ks[3], (H, D, HD), dtype=jnp.float32) * 0.05
    a_src = jax.random.normal(ks[4], (H, HD, 1), dtype=jnp.float32) * 0.1
    a_dst = jax.random.normal(ks[5], (H, HD, 1), dtype=jnp.float32) * 0.1
    edge_proj_w = jax.random.normal(ks[6], (1, H), dtype=jnp.float32) * 0.1
    edge_proj_b = jnp.zeros((H,), dtype=jnp.float32)
    bias = jnp.zeros((D,), dtype=jnp.float32)
    return {
        "x": x,
        "edge_index": edge_index,
        "edge_weight": edge_weight,
        "W": W,
        "a_src": a_src,
        "a_dst": a_dst,
        "edge_proj_w": edge_proj_w,
        "edge_proj_b": edge_proj_b,
        "bias": bias,
    }


def reference(x, edge_index, edge_weight, W, a_src, a_dst, edge_proj_w, edge_proj_b, bias):
    src = edge_index[0]
    dst = edge_index[1]
    # per-head linear projection: h[n,h,o]
    h = jnp.einsum('ni,hio->nho', x, W)
    # attention logits per node per head
    attn_src = jnp.einsum('nho,hoi->nhi', h, a_src)[..., 0]  # [N, H]
    attn_dst = jnp.einsum('nho,hoi->nhi', h, a_dst)[..., 0]  # [N, H]
    e = attn_src[src] + attn_dst[dst]  # [E, H]
    e = jax.nn.leaky_relu(e, negative_slope=ALPHA)
    # edge feature influence: Linear(1 -> H)
    edge_influence = edge_weight[:, None] @ edge_proj_w + edge_proj_b  # [E, H]
    e = e + edge_influence
    # sparse softmax grouped by dst
    e_max = jax.ops.segment_max(e, dst, num_segments=N)  # [N, H]
    e_max = jnp.where(jnp.isfinite(e_max), e_max, 0.0)
    e_exp = jnp.exp(e - e_max[dst])
    denom = jax.ops.segment_sum(e_exp, dst, num_segments=N)  # [N, H]
    attn = e_exp / (denom[dst] + 1e-16)  # [E, H]
    # weighted message aggregation (scatter-add by dst)
    messages = h[src] * attn[:, :, None]  # [E, H, HD]
    out = jax.ops.segment_sum(messages, dst, num_segments=N)  # [N, H, HD]
    out = out.reshape(N, H * HD) + bias  # concat heads
    return out

if __name__ == "__main__":
    import jax
    _d = setup_inputs()
    print(jax.jit(kernel)(*tuple(_d.values())))

</pallas_src>

<mosaic_0001>
#map = affine_map<(d0, d1) -> (0, 0)>
#map1 = affine_map<(d0, d1) -> (0)>
#map2 = affine_map<(d0, d1) -> (0, 0, 0)>
module attributes {stable_mosaic.version = 14 : i64} {
  func.func @_sc_body(%arg0: i32, %arg1: i32, %arg2: memref<80000x16xf32, #tpu.memory_space<hbm>>, %arg3: memref<80000x16xf32, #tpu.memory_space<hbm>>, %arg4: memref<10000x16xf32, #tpu.memory_space<hbm>>, %arg5: memref<10000x16xf32, #tpu.memory_space<hbm>>, %arg6: memref<161280x16xf32, #tpu.memory_space<hbm>>, %arg7: memref<161280xi32, #tpu.memory_space<hbm>>, %arg8: memref<161280xi32, #tpu.memory_space<hbm>>, %arg9: memref<624x16xf32, #tpu.memory_space<hbm>>, %arg10: memref<2560xf32, #tpu.memory_space<hbm>>, %arg11: memref<8x10000x16xf32, #tpu.memory_space<hbm>>, %arg12: memref<8x10000x16xf32, #tpu.memory_space<hbm>>, %arg13: memref<10080xi32, #tpu.memory_space<vmem>>, %arg14: memref<10080xi32, #tpu.memory_space<vmem>>, %arg15: memref<2x80x16xf32, #tpu.memory_space<vmem>>, %arg16: memref<2x80x16xf32, #tpu.memory_space<vmem>>, %arg17: memref<2x80x16xf32, #tpu.memory_space<vmem>>, %arg18: memref<8x80xi32, #tpu.memory_space<vmem>>, %arg19: memref<2x112xi32, #tpu.memory_space<vmem>>, %arg20: memref<2x112xi32, #tpu.memory_space<vmem>>, %arg21: memref<2x112x16xf32, #tpu.memory_space<vmem>>, %arg22: memref<2x112x16xf32, #tpu.memory_space<vmem>>, %arg23: memref<40320xf32, #tpu.memory_space<vmem>>, %arg24: memref<40960xf32, #tpu.memory_space<vmem>>, %arg25: memref<10000x16xf32, #tpu.memory_space<vmem_shared>>, %arg26: memref<40960xf32, #tpu.memory_space<vmem_shared>>, %arg27: memref<2x!tpu.dma_semaphore, #tpu.memory_space<semaphore_mem>>, %arg28: memref<2x!tpu.dma_semaphore, #tpu.memory_space<semaphore_mem>>) attributes {dimension_semantics = [#tpu.dimension_semantics<core_parallel>, #tpu.dimension_semantics<subcore_parallel>], iteration_bounds = array<i64: 2, 16>, scalar_prefetch = 0 : i64, scratch_operands = 16 : i64, tpu.core_type = #tpu.core_type<sc_vector_subcore>, window_params = [{transform_indices = #map}, {transform_indices = #map}, {transform_indices = #map}, {transform_indices = #map}, {transform_indices = #map}, {transform_indices = #map1}, {transform_indices = #map1}, {transform_indices = #map}, {transform_indices = #map1}, {transform_indices = #map2}, {transform_indices = #map2}]} {
    %iota3A = tpu.iota {dimensions = array<i32: 0>} : vector<16xi32>
    %broadcast_in_dim3A = arith.constant 0 : i32
    %broadcast_in_dim3A_0 = vector.broadcast %broadcast_in_dim3A : i32 to vector<16xi32>
    %mul3A = arith.constant 624 : i32
    %mul3A_1 = arith.muli %arg1, %mul3A : i32
    "tpu.region"() ({
      %run_scoped3A = tpu.sem_alloc : memref<!tpu.dma_semaphore, #tpu.memory_space<semaphore_mem>>
      %dma_start3A = arith.constant 0 : i32
      %dma_start3A_140 = tpu.memref_slice %arg25[%mul3A_1, %dma_start3A] : memref<10000x16xf32, #tpu.memory_space<vmem_shared>> -> memref<624x16xf32, #tpu.memory_space<vmem_shared>>
      tpu.enqueue_dma source(%arg9 : memref<624x16xf32, #tpu.memory_space<hbm>>) target(%dma_start3A_140 : memref<624x16xf32, #tpu.memory_space<vmem_shared>>) target_semaphore(%run_scoped3A : memref<!tpu.dma_semaphore, #tpu.memory_space<semaphore_mem>>)
      %dma_wait3A_141 = arith.constant 0 : i32
      %dma_wait3A_142 = tpu.memref_slice %arg25[%mul3A_1, %dma_wait3A_141] : memref<10000x16xf32, #tpu.memory_space<vmem_shared>> -> memref<624x16xf32, #tpu.memory_space<vmem_shared>>
      tpu.wait_dma2 semaphore(%run_scoped3A : memref<!tpu.dma_semaphore, #tpu.memory_space<semaphore_mem>>) src(%arg9 : memref<624x16xf32, #tpu.memory_space<hbm>>) dst(%dma_wait3A_142 : memref<624x16xf32, #tpu.memory_space<vmem_shared>>)
      tpu.yield
    }) : () -> ()
    %eq3A = arith.constant 0 : i32
    %eq3A_2 = arith.cmpi eq, %arg1, %eq3A : i32
    %convert_element_type3A = arith.extui %eq3A_2 : i1 to i32
    %cond3A = arith.constant 0 : i32
    %cond3A_3 = arith.cmpi ne, %convert_element_type3A, %cond3A : i32
    scf.if %cond3A_3 {
      "tpu.region"() ({
        %run_scoped3A = tpu.sem_alloc : memref<!tpu.dma_semaphore, #tpu.memory_space<semaphore_mem>>
        %dma_start3A = arith.constant 9984 : i32
        %dma_start3A_140 = arith.constant 0 : i32
        %dma_start3A_141 = tpu.memref_slice %arg25[%dma_start3A, %dma_start3A_140] : memref<10000x16xf32, #tpu.memory_space<vmem_shared>> -> memref<16x16xf32, #tpu.memory_space<vmem_shared>>
        %dma_start3A_142 = arith.constant 0 : i32
        %dma_start3A_143 = arith.constant 0 : i32
        %dma_start3A_144 = tpu.memref_slice %arg9[%dma_start3A_142, %dma_start3A_143] : memref<624x16xf32, #tpu.memory_space<hbm>> -> memref<16x16xf32, #tpu.memory_space<hbm>>
        tpu.enqueue_dma source(%dma_start3A_144 : memref<16x16xf32, #tpu.memory_space<hbm>>) target(%dma_start3A_141 : memref<16x16xf32, #tpu.memory_space<vmem_shared>>) target_semaphore(%run_scoped3A : memref<!tpu.dma_semaphore, #tpu.memory_space<semaphore_mem>>)
        %dma_wait3A_145 = arith.constant 9984 : i32
        %dma_wait3A_146 = arith.constant 0 : i32
        %dma_wait3A_147 = tpu.memref_slice %arg25[%dma_wait3A_145, %dma_wait3A_146] : memref<10000x16xf32, #tpu.memory_space<vmem_shared>> -> memref<16x16xf32, #tpu.memory_space<vmem_shared>>
        %dma_wait3A_148 = arith.constant 0 : i32
        %dma_wait3A_149 = arith.constant 0 : i32
        %dma_wait3A_150 = tpu.memref_slice %arg9[%dma_wait3A_148, %dma_wait3A_149] : memref<624x16xf32, #tpu.memory_space<hbm>> -> memref<16x16xf32, #tpu.memory_space<hbm>>
        tpu.wait_dma2 semaphore(%run_scoped3A : memref<!tpu.dma_semaphore, #tpu.memory_space<semaphore_mem>>) src(%dma_wait3A_150 : memref<16x16xf32, #tpu.memory_space<hbm>>) dst(%dma_wait3A_147 : memref<16x16xf32, #tpu.memory_space<vmem_shared>>)
        tpu.yield
      }) : () -> ()
    } else {
    }
    %mul3A_4 = arith.constant 2560 : i32
    %mul3A_5 = arith.muli %arg1, %mul3A_4 : i32
    "tpu.region"() ({
      %run_scoped3A = tpu.sem_alloc : memref<!tpu.dma_semaphore, #tpu.memory_space<semaphore_mem>>
      %dma_start3A = tpu.memref_slice %arg26[%mul3A_5] : memref<40960xf32, #tpu.memory_space<vmem_shared>> -> memref<2560xf32, #tpu.memory_space<vmem_shared>>
      tpu.enqueue_dma source(%arg10 : memref<2560xf32, #tpu.memory_space<hbm>>) target(%dma_start3A : memref<2560xf32, #tpu.memory_space<vmem_shared>>) target_semaphore(%run_scoped3A : memref<!tpu.dma_semaphore, #tpu.memory_space<semaphore_mem>>)
      %dma_wait3A_140 = tpu.memref_slice %arg26[%mul3A_5] : memref<40960xf32, #tpu.memory_space<vmem_shared>> -> memref<2560xf32, #tpu.memory_space<vmem_shared>>
      tpu.wait_dma2 semaphore(%run_scoped3A : memref<!tpu.dma_semaphore, #tpu.memory_space<semaphore_mem>>) src(%arg10 : memref<2560xf32, #tpu.memory_space<hbm>>) dst(%dma_wait3A_140 : memref<2560xf32, #tpu.memory_space<vmem_shared>>)
      tpu.yield
    }) : () -> ()
    %mul3A_6 = arith.constant 10080 : i32
    %mul3A_7 = arith.muli %arg1, %mul3A_6 : i32
    "tpu.region"() ({
      %run_scoped3A = tpu.sem_alloc : memref<!tpu.dma_semaphore, #tpu.memory_space<semaphore_mem>>
      %dma_start3A = tpu.memref_slice %arg7[%mul3A_7] : memref<161280xi32, #tpu.memory_space<hbm>> -> memref<10080xi32, #tpu.memory_space<hbm>>
      %dma_start3A_140 = tpu.memref_slice %arg7[%mul3A_7] : memref<161280xi32, #tpu.memory_space<hbm>> -> memref<10080xi32, #tpu.memory_space<hbm>>
      tpu.enqueue_dma source(%dma_start3A_140 : memref<10080xi32, #tpu.memory_space<hbm>>) target(%arg13 : memref<10080xi32, #tpu.memory_space<vmem>>) target_semaphore(%run_scoped3A : memref<!tpu.dma_semaphore, #tpu.memory_space<semaphore_mem>>)
      %dma_wait3A_141 = tpu.memref_slice %arg7[%mul3A_7] : memref<161280xi32, #tpu.memory_space<hbm>> -> memref<10080xi32, #tpu.memory_space<hbm>>
      %dma_wait3A_142 = tpu.memref_slice %arg7[%mul3A_7] : memref<161280xi32, #tpu.memory_space<hbm>> -> memref<10080xi32, #tpu.memory_space<hbm>>
      tpu.wait_dma2 semaphore(%run_scoped3A : memref<!tpu.dma_semaphore, #tpu.memory_space<semaphore_mem>>) src(%dma_wait3A_142 : memref<10080xi32, #tpu.memory_space<hbm>>) dst(%arg13 : memref<10080xi32, #tpu.memory_space<vmem>>)
      tpu.yield
    }) : () -> ()
    %mul3A_8 = arith.constant 10080 : i32
    %mul3A_9 = arith.muli %arg1, %mul3A_8 : i32
    "tpu.region"() ({
      %run_scoped3A = tpu.sem_alloc : memref<!tpu.dma_semaphore, #tpu.memory_space<semaphore_mem>>
      %dma_start3A = tpu.memref_slice %arg8[%mul3A_9] : memref<161280xi32, #tpu.memory_space<hbm>> -> memref<10080xi32, #tpu.memory_space<hbm>>
      %dma_start3A_140 = tpu.memref_slice %arg8[%mul3A_9] : memref<161280xi32, #tpu.memory_space<hbm>> -> memref<10080xi32, #tpu.memory_space<hbm>>
      tpu.enqueue_dma source(%dma_start3A_140 : memref<10080xi32, #tpu.memory_space<hbm>>) target(%arg14 : memref<10080xi32, #tpu.memory_space<vmem>>) target_semaphore(%run_scoped3A : memref<!tpu.dma_semaphore, #tpu.memory_space<semaphore_mem>>)
      %dma_wait3A_141 = tpu.memref_slice %arg8[%mul3A_9] : memref<161280xi32, #tpu.memory_space<hbm>> -> memref<10080xi32, #tpu.memory_space<hbm>>
      %dma_wait3A_142 = tpu.memref_slice %arg8[%mul3A_9] : memref<161280xi32, #tpu.memory_space<hbm>> -> memref<10080xi32, #tpu.memory_space<hbm>>
      tpu.wait_dma2 semaphore(%run_scoped3A : memref<!tpu.dma_semaphore, #tpu.memory_space<semaphore_mem>>) src(%dma_wait3A_142 : memref<10080xi32, #tpu.memory_space<hbm>>) dst(%arg14 : memref<10080xi32, #tpu.memory_space<vmem>>)
      tpu.yield
    }) : () -> ()
    %barrier3A = arith.constant 0 : index
    tpu.barrier barrier_id(%barrier3A)
    %mul3A_10 = arith.constant 4 : i32
    %mul3A_11 = arith.muli %arg0, %mul3A_10 : i32
    %ge3A = vector.broadcast %mul3A_11 : i32 to vector<16xi32>
    %ge3A_12 = arith.cmpi sge, %iota3A, %ge3A : vector<16xi32>
    %mul3A_13 = arith.constant 4 : i32
    %mul3A_14 = arith.muli %arg0, %mul3A_13 : i32
    %add3A = arith.constant 4 : i32
    %add3A_15 = arith.addi %mul3A_14, %add3A : i32
    %lt3A = vector.broadcast %add3A_15 : i32 to vector<16xi32>
    %lt3A_16 = arith.cmpi slt, %iota3A, %lt3A : vector<16xi32>
    %and3A = arith.andi %ge3A_12, %lt3A_16 : vector<16xi1>
    %mul3A_17 = arith.constant 4 : i32
    %mul3A_18 = arith.muli %arg0, %mul3A_17 : i32
    %sub3A = vector.broadcast %mul3A_18 : i32 to vector<16xi32>
    %sub3A_19 = arith.subi %iota3A, %sub3A : vector<16xi32>
    %scan3A = arith.constant 0 : i32
    %scan3A_20 = arith.constant 0 : i32
    %scan3A_21 = arith.constant 2 : i32
    %scan3A_22 = arith.addi %scan3A_20, %scan3A_21 : i32
    %scan3A_23 = arith.constant 1 : i32
    scf.for %scan3A_140 = %scan3A_20 to %scan3A_22 step %scan3A_23  : i32 {
      %jit3A = arith.constant 2 : i32
      %eq3A_141 = arith.constant 0 : i32
      %eq3A_142 = arith.cmpi eq, %jit3A, %eq3A_141 : i32
      %jit3A_143 = arith.constant 1 : i32
      %select_n3A = arith.select %eq3A_142, %jit3A_143, %jit3A : i32
      %rem3A = arith.remsi %scan3A_140, %select_n3A : i32
      %ne3A = arith.constant 0 : i32
      %ne3A_144 = arith.cmpi ne, %rem3A, %ne3A : i32
      %lt3A_145 = arith.constant 0 : i32
      %lt3A_146 = arith.cmpi slt, %rem3A, %lt3A_145 : i32
      %lt3A_147 = arith.constant 0 : i32
      %lt3A_148 = arith.cmpi slt, %select_n3A, %lt3A_147 : i32
      %ne3A_149 = arith.xori %lt3A_146, %lt3A_148 : i1
      %and3A_150 = arith.andi %ne3A_149, %ne3A_144 : i1
      %add3A_151 = arith.addi %rem3A, %select_n3A : i32
      %select_n3A_152 = arith.select %and3A_150, %add3A_151, %rem3A : i32
      %mul3A_153 = arith.constant 80 : i32
      %mul3A_154 = arith.muli %scan3A_140, %mul3A_153 : i32
      %dma_start3A = arith.constant 0 : i32
      %dma_start3A_155 = arith.constant 0 : i32
      %dma_start3A_156 = tpu.memref_slice %arg15[%select_n3A_152, %dma_start3A, %dma_start3A_155] : memref<2x80x16xf32, #tpu.memory_space<vmem>> -> memref<1x80x16xf32, #tpu.memory_space<vmem>>
      %dma_start3A_157 = tpu.memref_squeeze %dma_start3A_156 : memref<1x80x16xf32, #tpu.memory_space<vmem>> -> memref<80x16xf32, #tpu.memory_space<vmem>>
      %dma_start3A_158 = tpu.memref_slice %arg13[%mul3A_154] : memref<10080xi32, #tpu.memory_space<vmem>> -> memref<80xi32, #tpu.memory_space<vmem>>
      %dma_start3A_159 = arith.constant 0 : i32
      %dma_start3A_160 = arith.constant 0 : i32
      %dma_start3A_161 = tpu.memref_slice %arg4[%dma_start3A_159, %dma_start3A_160] : memref<10000x16xf32, #tpu.memory_space<hbm>> -> memref<10000x16xf32, #tpu.memory_space<hbm>>
      %dma_start3A_162 = tpu.memref_slice %arg27[%select_n3A_152] : memref<2x!tpu.dma_semaphore, #tpu.memory_space<semaphore_mem>> -> memref<1x!tpu.dma_semaphore, #tpu.memory_space<semaphore_mem>>
      %dma_start3A_163 = tpu.memref_squeeze %dma_start3A_162 : memref<1x!tpu.dma_semaphore, #tpu.memory_space<semaphore_mem>> -> memref<!tpu.dma_semaphore, #tpu.memory_space<semaphore_mem>>
      tpu.enqueue_indirect_dma source(%dma_start3A_161 : memref<10000x16xf32, #tpu.memory_space<hbm>>) target(%dma_start3A_157 : memref<80x16xf32, #tpu.memory_space<vmem>>) offsets(%dma_start3A_158 : memref<80xi32, #tpu.memory_space<vmem>>) semaphore(%dma_start3A_163 : memref<!tpu.dma_semaphore, #tpu.memory_space<semaphore_mem>>)
      %mul3A_164 = arith.constant 80 : i32
      %mul3A_165 = arith.muli %scan3A_140, %mul3A_164 : i32
      %dma_start3A_166 = arith.constant 0 : i32
      %dma_start3A_167 = arith.constant 0 : i32
      %dma_start3A_168 = tpu.memref_slice %arg16[%select_n3A_152, %dma_start3A_166, %dma_start3A_167] : memref<2x80x16xf32, #tpu.memory_space<vmem>> -> memref<1x80x16xf32, #tpu.memory_space<vmem>>
      %dma_start3A_169 = tpu.memref_squeeze %dma_start3A_168 : memref<1x80x16xf32, #tpu.memory_space<vmem>> -> memref<80x16xf32, #tpu.memory_space<vmem>>
      %dma_start3A_170 = tpu.memref_slice %arg14[%mul3A_165] : memref<10080xi32, #tpu.memory_space<vmem>> -> memref<80xi32, #tpu.memory_space<vmem>>
      %dma_start3A_171 = arith.constant 0 : i32
      %dma_start3A_172 = arith.constant 0 : i32
      %dma_start3A_173 = tpu.memref_slice %arg5[%dma_start3A_171, %dma_start3A_172] : memref<10000x16xf32, #tpu.memory_space<hbm>> -> memref<10000x16xf32, #tpu.memory_space<hbm>>
      %dma_start3A_174 = tpu.memref_slice %arg27[%select_n3A_152] : memref<2x!tpu.dma_semaphore, #tpu.memory_space<semaphore_mem>> -> memref<1x!tpu.dma_semaphore, #tpu.memory_space<semaphore_mem>>
      %dma_start3A_175 = tpu.memref_squeeze %dma_start3A_174 : memref<1x!tpu.dma_semaphore, #tpu.memory_space<semaphore_mem>> -> memref<!tpu.dma_semaphore, #tpu.memory_space<semaphore_mem>>
      tpu.enqueue_indirect_dma source(%dma_start3A_173 : memref<10000x16xf32, #tpu.memory_space<hbm>>) target(%dma_start3A_169 : memref<80x16xf32, #tpu.memory_space<vmem>>) offsets(%dma_start3A_170 : memref<80xi32, #tpu.memory_space<vmem>>) semaphore(%dma_start3A_175 : memref<!tpu.dma_semaphore, #tpu.memory_space<semaphore_mem>>)
      %mul3A_176 = arith.constant 10080 : i32
      %mul3A_177 = arith.muli %arg1, %mul3A_176 : i32
      %mul3A_178 = arith.constant 80 : i32
      %mul3A_179 = arith.muli %scan3A_140, %mul3A_178 : i32
      %add3A_180 = arith.addi %mul3A_177, %mul3A_179 : i32
      %dma_start3A_181 = arith.constant 0 : i32
      %dma_start3A_182 = arith.constant 0 : i32
      %dma_start3A_183 = tpu.memref_slice %arg17[%select_n3A_152, %dma_start3A_181, %dma_start3A_182] : memref<2x80x16xf32, #tpu.memory_space<vmem>> -> memref<1x80x16xf32, #tpu.memory_space<vmem>>
      %dma_start3A_184 = tpu.memref_squeeze %dma_start3A_183 : memref<1x80x16xf32, #tpu.memory_space<vmem>> -> memref<80x16xf32, #tpu.memory_space<vmem>>
      %dma_start3A_185 = arith.constant 0 : i32
      %dma_start3A_186 = tpu.memref_slice %arg6[%add3A_180, %dma_start3A_185] : memref<161280x16xf32, #tpu.memory_space<hbm>> -> memref<80x16xf32, #tpu.memory_space<hbm>>
      %dma_start3A_187 = tpu.memref_slice %arg27[%select_n3A_152] : memref<2x!tpu.dma_semaphore, #tpu.memory_space<semaphore_mem>> -> memref<1x!tpu.dma_semaphore, #tpu.memory_space<semaphore_mem>>
      %dma_start3A_188 = tpu.memref_squeeze %dma_start3A_187 : memref<1x!tpu.dma_semaphore, #tpu.memory_space<semaphore_mem>> -> memref<!tpu.dma_semaphore, #tpu.memory_space<semaphore_mem>>
      %dma_start3A_189 = arith.constant 0 : i32
      %dma_start3A_190 = arith.constant 0 : i32
      %dma_start3A_191 = tpu.memref_slice %arg17[%select_n3A_152, %dma_start3A_189, %dma_start3A_190] : memref<2x80x16xf32, #tpu.memory_space<vmem>> -> memref<1x80x16xf32, #tpu.memory_space<vmem>>
      %dma_start3A_192 = tpu.memref_squeeze %dma_start3A_191 : memref<1x80x16xf32, #tpu.memory_space<vmem>> -> memref<80x16xf32, #tpu.memory_space<vmem>>
      %dma_start3A_193 = arith.constant 0 : i32
      %dma_start3A_194 = tpu.memref_slice %arg6[%add3A_180, %dma_start3A_193] : memref<161280x16xf32, #tpu.memory_space<hbm>> -> memref<80x16xf32, #tpu.memory_space<hbm>>
      tpu.enqueue_dma source(%dma_start3A_194 : memref<80x16xf32, #tpu.memory_space<hbm>>) target(%dma_start3A_192 : memref<80x16xf32, #tpu.memory_space<vmem>>) target_semaphore(%dma_start3A_188 : memref<!tpu.dma_semaphore, #tpu.memory_space<semaphore_mem>>)
    }
    %scan3A_24 = arith.constant 2 : i32
    %scan3A_25 = arith.constant 0 : i32
    %scan3A_26 = arith.constant 0 : i32
    %scan3A_27 = arith.constant 126 : i32
    %scan3A_28 = arith.addi %scan3A_26, %scan3A_27 : i32
    %scan3A_29 = arith.constant 1 : i32
    scf.for %scan3A_140 = %scan3A_26 to %scan3A_28 step %scan3A_29  : i32 {
      %jit3A = arith.constant 2 : i32
      %eq3A_141 = arith.constant 0 : i32
      %eq3A_142 = arith.cmpi eq, %jit3A, %eq3A_141 : i32
      %jit3A_143 = arith.constant 1 : i32
      %select_n3A = arith.select %eq3A_142, %jit3A_143, %jit3A : i32
      %rem3A = arith.remsi %scan3A_140, %select_n3A : i32
      %ne3A = arith.constant 0 : i32
      %ne3A_144 = arith.cmpi ne, %rem3A, %ne3A : i32
      %lt3A_145 = arith.constant 0 : i32
      %lt3A_146 = arith.cmpi slt, %rem3A, %lt3A_145 : i32
      %lt3A_147 = arith.constant 0 : i32
      %lt3A_148 = arith.cmpi slt, %select_n3A, %lt3A_147 : i32
      %ne3A_149 = arith.xori %lt3A_146, %lt3A_148 : i1
      %and3A_150 = arith.andi %ne3A_149, %ne3A_144 : i1
      %add3A_151 = arith.addi %rem3A, %select_n3A : i32
      %select_n3A_152 = arith.select %and3A_150, %add3A_151, %rem3A : i32
      %dma_wait3A_153 = arith.constant 0 : i32
      %dma_wait3A_154 = arith.constant 0 : i32
      %dma_wait3A_155 = tpu.memref_slice %arg15[%select_n3A_152, %dma_wait3A_153, %dma_wait3A_154] : memref<2x80x16xf32, #tpu.memory_space<vmem>> -> memref<1x80x16xf32, #tpu.memory_space<vmem>>
      %dma_wait3A_156 = tpu.memref_squeeze %dma_wait3A_155 : memref<1x80x16xf32, #tpu.memory_space<vmem>> -> memref<80x16xf32, #tpu.memory_space<vmem>>
      %dma_wait3A_157 = arith.constant 0 : i32
      %dma_wait3A_158 = tpu.memref_slice %arg13[%dma_wait3A_157] : memref<10080xi32, #tpu.memory_space<vmem>> -> memref<80xi32, #tpu.memory_space<vmem>>
      %dma_wait3A_159 = arith.constant 0 : i32
      %dma_wait3A_160 = arith.constant 0 : i32
      %dma_wait3A_161 = tpu.memref_slice %arg4[%dma_wait3A_159, %dma_wait3A_160] : memref<10000x16xf32, #tpu.memory_space<hbm>> -> memref<10000x16xf32, #tpu.memory_space<hbm>>
      %dma_wait3A_162 = tpu.memref_slice %arg27[%select_n3A_152] : memref<2x!tpu.dma_semaphore, #tpu.memory_space<semaphore_mem>> -> memref<1x!tpu.dma_semaphore, #tpu.memory_space<semaphore_mem>>
      %dma_wait3A_163 = tpu.memref_squeeze %dma_wait3A_162 : memref<1x!tpu.dma_semaphore, #tpu.memory_space<semaphore_mem>> -> memref<!tpu.dma_semaphore, #tpu.memory_space<semaphore_mem>>
      tpu.wait_indirect_dma semaphore(%dma_wait3A_163 : memref<!tpu.dma_semaphore, #tpu.memory_space<semaphore_mem>>) src(%dma_wait3A_161 : memref<10000x16xf32, #tpu.memory_space<hbm>>) dst(%dma_wait3A_156 : memref<80x16xf32, #tpu.memory_space<vmem>>)
      %dma_wait3A_164 = arith.constant 0 : i32
      %dma_wait3A_165 = arith.constant 0 : i32
      %dma_wait3A_166 = tpu.memref_slice %arg16[%select_n3A_152, %dma_wait3A_164, %dma_wait3A_165] : memref<2x80x16xf32, #tpu.memory_space<vmem>> -> memref<1x80x16xf32, #tpu.memory_space<vmem>>
      %dma_wait3A_167 = tpu.memref_squeeze %dma_wait3A_166 : memref<1x80x16xf32, #tpu.memory_space<vmem>> -> memref<80x16xf32, #tpu.memory_space<vmem>>
      %dma_wait3A_168 = arith.constant 0 : i32
      %dma_wait3A_169 = tpu.memref_slice %arg14[%dma_wait3A_168] : memref<10080xi32, #tpu.memory_space<vmem>> -> memref<80xi32, #tpu.memory_space<vmem>>
      %dma_wait3A_170 = arith.constant 0 : i32
      %dma_wait3A_171 = arith.constant 0 : i32
      %dma_wait3A_172 = tpu.memref_slice %arg5[%dma_wait3A_170, %dma_wait3A_171] : memref<10000x16xf32, #tpu.memory_space<hbm>> -> memref<10000x16xf32, #tpu.memory_space<hbm>>
      %dma_wait3A_173 = tpu.memref_slice %arg27[%select_n3A_152] : memref<2x!tpu.dma_semaphore, #tpu.memory_space<semaphore_mem>> -> memref<1x!tpu.dma_semaphore, #tpu.memory_space<semaphore_mem>>
      %dma_wait3A_174 = tpu.memref_squeeze %dma_wait3A_173 : memref<1x!tpu.dma_semaphore, #tpu.memory_space<semaphore_mem>> -> memref<!tpu.dma_semaphore, #tpu.memory_space<semaphore_mem>>
      tpu.wait_indirect_dma semaphore(%dma_wait3A_174 : memref<!tpu.dma_semaphore, #tpu.memory_space<semaphore_mem>>) src(%dma_wait3A_172 : memref<10000x16xf32, #tpu.memory_space<hbm>>) dst(%dma_wait3A_167 : memref<80x16xf32, #tpu.memory_space<vmem>>)
      %dma_wait3A_175 = arith.constant 0 : i32
      %dma_wait3A_176 = arith.constant 0 : i32
      %dma_wait3A_177 = tpu.memref_slice %arg17[%select_n3A_152, %dma_wait3A_175, %dma_wait3A_176] : memref<2x80x16xf32, #tpu.memory_space<vmem>> -> memref<1x80x16xf32, #tpu.memory_space<vmem>>
      %dma_wait3A_178 = tpu.memref_squeeze %dma_wait3A_177 : memref<1x80x16xf32, #tpu.memory_space<vmem>> -> memref<80x16xf32, #tpu.memory_space<vmem>>
      %dma_wait3A_179 = arith.constant 0 : i32
      %dma_wait3A_180 = arith.constant 0 : i32
      %dma_wait3A_181 = tpu.memref_slice %arg6[%dma_wait3A_179, %dma_wait3A_180] : memref<161280x16xf32, #tpu.memory_space<hbm>> -> memref<80x16xf32, #tpu.memory_space<hbm>>
      %dma_wait3A_182 = tpu.memref_slice %arg27[%select_n3A_152] : memref<2x!tpu.dma_semaphore, #tpu.memory_space<semaphore_mem>> -> memref<1x!tpu.dma_semaphore, #tpu.memory_space<semaphore_mem>>
      %dma_wait3A_183 = tpu.memref_squeeze %dma_wait3A_182 : memref<1x!tpu.dma_semaphore, #tpu.memory_space<semaphore_mem>> -> memref<!tpu.dma_semaphore, #tpu.memory_space<semaphore_mem>>
      %dma_wait3A_184 = arith.constant 0 : i32
      %dma_wait3A_185 = arith.constant 0 : i32
      %dma_wait3A_186 = tpu.memref_slice %arg17[%select_n3A_152, %dma_wait3A_184, %dma_wait3A_185] : memref<2x80x16xf32, #tpu.memory_space<vmem>> -> memref<1x80x16xf32, #tpu.memory_space<vmem>>
      %dma_wait3A_187 = tpu.memref_squeeze %dma_wait3A_186 : memref<1x80x16xf32, #tpu.memory_space<vmem>> -> memref<80x16xf32, #tpu.memory_space<vmem>>
      %dma_wait3A_188 = arith.constant 0 : i32
      %dma_wait3A_189 = arith.constant 0 : i32
      %dma_wait3A_190 = tpu.memref_slice %arg6[%dma_wait3A_188, %dma_wait3A_189] : memref<161280x16xf32, #tpu.memory_space<hbm>> -> memref<80x16xf32, #tpu.memory_space<hbm>>
      tpu.wait_dma2 semaphore(%dma_wait3A_183 : memref<!tpu.dma_semaphore, #tpu.memory_space<semaphore_mem>>) src(%dma_wait3A_190 : memref<80x16xf32, #tpu.memory_space<hbm>>) dst(%dma_wait3A_187 : memref<80x16xf32, #tpu.memory_space<vmem>>)
      %mul3A_191 = arith.constant 80 : i32
      %mul3A_192 = arith.muli %scan3A_140, %mul3A_191 : i32
      %add3A_193 = arith.constant 0 : i32
      %add3A_194 = arith.addi %mul3A_192, %add3A_193 : i32
      %get3A = arith.index_cast %add3A_194 : i32 to index
      %get3A_195 = tpu.vector_load %arg14[%get3A] {strides = array<i32>} : memref<10080xi32, #tpu.memory_space<vmem>>, vector<16xi32>,
      %mul3A_196 = arith.constant 4 : i32
      %mul3A_197 = vector.broadcast %mul3A_196 : i32 to vector<16xi32>
      %mul3A_198 = arith.muli %get3A_195, %mul3A_197 : vector<16xi32>
      %add3A_199 = arith.constant 0 : i32
      %add3A_200 = vector.broadcast %add3A_199 : i32 to vector<16xi32>
      %add3A_201 = arith.addi %mul3A_198, %add3A_200 : vector<16xi32>
      %mul3A_202 = arith.constant 4 : i32
      %mul3A_203 = arith.muli %select_n3A_152, %mul3A_202 : i32
      %add3A_204 = arith.constant 0 : i32
      %add3A_205 = arith.addi %mul3A_203, %add3A_204 : i32
      %swap3A = arith.index_cast %add3A_205 : i32 to index
      %swap3A_206 = arith.constant 0 : index
      %swap3A_207 = tpu.vector_load %arg18[%swap3A, %swap3A_206] {strides = array<i32>} : memref<8x80xi32, #tpu.memory_space<vmem>>, vector<16xi32>,
      tpu.vector_store %arg18[%swap3A, %swap3A_206], %add3A_201 {strides = array<i32>} : memref<8x80xi32, #tpu.memory_space<vmem>>, vector<16xi32>,
      %mul3A_208 = arith.constant 4 : i32
      %mul3A_209 = vector.broadcast %mul3A_208 : i32 to vector<16xi32>
      %mul3A_210 = arith.muli %get3A_195, %mul3A_209 : vector<16xi32>
      %add3A_211 = arith.constant 1 : i32
      %add3A_212 = vector.broadcast %add3A_211 : i32 to vector<16xi32>
      %add3A_213 = arith.addi %mul3A_210, %add3A_212 : vector<16xi32>
      %mul3A_214 = arith.constant 4 : i32
      %mul3A_215 = arith.muli %select_n3A_152, %mul3A_214 : i32
      %add3A_216 = arith.constant 1 : i32
      %add3A_217 = arith.addi %mul3A_215, %add3A_216 : i32
      %swap3A_218 = arith.index_cast %add3A_217 : i32 to index
      %swap3A_219 = arith.constant 0 : index
      %swap3A_220 = tpu.vector_load %arg18[%swap3A_218, %swap3A_219] {strides = array<i32>} : memref<8x80xi32, #tpu.memory_space<vmem>>, vector<16xi32>,
      tpu.vector_store %arg18[%swap3A_218, %swap3A_219], %add3A_213 {strides = array<i32>} : memref<8x80xi32, #tpu.memory_space<vmem>>, vector<16xi32>,
      %mul3A_221 = arith.constant 4 : i32
      %mul3A_222 = vector.broadcast %mul3A_221 : i32 to vector<16xi32>
      %mul3A_223 = arith.muli %get3A_195, %mul3A_222 : vector<16xi32>
      %add3A_224 = arith.constant 2 : i32
      %add3A_225 = vector.broadcast %add3A_224 : i32 to vector<16xi32>
      %add3A_226 = arith.addi %mul3A_223, %add3A_225 : vector<16xi32>
      %mul3A_227 = arith.constant 4 : i32
      %mul3A_228 = arith.muli %select_n3A_152, %mul3A_227 : i32
      %add3A_229 = arith.constant 2 : i32
      %add3A_230 = arith.addi %mul3A_228, %add3A_229 : i32
      %swap3A_231 = arith.index_cast %add3A_230 : i32 to index
      %swap3A_232 = arith.constant 0 : index
      %swap3A_233 = tpu.vector_load %arg18[%swap3A_231, %swap3A_232] {strides = array<i32>} : memref<8x80xi32, #tpu.memory_space<vmem>>, vector<16xi32>,
      tpu.vector_store %arg18[%swap3A_231, %swap3A_232], %add3A_226 {strides = array<i32>} : memref<8x80xi32, #tpu.memory_space<vmem>>, vector<16xi32>,
      %mul3A_234 = arith.constant 4 : i32
      %mul3A_235 = vector.broadcast %mul3A_234 : i32 to vector<16xi32>
      %mul3A_236 = arith.muli %get3A_195, %mul3A_235 : vector<16xi32>
      %add3A_237 = arith.constant 3 : i32
      %add3A_238 = vector.broadcast %add3A_237 : i32 to vector<16xi32>
      %add3A_239 = arith.addi %mul3A_236, %add3A_238 : vector<16xi32>
      %mul3A_240 = arith.constant 4 : i32
      %mul3A_241 = arith.muli %select_n3A_152, %mul3A_240 : i32
      %add3A_242 = arith.constant 3 : i32
      %add3A_243 = arith.addi %mul3A_241, %add3A_242 : i32
      %swap3A_244 = arith.index_cast %add3A_243 : i32 to index
      %swap3A_245 = arith.constant 0 : index
      %swap3A_246 = tpu.vector_load %arg18[%swap3A_244, %swap3A_245] {strides = array<i32>} : memref<8x80xi32, #tpu.memory_space<vmem>>, vector<16xi32>,
      tpu.vector_store %arg18[%swap3A_244, %swap3A_245], %add3A_239 {strides = array<i32>} : memref<8x80xi32, #tpu.memory_space<vmem>>, vector<16xi32>,
      %mul3A_247 = arith.constant 80 : i32
      %mul3A_248 = arith.muli %scan3A_140, %mul3A_247 : i32
      %add3A_249 = arith.constant 16 : i32
      %add3A_250 = arith.addi %mul3A_248, %add3A_249 : i32
      %get3A_251 = arith.index_cast %add3A_250 : i32 to index
      %get3A_252 = tpu.vector_load %arg14[%get3A_251] {strides = array<i32>} : memref<10080xi32, #tpu.memory_space<vmem>>, vector<16xi32>,
      %mul3A_253 = arith.constant 4 : i32
      %mul3A_254 = vector.broadcast %mul3A_253 : i32 to vector<16xi32>
      %mul3A_255 = arith.muli %get3A_252, %mul3A_254 : vector<16xi32>
      %add3A_256 = arith.constant 0 : i32
      %add3A_257 = vector.broadcast %add3A_256 : i32 to vector<16xi32>
      %add3A_258 = arith.addi %mul3A_255, %add3A_257 : vector<16xi32>
      %mul3A_259 = arith.constant 4 : i32
      %mul3A_260 = arith.muli %select_n3A_152, %mul3A_259 : i32
      %add3A_261 = arith.constant 0 : i32
      %add3A_262 = arith.addi %mul3A_260, %add3A_261 : i32
      %swap3A_263 = arith.index_cast %add3A_262 : i32 to index
      %swap3A_264 = arith.constant 16 : index
      %swap3A_265 = tpu.vector_load %arg18[%swap3A_263, %swap3A_264] {strides = array<i32>} : memref<8x80xi32, #tpu.memory_space<vmem>>, vector<16xi32>,
      tpu.vector_store %arg18[%swap3A_263, %swap3A_264], %add3A_258 {strides = array<i32>} : memref<8x80xi32, #tpu.memory_space<vmem>>, vector<16xi32>,
      %mul3A_266 = arith.constant 4 : i32
      %mul3A_267 = vector.broadcast %mul3A_266 : i32 to vector<16xi32>
      %mul3A_268 = arith.muli %get3A_252, %mul3A_267 : vector<16xi32>
      %add3A_269 = arith.constant 1 : i32
      %add3A_270 = vector.broadcast %add3A_269 : i32 to vector<16xi32>
      %add3A_271 = arith.addi %mul3A_268, %add3A_270 : vector<16xi32>
      %mul3A_272 = arith.constant 4 : i32
      %mul3A_273 = arith.muli %select_n3A_152, %mul3A_272 : i32
      %add3A_274 = arith.constant 1 : i32
      %add3A_275 = arith.addi %mul3A_273, %add3A_274 : i32
      %swap3A_276 = arith.index_cast %add3A_275 : i32 to index
      %swap3A_277 = arith.constant 16 : index
      %swap3A_278 = tpu.vector_load %arg18[%swap3A_276, %swap3A_277] {strides = array<i32>} : memref<8x80xi32, #tpu.memory_space<vmem>>, vector<16xi32>,
      tpu.vector_store %arg18[%swap3A_276, %swap3A_277], %add3A_271 {strides = array<i32>} : memref<8x80xi32, #tpu.memory_space<vmem>>, vector<16xi32>,
      %mul3A_279 = arith.constant 4 : i32
      %mul3A_280 = vector.broadcast %mul3A_279 : i32 to vector<16xi32>
      %mul3A_281 = arith.muli %get3A_252, %mul3A_280 : vector<16xi32>
      %add3A_282 = arith.constant 2 : i32
      %add3A_283 = vector.broadcast %add3A_282 : i32 to vector<16xi32>
      %add3A_284 = arith.addi %mul3A_281, %add3A_283 : vector<16xi32>
      %mul3A_285 = arith.constant 4 : i32
      %mul3A_286 = arith.muli %select_n3A_152, %mul3A_285 : i32
      %add3A_287 = arith.constant 2 : i32
      %add3A_288 = arith.addi %mul3A_286, %add3A_287 : i32
      %swap3A_289 = arith.index_cast %add3A_288 : i32 to index
      %swap3A_290 = arith.constant 16 : index
      %swap3A_291 = tpu.vector_load %arg18[%swap3A_289, %swap3A_290] {strides = array<i32>} : memref<8x80xi32, #tpu.memory_space<vmem>>, vector<16xi32>,
      tpu.vector_store %arg18[%swap3A_289, %swap3A_290], %add3A_284 {strides = array<i32>} : memref<8x80xi32, #tpu.memory_space<vmem>>, vector<16xi32>,
      %mul3A_292 = arith.constant 4 : i32
      %mul3A_293 = vector.broadcast %mul3A_292 : i32 to vector<16xi32>
      %mul3A_294 = arith.muli %get3A_252, %mul3A_293 : vector<16xi32>
      %add3A_295 = arith.constant 3 : i32
      %add3A_296 = vector.broadcast %add3A_295 : i32 to vector<16xi32>
      %add3A_297 = arith.addi %mul3A_294, %add3A_296 : vector<16xi32>
      %mul3A_298 = arith.constant 4 : i32
      %mul3A_299 = arith.muli %select_n3A_152, %mul3A_298 : i32
      %add3A_300 = arith.constant 3 : i32
      %add3A_301 = arith.addi %mul3A_299, %add3A_300 : i32
      %swap3A_302 = arith.index_cast %add3A_301 : i32 to index
      %swap3A_303 = arith.constant 16 : index
      %swap3A_304 = tpu.vector_load %arg18[%swap3A_302, %swap3A_303] {strides = array<i32>} : memref<8x80xi32, #tpu.memory_space<vmem>>, vector<16xi32>,
      tpu.vector_store %arg18[%swap3A_302, %swap3A_303], %add3A_297 {strides = array<i32>} : memref<8x80xi32, #tpu.memory_space<vmem>>, vector<16xi32>,
      %mul3A_305 = arith.constant 80 : i32
      %mul3A_306 = arith.muli %scan3A_140, %mul3A_305 : i32
      %add3A_307 = arith.constant 32 : i32
      %add3A_308 = arith.addi %mul3A_306, %add3A_307 : i32
      %get3A_309 = arith.index_cast %add3A_308 : i32 to index
      %get3A_310 = tpu.vector_load %arg14[%get3A_309] {strides = array<i32>} : memref<10080xi32, #tpu.memory_space<vmem>>, vector<16xi32>,
      %mul3A_311 = arith.constant 4 : i32
      %mul3A_312 = vector.broadcast %mul3A_311 : i32 to vector<16xi32>
      %mul3A_313 = arith.muli %get3A_310, %mul3A_312 : vector<16xi32>
      %add3A_314 = arith.constant 0 : i32
      %add3A_315 = vector.broadcast %add3A_314 : i32 to vector<16xi32>
      %add3A_316 = arith.addi %mul3A_313, %add3A_315 : vector<16xi32>
      %mul3A_317 = arith.constant 4 : i32
      %mul3A_318 = arith.muli %select_n3A_152, %mul3A_317 : i32
      %add3A_319 = arith.constant 0 : i32
      %add3A_320 = arith.addi %mul3A_318, %add3A_319 : i32
      %swap3A_321 = arith.index_cast %add3A_320 : i32 to index
      %swap3A_322 = arith.constant 32 : index
      %swap3A_323 = tpu.vector_load %arg18[%swap3A_321, %swap3A_322] {strides = array<i32>} : memref<8x80xi32, #tpu.memory_space<vmem>>, vector<16xi32>,
      tpu.vector_store %arg18[%swap3A_321, %swap3A_322], %add3A_316 {strides = array<i32>} : memref<8x80xi32, #tpu.memory_space<vmem>>, vector<16xi32>,
      %mul3A_324 = arith.constant 4 : i32
      %mul3A_325 = vector.broadcast %mul3A_324 : i32 to vector<16xi32>
      %mul3A_326 = arith.muli %get3A_310, %mul3A_325 : vector<16xi32>
      %add3A_327 = arith.constant 1 : i32
      %add3A_328 = vector.broadcast %add3A_327 : i32 to vector<16xi32>
      %add3A_329 = arith.addi %mul3A_326, %add3A_328 : vector<16xi32>
      %mul3A_330 = arith.constant 4 : i32
      %mul3A_331 = arith.muli %select_n3A_152, %mul3A_330 : i32
      %add3A_332 = arith.constant 1 : i32
      %add3A_333 = arith.addi %mul3A_331, %add3A_332 : i32
      %swap3A_334 = arith.index_cast %add3A_333 : i32 to index
      %swap3A_335 = arith.constant 32 : index
      %swap3A_336 = tpu.vector_load %arg18[%swap3A_334, %swap3A_335] {strides = array<i32>} : memref<8x80xi32, #tpu.memory_space<vmem>>, vector<16xi32>,
      tpu.vector_store %arg18[%swap3A_334, %swap3A_335], %add3A_329 {strides = array<i32>} : memref<8x80xi32, #tpu.memory_space<vmem>>, vector<16xi32>,
      %mul3A_337 = arith.constant 4 : i32
      %mul3A_338 = vector.broadcast %mul3A_337 : i32 to vector<16xi32>
      %mul3A_339 = arith.muli %get3A_310, %mul3A_338 : vector<16xi32>
      %add3A_340 = arith.constant 2 : i32
      %add3A_341 = vector.broadcast %add3A_340 : i32 to vector<16xi32>
      %add3A_342 = arith.addi %mul3A_339, %add3A_341 : vector<16xi32>
      %mul3A_343 = arith.constant 4 : i32
      %mul3A_344 = arith.muli %select_n3A_152, %mul3A_343 : i32
      %add3A_345 = arith.constant 2 : i32
      %add3A_346 = arith.addi %mul3A_344, %add3A_345 : i32
      %swap3A_347 = arith.index_cast %add3A_346 : i32 to index
      %swap3A_348 = arith.constant 32 : index
      %swap3A_349 = tpu.vector_load %arg18[%swap3A_347, %swap3A_348] {strides = array<i32>} : memref<8x80xi32, #tpu.memory_space<vmem>>, vector<16xi32>,
      tpu.vector_store %arg18[%swap3A_347, %swap3A_348], %add3A_342 {strides = array<i32>} : memref<8x80xi32, #tpu.memory_space<vmem>>, vector<16xi32>,
      %mul3A_350 = arith.constant 4 : i32
      %mul3A_351 = vector.broadcast %mul3A_350 : i32 to vector<16xi32>
      %mul3A_352 = arith.muli %get3A_310, %mul3A_351 : vector<16xi32>
      %add3A_353 = arith.constant 3 : i32
      %add3A_354 = vector.broadcast %add3A_353 : i32 to vector<16xi32>
      %add3A_355 = arith.addi %mul3A_352, %add3A_354 : vector<16xi32>
      %mul3A_356 = arith.constant 4 : i32
      %mul3A_357 = arith.muli %select_n3A_152, %mul3A_356 : i32
      %add3A_358 = arith.constant 3 : i32
      %add3A_359 = arith.addi %mul3A_357, %add3A_358 : i32
      %swap3A_360 = arith.index_cast %add3A_359 : i32 to index
      %swap3A_361 = arith.constant 32 : index
      %swap3A_362 = tpu.vector_load %arg18[%swap3A_360, %swap3A_361] {strides = array<i32>} : memref<8x80xi32, #tpu.memory_space<vmem>>, vector<16xi32>,
      tpu.vector_store %arg18[%swap3A_360, %swap3A_361], %add3A_355 {strides = array<i32>} : memref<8x80xi32, #tpu.memory_space<vmem>>, vector<16xi32>,
      %mul3A_363 = arith.constant 80 : i32
      %mul3A_364 = arith.muli %scan3A_140, %mul3A_363 : i32
      %add3A_365 = arith.constant 48 : i32
      %add3A_366 = arith.addi %mul3A_364, %add3A_365 : i32
      %get3A_367 = arith.index_cast %add3A_366 : i32 to index
      %get3A_368 = tpu.vector_load %arg14[%get3A_367] {strides = array<i32>} : memref<10080xi32, #tpu.memory_space<vmem>>, vector<16xi32>,
      %mul3A_369 = arith.constant 4 : i32
      %mul3A_370 = vector.broadcast %mul3A_369 : i32 to vector<16xi32>
      %mul3A_371 = arith.muli %get3A_368, %mul3A_370 : vector<16xi32>
      %add3A_372 = arith.constant 0 : i32
      %add3A_373 = vector.broadcast %add3A_372 : i32 to vector<16xi32>
      %add3A_374 = arith.addi %mul3A_371, %add3A_373 : vector<16xi32>
      %mul3A_375 = arith.constant 4 : i32
      %mul3A_376 = arith.muli %select_n3A_152, %mul3A_375 : i32
      %add3A_377 = arith.constant 0 : i32
      %add3A_378 = arith.addi %mul3A_376, %add3A_377 : i32
      %swap3A_379 = arith.index_cast %add3A_378 : i32 to index
      %swap3A_380 = arith.constant 48 : index
      %swap3A_381 = tpu.vector_load %arg18[%swap3A_379, %swap3A_380] {strides = array<i32>} : memref<8x80xi32, #tpu.memory_space<vmem>>, vector<16xi32>,
      tpu.vector_store %arg18[%swap3A_379, %swap3A_380], %add3A_374 {strides = array<i32>} : memref<8x80xi32, #tpu.memory_space<vmem>>, vector<16xi32>,
      %mul3A_382 = arith.constant 4 : i32
      %mul3A_383 = vector.broadcast %mul3A_382 : i32 to vector<16xi32>
      %mul3A_384 = arith.muli %get3A_368, %mul3A_383 : vector<16xi32>
      %add3A_385 = arith.constant 1 : i32
      %add3A_386 = vector.broadcast %add3A_385 : i32 to vector<16xi32>
      %add3A_387 = arith.addi %mul3A_384, %add3A_386 : vector<16xi32>
      %mul3A_388 = arith.constant 4 : i32
      %mul3A_389 = arith.muli %select_n3A_152, %mul3A_388 : i32
      %add3A_390 = arith.constant 1 : i32
      %add3A_391 = arith.addi %mul3A_389, %add3A_390 : i32
      %swap3A_392 = arith.index_cast %add3A_391 : i32 to index
      %swap3A_393 = arith.constant 48 : index
      %swap3A_394 = tpu.vector_load %arg18[%swap3A_392, %swap3A_393] {strides = array<i32>} : memref<8x80xi32, #tpu.memory_space<vmem>>, vector<16xi32>,
      tpu.vector_store %arg18[%swap3A_392, %swap3A_393], %add3A_387 {strides = array<i32>} : memref<8x80xi32, #tpu.memory_space<vmem>>, vector<16xi32>,
      %mul3A_395 = arith.constant 4 : i32
      %mul3A_396 = vector.broadcast %mul3A_395 : i32 to vector<16xi32>
      %mul3A_397 = arith.muli %get3A_368, %mul3A_396 : vector<16xi32>
      %add3A_398 = arith.constant 2 : i32
      %add3A_399 = vector.broadcast %add3A_398 : i32 to vector<16xi32>
      %add3A_400 = arith.addi %mul3A_397, %add3A_399 : vector<16xi32>
      %mul3A_401 = arith.constant 4 : i32
      %mul3A_402 = arith.muli %select_n3A_152, %mul3A_401 : i32
      %add3A_403 = arith.constant 2 : i32
      %add3A_404 = arith.addi %mul3A_402, %add3A_403 : i32
      %swap3A_405 = arith.index_cast %add3A_404 : i32 to index
      %swap3A_406 = arith.constant 48 : index
      %swap3A_407 = tpu.vector_load %arg18[%swap3A_405, %swap3A_406] {strides = array<i32>} : memref<8x80xi32, #tpu.memory_space<vmem>>, vector<16xi32>,
      tpu.vector_store %arg18[%swap3A_405, %swap3A_406], %add3A_400 {strides = array<i32>} : memref<8x80xi32, #tpu.memory_space<vmem>>, vector<16xi32>,
      %mul3A_408 = arith.constant 4 : i32
      %mul3A_409 = vector.broadcast %mul3A_408 : i32 to vector<16xi32>
      %mul3A_410 = arith.muli %get3A_368, %mul3A_409 : vector<16xi32>
      %add3A_411 = arith.constant 3 : i32
      %add3A_412 = vector.broadcast %add3A_411 : i32 to vector<16xi32>
      %add3A_413 = arith.addi %mul3A_410, %add3A_412 : vector<16xi32>
      %mul3A_414 = arith.constant 4 : i32
      %mul3A_415 = arith.muli %select_n3A_152, %mul3A_414 : i32
      %add3A_416 = arith.constant 3 : i32
      %add3A_417 = arith.addi %mul3A_415, %add3A_416 : i32
      %swap3A_418 = arith.index_cast %add3A_417 : i32 to index
      %swap3A_419 = arith.constant 48 : index
      %swap3A_420 = tpu.vector_load %arg18[%swap3A_418, %swap3A_419] {strides = array<i32>} : memref<8x80xi32, #tpu.memory_space<vmem>>, vector<16xi32>,
      tpu.vector_store %arg18[%swap3A_418, %swap3A_419], %add3A_413 {strides = array<i32>} : memref<8x80xi32, #tpu.memory_space<vmem>>, vector<16xi32>,
      %mul3A_421 = arith.constant 80 : i32
      %mul3A_422 = arith.muli %scan3A_140, %mul3A_421 : i32
      %add3A_423 = arith.constant 64 : i32
      %add3A_424 = arith.addi %mul3A_422, %add3A_423 : i32
      %get3A_425 = arith.index_cast %add3A_424 : i32 to index
      %get3A_426 = tpu.vector_load %arg14[%get3A_425] {strides = array<i32>} : memref<10080xi32, #tpu.memory_space<vmem>>, vector<16xi32>,
      %mul3A_427 = arith.constant 4 : i32
      %mul3A_428 = vector.broadcast %mul3A_427 : i32 to vector<16xi32>
      %mul3A_429 = arith.muli %get3A_426, %mul3A_428 : vector<16xi32>
      %add3A_430 = arith.constant 0 : i32
      %add3A_431 = vector.broadcast %add3A_430 : i32 to vector<16xi32>
      %add3A_432 = arith.addi %mul3A_429, %add3A_431 : vector<16xi32>
      %mul3A_433 = arith.constant 4 : i32
      %mul3A_434 = arith.muli %select_n3A_152, %mul3A_433 : i32
      %add3A_435 = arith.constant 0 : i32
      %add3A_436 = arith.addi %mul3A_434, %add3A_435 : i32
      %swap3A_437 = arith.index_cast %add3A_436 : i32 to index
      %swap3A_438 = arith.constant 64 : index
      %swap3A_439 = tpu.vector_load %arg18[%swap3A_437, %swap3A_438] {strides = array<i32>} : memref<8x80xi32, #tpu.memory_space<vmem>>, vector<16xi32>,
      tpu.vector_store %arg18[%swap3A_437, %swap3A_438], %add3A_432 {strides = array<i32>} : memref<8x80xi32, #tpu.memory_space<vmem>>, vector<16xi32>,
      %mul3A_440 = arith.constant 4 : i32
      %mul3A_441 = vector.broadcast %mul3A_440 : i32 to vector<16xi32>
      %mul3A_442 = arith.muli %get3A_426, %mul3A_441 : vector<16xi32>
      %add3A_443 = arith.constant 1 : i32
      %add3A_444 = vector.broadcast %add3A_443 : i32 to vector<16xi32>
      %add3A_445 = arith.addi %mul3A_442, %add3A_444 : vector<16xi32>
      %mul3A_446 = arith.constant 4 : i32
      %mul3A_447 = arith.muli %select_n3A_152, %mul3A_446 : i32
      %add3A_448 = arith.constant 1 : i32
      %add3A_449 = arith.addi %mul3A_447, %add3A_448 : i32
      %swap3A_450 = arith.index_cast %add3A_449 : i32 to index
      %swap3A_451 = arith.constant 64 : index
      %swap3A_452 = tpu.vector_load %arg18[%swap3A_450, %swap3A_451] {strides = array<i32>} : memref<8x80xi32, #tpu.memory_space<vmem>>, vector<16xi32>,
      tpu.vector_store %arg18[%swap3A_450, %swap3A_451], %add3A_445 {strides = array<i32>} : memref<8x80xi32, #tpu.memory_space<vmem>>, vector<16xi32>,
      %mul3A_453 = arith.constant 4 : i32
      %mul3A_454 = vector.broadcast %mul3A_453 : i32 to vector<16xi32>
      %mul3A_455 = arith.muli %get3A_426, %mul3A_454 : vector<16xi32>
      %add3A_456 = arith.constant 2 : i32
      %add3A_457 = vector.broadcast %add3A_456 : i32 to vector<16xi32>
      %add3A_458 = arith.addi %mul3A_455, %add3A_457 : vector<16xi32>
      %mul3A_459 = arith.constant 4 : i32
      %mul3A_460 = arith.muli %select_n3A_152, %mul3A_459 : i32
      %add3A_461 = arith.constant 2 : i32
      %add3A_462 = arith.addi %mul3A_460, %add3A_461 : i32
      %swap3A_463 = arith.index_cast %add3A_462 : i32 to index
      %swap3A_464 = arith.constant 64 : index
      %swap3A_465 = tpu.vector_load %arg18[%swap3A_463, %swap3A_464] {strides = array<i32>} : memref<8x80xi32, #tpu.memory_space<vmem>>, vector<16xi32>,
      tpu.vector_store %arg18[%swap3A_463, %swap3A_464], %add3A_458 {strides = array<i32>} : memref<8x80xi32, #tpu.memory_space<vmem>>, vector<16xi32>,
      %mul3A_466 = arith.constant 4 : i32
      %mul3A_467 = vector.broadcast %mul3A_466 : i32 to vector<16xi32>
      %mul3A_468 = arith.muli %get3A_426, %mul3A_467 : vector<16xi32>
      %add3A_469 = arith.constant 3 : i32
      %add3A_470 = vector.broadcast %add3A_469 : i32 to vector<16xi32>
      %add3A_471 = arith.addi %mul3A_468, %add3A_470 : vector<16xi32>
      %mul3A_472 = arith.constant 4 : i32
      %mul3A_473 = arith.muli %select_n3A_152, %mul3A_472 : i32
      %add3A_474 = arith.constant 3 : i32
      %add3A_475 = arith.addi %mul3A_473, %add3A_474 : i32
      %swap3A_476 = arith.index_cast %add3A_475 : i32 to index
      %swap3A_477 = arith.constant 64 : index
      %swap3A_478 = tpu.vector_load %arg18[%swap3A_476, %swap3A_477] {strides = array<i32>} : memref<8x80xi32, #tpu.memory_space<vmem>>, vector<16xi32>,
      tpu.vector_store %arg18[%swap3A_476, %swap3A_477], %add3A_471 {strides = array<i32>} : memref<8x80xi32, #tpu.memory_space<vmem>>, vector<16xi32>,
      %mul3A_479 = arith.constant 80 : i32
      %mul3A_480 = arith.muli %scan3A_140, %mul3A_479 : i32
      %parallel_loop3A = arith.constant 0 : i32
      %parallel_loop3A_481 = arith.constant 80 : i32
      %parallel_loop3A_482 = arith.constant 1 : i32
      scf.for %parallel_loop3A_548 = %parallel_loop3A to %parallel_loop3A_481 step %parallel_loop3A_482  : i32 {
        %parallel_loop3A_549 = arith.index_cast %select_n3A_152 : i32 to index
        %parallel_loop3A_550 = arith.index_cast %parallel_loop3A_548 : i32 to index
        %parallel_loop3A_551 = arith.constant 0 : index
        %parallel_loop3A_552 = tpu.vector_load %arg15[%parallel_loop3A_549, %parallel_loop3A_550, %parallel_loop3A_551] {strides = array<i32>} : memref<2x80x16xf32, #tpu.memory_space<vmem>>, vector<16xf32>,
        %parallel_loop3A_553 = arith.index_cast %select_n3A_152 : i32 to index
        %parallel_loop3A_554 = arith.index_cast %parallel_loop3A_548 : i32 to index
        %parallel_loop3A_555 = arith.constant 0 : index
        %parallel_loop3A_556 = tpu.vector_load %arg16[%parallel_loop3A_553, %parallel_loop3A_554, %parallel_loop3A_555] {strides = array<i32>} : memref<2x80x16xf32, #tpu.memory_space<vmem>>, vector<16xf32>,
        %parallel_loop3A_557 = arith.addf %parallel_loop3A_552, %parallel_loop3A_556 : vector<16xf32>
        %parallel_loop3A_558 = arith.constant 0.000000e+00 : f32
        %parallel_loop3A_559 = vector.broadcast %parallel_loop3A_558 : f32 to vector<16xf32>
        %parallel_loop3A_560 = arith.cmpf oge, %parallel_loop3A_557, %parallel_loop3A_559 : vector<16xf32>
        %parallel_loop3A_561 = arith.constant 2.000000e-01 : f32
        %parallel_loop3A_562 = vector.broadcast %parallel_loop3A_561 : f32 to vector<16xf32>
        %parallel_loop3A_563 = arith.mulf %parallel_loop3A_557, %parallel_loop3A_562 : vector<16xf32>
        %parallel_loop3A_564 = arith.select %parallel_loop3A_560, %parallel_loop3A_557, %parallel_loop3A_563 : vector<16xi1>, vector<16xf32>
        %parallel_loop3A_565 = arith.index_cast %select_n3A_152 : i32 to index
        %parallel_loop3A_566 = arith.index_cast %parallel_loop3A_548 : i32 to index
        %parallel_loop3A_567 = arith.constant 0 : index
        %parallel_loop3A_568 = tpu.vector_load %arg17[%parallel_loop3A_565, %parallel_loop3A_566, %parallel_loop3A_567] {strides = array<i32>} : memref<2x80x16xf32, #tpu.memory_space<vmem>>, vector<16xf32>,
        %parallel_loop3A_569 = arith.addf %parallel_loop3A_564, %parallel_loop3A_568 : vector<16xf32>
        %parallel_loop3A_570 = math.exp %parallel_loop3A_569 : vector<16xf32>
        %parallel_loop3A_571 = arith.constant 10080 : i32
        %parallel_loop3A_572 = vector.broadcast %parallel_loop3A_571 : i32 to vector<16xi32>
        %parallel_loop3A_573 = arith.muli %sub3A_19, %parallel_loop3A_572 : vector<16xi32>
        %parallel_loop3A_574 = arith.addi %mul3A_480, %parallel_loop3A_548 : i32
        %parallel_loop3A_575 = vector.broadcast %parallel_loop3A_574 : i32 to vector<16xi32>
        %parallel_loop3A_576 = arith.addi %parallel_loop3A_573, %parallel_loop3A_575 : vector<16xi32>
        tpu.vector_store_idx %arg23[%parallel_loop3A_576], %parallel_loop3A_570 masked %and3A : memref<40320xf32, #tpu.memory_space<vmem>>[vector<16xi32>], vector<16xf32>, vector<16xi1>
      } {sc.loop_unroll_factor = 8 : i64, sc.parallel_access}
      %ge3A_483 = arith.constant 2 : i32
      %ge3A_484 = arith.cmpi sge, %scan3A_140, %ge3A_483 : i32
      %convert_element_type3A_485 = arith.extui %ge3A_484 : i1 to i32
      %cond3A_486 = arith.constant 0 : i32
      %cond3A_487 = arith.cmpi ne, %convert_element_type3A_485, %cond3A_486 : i32
      scf.if %cond3A_487 {
        %mul3A_548 = arith.constant 4 : i32
        %mul3A_549 = arith.muli %select_n3A_152, %mul3A_548 : i32
        %add3A_550 = arith.constant 0 : i32
        %add3A_551 = arith.addi %mul3A_549, %add3A_550 : i32
        %dma_wait3A_552 = arith.constant 0 : i32
        %dma_wait3A_553 = tpu.memref_slice %arg23[%dma_wait3A_552] : memref<40320xf32, #tpu.memory_space<vmem>> -> memref<80xf32, #tpu.memory_space<vmem>>
        %dma_wait3A_554 = arith.constant 0 : i32
        %dma_wait3A_555 = tpu.memref_slice %arg18[%add3A_551, %dma_wait3A_554] : memref<8x80xi32, #tpu.memory_space<vmem>> -> memref<1x80xi32, #tpu.memory_space<vmem>>
        %dma_wait3A_556 = tpu.memref_squeeze %dma_wait3A_555 : memref<1x80xi32, #tpu.memory_space<vmem>> -> memref<80xi32, #tpu.memory_space<vmem>>
        %dma_wait3A_557 = arith.constant 0 : i32
        %dma_wait3A_558 = tpu.memref_slice %arg26[%dma_wait3A_557] : memref<40960xf32, #tpu.memory_space<vmem_shared>> -> memref<40960xf32, #tpu.memory_space<vmem_shared>>
        %dma_wait3A_559 = tpu.memref_slice %arg28[%select_n3A_152] : memref<2x!tpu.dma_semaphore, #tpu.memory_space<semaphore_mem>> -> memref<1x!tpu.dma_semaphore, #tpu.memory_space<semaphore_mem>>
        %dma_wait3A_560 = tpu.memref_squeeze %dma_wait3A_559 : memref<1x!tpu.dma_semaphore, #tpu.memory_space<semaphore_mem>> -> memref<!tpu.dma_semaphore, #tpu.memory_space<semaphore_mem>>
        tpu.wait_indirect_dma semaphore(%dma_wait3A_560 : memref<!tpu.dma_semaphore, #tpu.memory_space<semaphore_mem>>) src(%dma_wait3A_553 : memref<80xf32, #tpu.memory_space<vmem>>) dst(%dma_wait3A_558 : memref<40960xf32, #tpu.memory_space<vmem_shared>>)
        %mul3A_561 = arith.constant 4 : i32
        %mul3A_562 = arith.muli %select_n3A_152, %mul3A_561 : i32
        %add3A_563 = arith.constant 1 : i32
        %add3A_564 = arith.addi %mul3A_562, %add3A_563 : i32
        %dma_wait3A_565 = arith.constant 80 : i32
        %dma_wait3A_566 = tpu.memref_slice %arg23[%dma_wait3A_565] : memref<40320xf32, #tpu.memory_space<vmem>> -> memref<80xf32, #tpu.memory_space<vmem>>
        %dma_wait3A_567 = arith.constant 0 : i32
        %dma_wait3A_568 = tpu.memref_slice %arg18[%add3A_564, %dma_wait3A_567] : memref<8x80xi32, #tpu.memory_space<vmem>> -> memref<1x80xi32, #tpu.memory_space<vmem>>
        %dma_wait3A_569 = tpu.memref_squeeze %dma_wait3A_568 : memref<1x80xi32, #tpu.memory_space<vmem>> -> memref<80xi32, #tpu.memory_space<vmem>>
        %dma_wait3A_570 = arith.constant 0 : i32
        %dma_wait3A_571 = tpu.memref_slice %arg26[%dma_wait3A_570] : memref<40960xf32, #tpu.memory_space<vmem_shared>> -> memref<40960xf32, #tpu.memory_space<vmem_shared>>
        %dma_wait3A_572 = tpu.memref_slice %arg28[%select_n3A_152] : memref<2x!tpu.dma_semaphore, #tpu.memory_space<semaphore_mem>> -> memref<1x!tpu.dma_semaphore, #tpu.memory_space<semaphore_mem>>
        %dma_wait3A_573 = tpu.memref_squeeze %dma_wait3A_572 : memref<1x!tpu.dma_semaphore, #tpu.memory_space<semaphore_mem>> -> memref<!tpu.dma_semaphore, #tpu.memory_space<semaphore_mem>>
        tpu.wait_indirect_dma semaphore(%dma_wait3A_573 : memref<!tpu.dma_semaphore, #tpu.memory_space<semaphore_mem>>) src(%dma_wait3A_566 : memref<80xf32, #tpu.memory_space<vmem>>) dst(%dma_wait3A_571 : memref<40960xf32, #tpu.memory_space<vmem_shared>>)
        %mul3A_574 = arith.constant 4 : i32
        %mul3A_575 = arith.muli %select_n3A_152, %mul3A_574 : i32
        %add3A_576 = arith.constant 2 : i32
        %add3A_577 = arith.addi %mul3A_575, %add3A_576 : i32
        %dma_wait3A_578 = arith.constant 160 : i32
        %dma_wait3A_579 = tpu.memref_slice %arg23[%dma_wait3A_578] : memref<40320xf32, #tpu.memory_space<vmem>> -> memref<80xf32, #tpu.memory_space<vmem>>
        %dma_wait3A_580 = arith.constant 0 : i32
        %dma_wait3A_581 = tpu.memref_slice %arg18[%add3A_577, %dma_wait3A_580] : memref<8x80xi32, #tpu.memory_space<vmem>> -> memref<1x80xi32, #tpu.memory_space<vmem>>
        %dma_wait3A_582 = tpu.memref_squeeze %dma_wait3A_581 : memref<1x80xi32, #tpu.memory_space<vmem>> -> memref<80xi32, #tpu.memory_space<vmem>>
        %dma_wait3A_583 = arith.constant 0 : i32
        %dma_wait3A_584 = tpu.memref_slice %arg26[%dma_wait3A_583] : memref<40960xf32, #tpu.memory_space<vmem_shared>> -> memref<40960xf32, #tpu.memory_space<vmem_shared>>
        %dma_wait3A_585 = tpu.memref_slice %arg28[%select_n3A_152] : memref<2x!tpu.dma_semaphore, #tpu.memory_space<semaphore_mem>> -> memref<1x!tpu.dma_semaphore, #tpu.memory_space<semaphore_mem>>
        %dma_wait3A_586 = tpu.memref_squeeze %dma_wait3A_585 : memref<1x!tpu.dma_semaphore, #tpu.memory_space<semaphore_mem>> -> memref<!tpu.dma_semaphore, #tpu.memory_space<semaphore_mem>>
        tpu.wait_indirect_dma semaphore(%dma_wait3A_586 : memref<!tpu.dma_semaphore, #tpu.memory_space<semaphore_mem>>) src(%dma_wait3A_579 : memref<80xf32, #tpu.memory_space<vmem>>) dst(%dma_wait3A_584 : memref<40960xf32, #tpu.memory_space<vmem_shared>>)
        %mul3A_587 = arith.constant 4 : i32
        %mul3A_588 = arith.muli %select_n3A_152, %mul3A_587 : i32
        %add3A_589 = arith.constant 3 : i32
        %add3A_590 = arith.addi %mul3A_588, %add3A_589 : i32
        %dma_wait3A_591 = arith.constant 240 : i32
        %dma_wait3A_592 = tpu.memref_slice %arg23[%dma_wait3A_591] : memref<40320xf32, #tpu.memory_space<vmem>> -> memref<80xf32, #tpu.memory_space<vmem>>
        %dma_wait3A_593 = arith.constant 0 : i32
        %dma_wait3A_594 = tpu.memref_slice %arg18[%add3A_590, %dma_wait3A_593] : memref<8x80xi32, #tpu.memory_space<vmem>> -> memref<1x80xi32, #tpu.memory_space<vmem>>
        %dma_wait3A_595 = tpu.memref_squeeze %dma_wait3A_594 : memref<1x80xi32, #tpu.memory_space<vmem>> -> memref<80xi32, #tpu.memory_space<vmem>>
        %dma_wait3A_596 = arith.constant 0 : i32
        %dma_wait3A_597 = tpu.memref_slice %arg26[%dma_wait3A_596] : memref<40960xf32, #tpu.memory_space<vmem_shared>> -> memref<40960xf32, #tpu.memory_space<vmem_shared>>
        %dma_wait3A_598 = tpu.memref_slice %arg28[%select_n3A_152] : memref<2x!tpu.dma_semaphore, #tpu.memory_space<semaphore_mem>> -> memref<1x!tpu.dma_semaphore, #tpu.memory_space<semaphore_mem>>
        %dma_wait3A_599 = tpu.memref_squeeze %dma_wait3A_598 : memref<1x!tpu.dma_semaphore, #tpu.memory_space<semaphore_mem>> -> memref<!tpu.dma_semaphore, #tpu.memory_space<semaphore_mem>>
        tpu.wait_indirect_dma semaphore(%dma_wait3A_599 : memref<!tpu.dma_semaphore, #tpu.memory_space<semaphore_mem>>) src(%dma_wait3A_592 : memref<80xf32, #tpu.memory_space<vmem>>) dst(%dma_wait3A_597 : memref<40960xf32, #tpu.memory_space<vmem_shared>>)
      } else {
      }
      %add3A_488 = arith.constant 0 : i32
      %add3A_489 = arith.addi %add3A_488, %mul3A_480 : i32
      %mul3A_490 = arith.constant 4 : i32
      %mul3A_491 = arith.muli %select_n3A_152, %mul3A_490 : i32
      %add3A_492 = arith.constant 0 : i32
      %add3A_493 = arith.addi %mul3A_491, %add3A_492 : i32
      %dma_start3A = tpu.memref_slice %arg23[%add3A_489] : memref<40320xf32, #tpu.memory_space<vmem>> -> memref<80xf32, #tpu.memory_space<vmem>>
      %dma_start3A_494 = arith.constant 0 : i32
      %dma_start3A_495 = tpu.memref_slice %arg18[%add3A_493, %dma_start3A_494] : memref<8x80xi32, #tpu.memory_space<vmem>> -> memref<1x80xi32, #tpu.memory_space<vmem>>
      %dma_start3A_496 = tpu.memref_squeeze %dma_start3A_495 : memref<1x80xi32, #tpu.memory_space<vmem>> -> memref<80xi32, #tpu.memory_space<vmem>>
      %dma_start3A_497 = arith.constant 0 : i32
      %dma_start3A_498 = tpu.memref_slice %arg26[%dma_start3A_497] : memref<40960xf32, #tpu.memory_space<vmem_shared>> -> memref<40960xf32, #tpu.memory_space<vmem_shared>>
      %dma_start3A_499 = tpu.memref_slice %arg28[%select_n3A_152] : memref<2x!tpu.dma_semaphore, #tpu.memory_space<semaphore_mem>> -> memref<1x!tpu.dma_semaphore, #tpu.memory_space<semaphore_mem>>
      %dma_start3A_500 = tpu.memref_squeeze %dma_start3A_499 : memref<1x!tpu.dma_semaphore, #tpu.memory_space<semaphore_mem>> -> memref<!tpu.dma_semaphore, #tpu.memory_space<semaphore_mem>>
      tpu.enqueue_indirect_dma source(%dma_start3A : memref<80xf32, #tpu.memory_space<vmem>>) target(%dma_start3A_498 : memref<40960xf32, #tpu.memory_space<vmem_shared>>) offsets(%dma_start3A_496 : memref<80xi32, #tpu.memory_space<vmem>>) semaphore(%dma_start3A_500 : memref<!tpu.dma_semaphore, #tpu.memory_space<semaphore_mem>>) {add = true}
      %add3A_501 = arith.constant 10080 : i32
      %add3A_502 = arith.addi %add3A_501, %mul3A_480 : i32
      %mul3A_503 = arith.constant 4 : i32
      %mul3A_504 = arith.muli %select_n3A_152, %mul3A_503 : i32
      %add3A_505 = arith.constant 1 : i32
      %add3A_506 = arith.addi %mul3A_504, %add3A_505 : i32
      %dma_start3A_507 = tpu.memref_slice %arg23[%add3A_502] : memref<40320xf32, #tpu.memory_space<vmem>> -> memref<80xf32, #tpu.memory_space<vmem>>
      %dma_start3A_508 = arith.constant 0 : i32
      %dma_start3A_509 = tpu.memref_slice %arg18[%add3A_506, %dma_start3A_508] : memref<8x80xi32, #tpu.memory_space<vmem>> -> memref<1x80xi32, #tpu.memory_space<vmem>>
      %dma_start3A_510 = tpu.memref_squeeze %dma_start3A_509 : memref<1x80xi32, #tpu.memory_space<vmem>> -> memref<80xi32, #tpu.memory_space<vmem>>
      %dma_start3A_511 = arith.constant 0 : i32
      %dma_start3A_512 = tpu.memref_slice %arg26[%dma_start3A_511] : memref<40960xf32, #tpu.memory_space<vmem_shared>> -> memref<40960xf32, #tpu.memory_space<vmem_shared>>
      %dma_start3A_513 = tpu.memref_slice %arg28[%select_n3A_152] : memref<2x!tpu.dma_semaphore, #tpu.memory_space<semaphore_mem>> -> memref<1x!tpu.dma_semaphore, #tpu.memory_space<semaphore_mem>>
      %dma_start3A_514 = tpu.memref_squeeze %dma_start3A_513 : memref<1x!tpu.dma_semaphore, #tpu.memory_space<semaphore_mem>> -> memref<!tpu.dma_semaphore, #tpu.memory_space<semaphore_mem>>
      tpu.enqueue_indirect_dma source(%dma_start3A_507 : memref<80xf32, #tpu.memory_space<vmem>>) target(%dma_start3A_512 : memref<40960xf32, #tpu.memory_space<vmem_shared>>) offsets(%dma_start3A_510 : memref<80xi32, #tpu.memory_space<vmem>>) semaphore(%dma_start3A_514 : memref<!tpu.dma_semaphore, #tpu.memory_space<semaphore_mem>>) {add = true}
      %add3A_515 = arith.constant 20160 : i32
      %add3A_516 = arith.addi %add3A_515, %mul3A_480 : i32
      %mul3A_517 = arith.constant 4 : i32
      %mul3A_518 = arith.muli %select_n3A_152, %mul3A_517 : i32
      %add3A_519 = arith.constant 2 : i32
      %add3A_520 = arith.addi %mul3A_518, %add3A_519 : i32
      %dma_start3A_521 = tpu.memref_slice %arg23[%add3A_516] : memref<40320xf32, #tpu.memory_space<vmem>> -> memref<80xf32, #tpu.memory_space<vmem>>
      %dma_start3A_522 = arith.constant 0 : i32
      %dma_start3A_523 = tpu.memref_slice %arg18[%add3A_520, %dma_start3A_522] : memref<8x80xi32, #tpu.memory_space<vmem>> -> memref<1x80xi32, #tpu.memory_space<vmem>>
      %dma_start3A_524 = tpu.memref_squeeze %dma_start3A_523 : memref<1x80xi32, #tpu.memory_space<vmem>> -> memref<80xi32, #tpu.memory_space<vmem>>
      %dma_start3A_525 = arith.constant 0 : i32
      %dma_start3A_526 = tpu.memref_slice %arg26[%dma_start3A_525] : memref<40960xf32, #tpu.memory_space<vmem_shared>> -> memref<40960xf32, #tpu.memory_space<vmem_shared>>
      %dma_start3A_527 = tpu.memref_slice %arg28[%select_n3A_152] : memref<2x!tpu.dma_semaphore, #tpu.memory_space<semaphore_mem>> -> memref<1x!tpu.dma_semaphore, #tpu.memory_space<semaphore_mem>>
      %dma_start3A_528 = tpu.memref_squeeze %dma_start3A_527 : memref<1x!tpu.dma_semaphore, #tpu.memory_space<semaphore_mem>> -> memref<!tpu.dma_semaphore, #tpu.memory_space<semaphore_mem>>
      tpu.enqueue_indirect_dma source(%dma_start3A_521 : memref<80xf32, #tpu.memory_space<vmem>>) target(%dma_start3A_526 : memref<40960xf32, #tpu.memory_space<vmem_shared>>) offsets(%dma_start3A_524 : memref<80xi32, #tpu.memory_space<vmem>>) semaphore(%dma_start3A_528 : memref<!tpu.dma_semaphore, #tpu.memory_space<semaphore_mem>>) {add = true}
      %add3A_529 = arith.constant 30240 : i32
      %add3A_530 = arith.addi %add3A_529, %mul3A_480 : i32
      %mul3A_531 = arith.constant 4 : i32
      %mul3A_532 = arith.muli %select_n3A_152, %mul3A_531 : i32
      %add3A_533 = arith.constant 3 : i32
      %add3A_534 = arith.addi %mul3A_532, %add3A_533 : i32
      %dma_start3A_535 = tpu.memref_slice %arg23[%add3A_530] : memref<40320xf32, #tpu.memory_space<vmem>> -> memref<80xf32, #tpu.memory_space<vmem>>
      %dma_start3A_536 = arith.constant 0 : i32
      %dma_start3A_537 = tpu.memref_slice %arg18[%add3A_534, %dma_start3A_536] : memref<8x80xi32, #tpu.memory_space<vmem>> -> memref<1x80xi32, #tpu.memory_space<vmem>>
      %dma_start3A_538 = tpu.memref_squeeze %dma_start3A_537 : memref<1x80xi32, #tpu.memory_space<vmem>> -> memref<80xi32, #tpu.memory_space<vmem>>
      %dma_start3A_539 = arith.constant 0 : i32
      %dma_start3A_540 = tpu.memref_slice %arg26[%dma_start3A_539] : memref<40960xf32, #tpu.memory_space<vmem_shared>> -> memref<40960xf32, #tpu.memory_space<vmem_shared>>
      %dma_start3A_541 = tpu.memref_slice %arg28[%select_n3A_152] : memref<2x!tpu.dma_semaphore, #tpu.memory_space<semaphore_mem>> -> memref<1x!tpu.dma_semaphore, #tpu.memory_space<semaphore_mem>>
      %dma_start3A_542 = tpu.memref_squeeze %dma_start3A_541 : memref<1x!tpu.dma_semaphore, #tpu.memory_space<semaphore_mem>> -> memref<!tpu.dma_semaphore, #tpu.memory_space<semaphore_mem>>
      tpu.enqueue_indirect_dma source(%dma_start3A_535 : memref<80xf32, #tpu.memory_space<vmem>>) target(%dma_start3A_540 : memref<40960xf32, #tpu.memory_space<vmem_shared>>) offsets(%dma_start3A_538 : memref<80xi32, #tpu.memory_space<vmem>>) semaphore(%dma_start3A_542 : memref<!tpu.dma_semaphore, #tpu.memory_space<semaphore_mem>>) {add = true}
      %lt3A_543 = arith.constant 124 : i32
      %lt3A_544 = arith.cmpi slt, %scan3A_140, %lt3A_543 : i32
      %convert_element_type3A_545 = arith.extui %lt3A_544 : i1 to i32
      %cond3A_546 = arith.constant 0 : i32
      %cond3A_547 = arith.cmpi ne, %convert_element_type3A_545, %cond3A_546 : i32
      scf.if %cond3A_547 {
        %add3A_548 = arith.constant 2 : i32
        %add3A_549 = arith.addi %scan3A_140, %add3A_548 : i32
        %jit3A_550 = arith.constant 2 : i32
        %eq3A_551 = arith.constant 0 : i32
        %eq3A_552 = arith.cmpi eq, %jit3A_550, %eq3A_551 : i32
        %jit3A_553 = arith.constant 1 : i32
        %select_n3A_554 = arith.select %eq3A_552, %jit3A_553, %jit3A_550 : i32
        %rem3A_555 = arith.remsi %add3A_549, %select_n3A_554 : i32
        %ne3A_556 = arith.constant 0 : i32
        %ne3A_557 = arith.cmpi ne, %rem3A_555, %ne3A_556 : i32
        %lt3A_558 = arith.constant 0 : i32
        %lt3A_559 = arith.cmpi slt, %rem3A_555, %lt3A_558 : i32
        %lt3A_560 = arith.constant 0 : i32
        %lt3A_561 = arith.cmpi slt, %select_n3A_554, %lt3A_560 : i32
        %ne3A_562 = arith.xori %lt3A_559, %lt3A_561 : i1
        %and3A_563 = arith.andi %ne3A_562, %ne3A_557 : i1
        %add3A_564 = arith.addi %rem3A_555, %select_n3A_554 : i32
        %select_n3A_565 = arith.select %and3A_563, %add3A_564, %rem3A_555 : i32
        %mul3A_566 = arith.constant 80 : i32
        %mul3A_567 = arith.muli %add3A_549, %mul3A_566 : i32
        %dma_start3A_568 = arith.constant 0 : i32
        %dma_start3A_569 = arith.constant 0 : i32
        %dma_start3A_570 = tpu.memref_slice %arg15[%select_n3A_565, %dma_start3A_568, %dma_start3A_569] : memref<2x80x16xf32, #tpu.memory_space<vmem>> -> memref<1x80x16xf32, #tpu.memory_space<vmem>>
        %dma_start3A_571 = tpu.memref_squeeze %dma_start3A_570 : memref<1x80x16xf32, #tpu.memory_space<vmem>> -> memref<80x16xf32, #tpu.memory_space<vmem>>
        %dma_start3A_572 = tpu.memref_slice %arg13[%mul3A_567] : memref<10080xi32, #tpu.memory_space<vmem>> -> memref<80xi32, #tpu.memory_space<vmem>>
        %dma_start3A_573 = arith.constant 0 : i32
        %dma_start3A_574 = arith.constant 0 : i32
        %dma_start3A_575 = tpu.memref_slice %arg4[%dma_start3A_573, %dma_start3A_574] : memref<10000x16xf32, #tpu.memory_space<hbm>> -> memref<10000x16xf32, #tpu.memory_space<hbm>>
        %dma_start3A_576 = tpu.memref_slice %arg27[%select_n3A_565] : memref<2x!tpu.dma_semaphore, #tpu.memory_space<semaphore_mem>> -> memref<1x!tpu.dma_semaphore, #tpu.memory_space<semaphore_mem>>
        %dma_start3A_577 = tpu.memref_squeeze %dma_start3A_576 : memref<1x!tpu.dma_semaphore, #tpu.memory_space<semaphore_mem>> -> memref<!tpu.dma_semaphore, #tpu.memory_space<semaphore_mem>>
        tpu.enqueue_indirect_dma source(%dma_start3A_575 : memref<10000x16xf32, #tpu.memory_space<hbm>>) target(%dma_start3A_571 : memref<80x16xf32, #tpu.memory_space<vmem>>) offsets(%dma_start3A_572 : memref<80xi32, #tpu.memory_space<vmem>>) semaphore(%dma_start3A_577 : memref<!tpu.dma_semaphore, #tpu.memory_space<semaphore_mem>>)
        %mul3A_578 = arith.constant 80 : i32
        %mul3A_579 = arith.muli %add3A_549, %mul3A_578 : i32
        %dma_start3A_580 = arith.constant 0 : i32
        %dma_start3A_581 = arith.constant 0 : i32
        %dma_start3A_582 = tpu.memref_slice %arg16[%select_n3A_565, %dma_start3A_580, %dma_start3A_581] : memref<2x80x16xf32, #tpu.memory_space<vmem>> -> memref<1x80x16xf32, #tpu.memory_space<vmem>>
        %dma_start3A_583 = tpu.memref_squeeze %dma_start3A_582 : memref<1x80x16xf32, #tpu.memory_space<vmem>> -> memref<80x16xf32, #tpu.memory_space<vmem>>
        %dma_start3A_584 = tpu.memref_slice %arg14[%mul3A_579] : memref<10080xi32, #tpu.memory_space<vmem>> -> memref<80xi32, #tpu.memory_space<vmem>>
        %dma_start3A_585 = arith.constant 0 : i32
        %dma_start3A_586 = arith.constant 0 : i32
        %dma_start3A_587 = tpu.memref_slice %arg5[%dma_start3A_585, %dma_start3A_586] : memref<10000x16xf32, #tpu.memory_space<hbm>> -> memref<10000x16xf32, #tpu.memory_space<hbm>>
        %dma_start3A_588 = tpu.memref_slice %arg27[%select_n3A_565] : memref<2x!tpu.dma_semaphore, #tpu.memory_space<semaphore_mem>> -> memref<1x!tpu.dma_semaphore, #tpu.memory_space<semaphore_mem>>
        %dma_start3A_589 = tpu.memref_squeeze %dma_start3A_588 : memref<1x!tpu.dma_semaphore, #tpu.memory_space<semaphore_mem>> -> memref<!tpu.dma_semaphore, #tpu.memory_space<semaphore_mem>>
        tpu.enqueue_indirect_dma source(%dma_start3A_587 : memref<10000x16xf32, #tpu.memory_space<hbm>>) target(%dma_start3A_583 : memref<80x16xf32, #tpu.memory_space<vmem>>) offsets(%dma_start3A_584 : memref<80xi32, #tpu.memory_space<vmem>>) semaphore(%dma_start3A_589 : memref<!tpu.dma_semaphore, #tpu.memory_space<semaphore_mem>>)
        %mul3A_590 = arith.constant 10080 : i32
        %mul3A_591 = arith.muli %arg1, %mul3A_590 : i32
        %mul3A_592 = arith.constant 80 : i32
        %mul3A_593 = arith.muli %add3A_549, %mul3A_592 : i32
        %add3A_594 = arith.addi %mul3A_591, %mul3A_593 : i32
        %dma_start3A_595 = arith.constant 0 : i32
        %dma_start3A_596 = arith.constant 0 : i32
        %dma_start3A_597 = tpu.memref_slice %arg17[%select_n3A_565, %dma_start3A_595, %dma_start3A_596] : memref<2x80x16xf32, #tpu.memory_space<vmem>> -> memref<1x80x16xf32, #tpu.memory_space<vmem>>
        %dma_start3A_598 = tpu.memref_squeeze %dma_start3A_597 : memref<1x80x16xf32, #tpu.memory_space<vmem>> -> memref<80x16xf32, #tpu.memory_space<vmem>>
        %dma_start3A_599 = arith.constant 0 : i32
        %dma_start3A_600 = tpu.memref_slice %arg6[%add3A_594, %dma_start3A_599] : memref<161280x16xf32, #tpu.memory_space<hbm>> -> memref<80x16xf32, #tpu.memory_space<hbm>>
        %dma_start3A_601 = tpu.memref_slice %arg27[%select_n3A_565] : memref<2x!tpu.dma_semaphore, #tpu.memory_space<semaphore_mem>> -> memref<1x!tpu.dma_semaphore, #tpu.memory_space<semaphore_mem>>
        %dma_start3A_602 = tpu.memref_squeeze %dma_start3A_601 : memref<1x!tpu.dma_semaphore, #tpu.memory_space<semaphore_mem>> -> memref<!tpu.dma_semaphore, #tpu.memory_space<semaphore_mem>>
        %dma_start3A_603 = arith.constant 0 : i32
        %dma_start3A_604 = arith.constant 0 : i32
        %dma_start3A_605 = tpu.memref_slice %arg17[%select_n3A_565, %dma_start3A_603, %dma_start3A_604] : memref<2x80x16xf32, #tpu.memory_space<vmem>> -> memref<1x80x16xf32, #tpu.memory_space<vmem>>
        %dma_start3A_606 = tpu.memref_squeeze %dma_start3A_605 : memref<1x80x16xf32, #tpu.memory_space<vmem>> -> memref<80x16xf32, #tpu.memory_space<vmem>>
        %dma_start3A_607 = arith.constant 0 : i32
        %dma_start3A_608 = tpu.memref_slice %arg6[%add3A_594, %dma_start3A_607] : memref<161280x16xf32, #tpu.memory_space<hbm>> -> memref<80x16xf32, #tpu.memory_space<hbm>>
        tpu.enqueue_dma source(%dma_start3A_608 : memref<80x16xf32, #tpu.memory_space<hbm>>) target(%dma_start3A_606 : memref<80x16xf32, #tpu.memory_space<vmem>>) target_semaphore(%dma_start3A_602 : memref<!tpu.dma_semaphore, #tpu.memory_space<semaphore_mem>>)
      } else {
      }
    }
    %scan3A_30 = arith.constant 126 : i32
    %dma_wait3A = arith.constant 0 : i32
    %dma_wait3A_31 = arith.constant 0 : i32
    %dma_wait3A_32 = arith.constant 0 : i32
    %dma_wait3A_33 = tpu.memref_slice %arg23[%dma_wait3A_32] : memref<40320xf32, #tpu.memory_space<vmem>> -> memref<80xf32, #tpu.memory_space<vmem>>
    %dma_wait3A_34 = arith.constant 0 : i32
    %dma_wait3A_35 = tpu.memref_slice %arg18[%dma_wait3A, %dma_wait3A_34] : memref<8x80xi32, #tpu.memory_space<vmem>> -> memref<1x80xi32, #tpu.memory_space<vmem>>
    %dma_wait3A_36 = tpu.memref_squeeze %dma_wait3A_35 : memref<1x80xi32, #tpu.memory_space<vmem>> -> memref<80xi32, #tpu.memory_space<vmem>>
    %dma_wait3A_37 = arith.constant 0 : i32
    %dma_wait3A_38 = tpu.memref_slice %arg26[%dma_wait3A_37] : memref<40960xf32, #tpu.memory_space<vmem_shared>> -> memref<40960xf32, #tpu.memory_space<vmem_shared>>
    %dma_wait3A_39 = tpu.memref_slice %arg28[%dma_wait3A_31] : memref<2x!tpu.dma_semaphore, #tpu.memory_space<semaphore_mem>> -> memref<1x!tpu.dma_semaphore, #tpu.memory_space<semaphore_mem>>
    %dma_wait3A_40 = tpu.memref_squeeze %dma_wait3A_39 : memref<1x!tpu.dma_semaphore, #tpu.memory_space<semaphore_mem>> -> memref<!tpu.dma_semaphore, #tpu.memory_space<semaphore_mem>>
    tpu.wait_indirect_dma semaphore(%dma_wait3A_40 : memref<!tpu.dma_semaphore, #tpu.memory_space<semaphore_mem>>) src(%dma_wait3A_33 : memref<80xf32, #tpu.memory_space<vmem>>) dst(%dma_wait3A_38 : memref<40960xf32, #tpu.memory_space<vmem_shared>>)
    %dma_wait3A_41 = arith.constant 1 : i32
    %dma_wait3A_42 = arith.constant 0 : i32
    %dma_wait3A_43 = arith.constant 80 : i32
    %dma_wait3A_44 = tpu.memref_slice %arg23[%dma_wait3A_43] : memref<40320xf32, #tpu.memory_space<vmem>> -> memref<80xf32, #tpu.memory_space<vmem>>
    %dma_wait3A_45 = arith.constant 0 : i32
    %dma_wait3A_46 = tpu.memref_slice %arg18[%dma_wait3A_41, %dma_wait3A_45] : memref<8x80xi32, #tpu.memory_space<vmem>> -> memref<1x80xi32, #tpu.memory_space<vmem>>
    %dma_wait3A_47 = tpu.memref_squeeze %dma_wait3A_46 : memref<1x80xi32, #tpu.memory_space<vmem>> -> memref<80xi32, #tpu.memory_space<vmem>>
    %dma_wait3A_48 = arith.constant 0 : i32
    %dma_wait3A_49 = tpu.memref_slice %arg26[%dma_wait3A_48] : memref<40960xf32, #tpu.memory_space<vmem_shared>> -> memref<40960xf32, #tpu.memory_space<vmem_shared>>
    %dma_wait3A_50 = tpu.memref_slice %arg28[%dma_wait3A_42] : memref<2x!tpu.dma_semaphore, #tpu.memory_space<semaphore_mem>> -> memref<1x!tpu.dma_semaphore, #tpu.memory_space<semaphore_mem>>
    %dma_wait3A_51 = tpu.memref_squeeze %dma_wait3A_50 : memref<1x!tpu.dma_semaphore, #tpu.memory_space<semaphore_mem>> -> memref<!tpu.dma_semaphore, #tpu.memory_space<semaphore_mem>>
    tpu.wait_indirect_dma semaphore(%dma_wait3A_51 : memref<!tpu.dma_semaphore, #tpu.memory_space<semaphore_mem>>) src(%dma_wait3A_44 : memref<80xf32, #tpu.memory_space<vmem>>) dst(%dma_wait3A_49 : memref<40960xf32, #tpu.memory_space<vmem_shared>>)
    %dma_wait3A_52 = arith.constant 2 : i32
    %dma_wait3A_53 = arith.constant 0 : i32
    %dma_wait3A_54 = arith.constant 160 : i32
    %dma_wait3A_55 = tpu.memref_slice %arg23[%dma_wait3A_54] : memref<40320xf32, #tpu.memory_space<vmem>> -> memref<80xf32, #tpu.memory_space<vmem>>
    %dma_wait3A_56 = arith.constant 0 : i32
    %dma_wait3A_57 = tpu.memref_slice %arg18[%dma_wait3A_52, %dma_wait3A_56] : memref<8x80xi32, #tpu.memory_space<vmem>> -> memref<1x80xi32, #tpu.memory_space<vmem>>
    %dma_wait3A_58 = tpu.memref_squeeze %dma_wait3A_57 : memref<1x80xi32, #tpu.memory_space<vmem>> -> memref<80xi32, #tpu.memory_space<vmem>>
    %dma_wait3A_59 = arith.constant 0 : i32
    %dma_wait3A_60 = tpu.memref_slice %arg26[%dma_wait3A_59] : memref<40960xf32, #tpu.memory_space<vmem_shared>> -> memref<40960xf32, #tpu.memory_space<vmem_shared>>
    %dma_wait3A_61 = tpu.memref_slice %arg28[%dma_wait3A_53] : memref<2x!tpu.dma_semaphore, #tpu.memory_space<semaphore_mem>> -> memref<1x!tpu.dma_semaphore, #tpu.memory_space<semaphore_mem>>
    %dma_wait3A_62 = tpu.memref_squeeze %dma_wait3A_61 : memref<1x!tpu.dma_semaphore, #tpu.memory_space<semaphore_mem>> -> memref<!tpu.dma_semaphore, #tpu.memory_space<semaphore_mem>>
    tpu.wait_indirect_dma semaphore(%dma_wait3A_62 : memref<!tpu.dma_semaphore, #tpu.memory_space<semaphore_mem>>) src(%dma_wait3A_55 : memref<80xf32, #tpu.memory_space<vmem>>) dst(%dma_wait3A_60 : memref<40960xf32, #tpu.memory_space<vmem_shared>>)
    %dma_wait3A_63 = arith.constant 3 : i32
    %dma_wait3A_64 = arith.constant 0 : i32
    %dma_wait3A_65 = arith.constant 240 : i32
    %dma_wait3A_66 = tpu.memref_slice %arg23[%dma_wait3A_65] : memref<40320xf32, #tpu.memory_space<vmem>> -> memref<80xf32, #tpu.memory_space<vmem>>
    %dma_wait3A_67 = arith.constant 0 : i32
    %dma_wait3A_68 = tpu.memref_slice %arg18[%dma_wait3A_63, %dma_wait3A_67] : memref<8x80xi32, #tpu.memory_space<vmem>> -> memref<1x80xi32, #tpu.memory_space<vmem>>
    %dma_wait3A_69 = tpu.memref_squeeze %dma_wait3A_68 : memref<1x80xi32, #tpu.memory_space<vmem>> -> memref<80xi32, #tpu.memory_space<vmem>>
    %dma_wait3A_70 = arith.constant 0 : i32
    %dma_wait3A_71 = tpu.memref_slice %arg26[%dma_wait3A_70] : memref<40960xf32, #tpu.memory_space<vmem_shared>> -> memref<40960xf32, #tpu.memory_space<vmem_shared>>
    %dma_wait3A_72 = tpu.memref_slice %arg28[%dma_wait3A_64] : memref<2x!tpu.dma_semaphore, #tpu.memory_space<semaphore_mem>> -> memref<1x!tpu.dma_semaphore, #tpu.memory_space<semaphore_mem>>
    %dma_wait3A_73 = tpu.memref_squeeze %dma_wait3A_72 : memref<1x!tpu.dma_semaphore, #tpu.memory_space<semaphore_mem>> -> memref<!tpu.dma_semaphore, #tpu.memory_space<semaphore_mem>>
    tpu.wait_indirect_dma semaphore(%dma_wait3A_73 : memref<!tpu.dma_semaphore, #tpu.memory_space<semaphore_mem>>) src(%dma_wait3A_66 : memref<80xf32, #tpu.memory_space<vmem>>) dst(%dma_wait3A_71 : memref<40960xf32, #tpu.memory_space<vmem_shared>>)
    %dma_wait3A_74 = arith.constant 4 : i32
    %dma_wait3A_75 = arith.constant 1 : i32
    %dma_wait3A_76 = arith.constant 0 : i32
    %dma_wait3A_77 = tpu.memref_slice %arg23[%dma_wait3A_76] : memref<40320xf32, #tpu.memory_space<vmem>> -> memref<80xf32, #tpu.memory_space<vmem>>
    %dma_wait3A_78 = arith.constant 0 : i32
    %dma_wait3A_79 = tpu.memref_slice %arg18[%dma_wait3A_74, %dma_wait3A_78] : memref<8x80xi32, #tpu.memory_space<vmem>> -> memref<1x80xi32, #tpu.memory_space<vmem>>
    %dma_wait3A_80 = tpu.memref_squeeze %dma_wait3A_79 : memref<1x80xi32, #tpu.memory_space<vmem>> -> memref<80xi32, #tpu.memory_space<vmem>>
    %dma_wait3A_81 = arith.constant 0 : i32
    %dma_wait3A_82 = tpu.memref_slice %arg26[%dma_wait3A_81] : memref<40960xf32, #tpu.memory_space<vmem_shared>> -> memref<40960xf32, #tpu.memory_space<vmem_shared>>
    %dma_wait3A_83 = tpu.memref_slice %arg28[%dma_wait3A_75] : memref<2x!tpu.dma_semaphore, #tpu.memory_space<semaphore_mem>> -> memref<1x!tpu.dma_semaphore, #tpu.memory_space<semaphore_mem>>
    %dma_wait3A_84 = tpu.memref_squeeze %dma_wait3A_83 : memref<1x!tpu.dma_semaphore, #tpu.memory_space<semaphore_mem>> -> memref<!tpu.dma_semaphore, #tpu.memory_space<semaphore_mem>>
    tpu.wait_indirect_dma semaphore(%dma_wait3A_84 : memref<!tpu.dma_semaphore, #tpu.memory_space<semaphore_mem>>) src(%dma_wait3A_77 : memref<80xf32, #tpu.memory_space<vmem>>) dst(%dma_wait3A_82 : memref<40960xf32, #tpu.memory_space<vmem_shared>>)
    %dma_wait3A_85 = arith.constant 5 : i32
    %dma_wait3A_86 = arith.constant 1 : i32
    %dma_wait3A_87 = arith.constant 80 : i32
    %dma_wait3A_88 = tpu.memref_slice %arg23[%dma_wait3A_87] : memref<40320xf32, #tpu.memory_space<vmem>> -> memref<80xf32, #tpu.memory_space<vmem>>
    %dma_wait3A_89 = arith.constant 0 : i32
    %dma_wait3A_90 = tpu.memref_slice %arg18[%dma_wait3A_85, %dma_wait3A_89] : memref<8x80xi32, #tpu.memory_space<vmem>> -> memref<1x80xi32, #tpu.memory_space<vmem>>
    %dma_wait3A_91 = tpu.memref_squeeze %dma_wait3A_90 : memref<1x80xi32, #tpu.memory_space<vmem>> -> memref<80xi32, #tpu.memory_space<vmem>>
    %dma_wait3A_92 = arith.constant 0 : i32
    %dma_wait3A_93 = tpu.memref_slice %arg26[%dma_wait3A_92] : memref<40960xf32, #tpu.memory_space<vmem_shared>> -> memref<40960xf32, #tpu.memory_space<vmem_shared>>
    %dma_wait3A_94 = tpu.memref_slice %arg28[%dma_wait3A_86] : memref<2x!tpu.dma_semaphore, #tpu.memory_space<semaphore_mem>> -> memref<1x!tpu.dma_semaphore, #tpu.memory_space<semaphore_mem>>
    %dma_wait3A_95 = tpu.memref_squeeze %dma_wait3A_94 : memref<1x!tpu.dma_semaphore, #tpu.memory_space<semaphore_mem>> -> memref<!tpu.dma_semaphore, #tpu.memory_space<semaphore_mem>>
    tpu.wait_indirect_dma semaphore(%dma_wait3A_95 : memref<!tpu.dma_semaphore, #tpu.memory_space<semaphore_mem>>) src(%dma_wait3A_88 : memref<80xf32, #tpu.memory_space<vmem>>) dst(%dma_wait3A_93 : memref<40960xf32, #tpu.memory_space<vmem_shared>>)
    %dma_wait3A_96 = arith.constant 6 : i32
    %dma_wait3A_97 = arith.constant 1 : i32
    %dma_wait3A_98 = arith.constant 160 : i32
    %dma_wait3A_99 = tpu.memref_slice %arg23[%dma_wait3A_98] : memref<40320xf32, #tpu.memory_space<vmem>> -> memref<80xf32, #tpu.memory_space<vmem>>
    %dma_wait3A_100 = arith.constant 0 : i32
    %dma_wait3A_101 = tpu.memref_slice %arg18[%dma_wait3A_96, %dma_wait3A_100] : memref<8x80xi32, #tpu.memory_space<vmem>> -> memref<1x80xi32, #tpu.memory_space<vmem>>
    %dma_wait3A_102 = tpu.memref_squeeze %dma_wait3A_101 : memref<1x80xi32, #tpu.memory_space<vmem>> -> memref<80xi32, #tpu.memory_space<vmem>>
    %dma_wait3A_103 = arith.constant 0 : i32
    %dma_wait3A_104 = tpu.memref_slice %arg26[%dma_wait3A_103] : memref<40960xf32, #tpu.memory_space<vmem_shared>> -> memref<40960xf32, #tpu.memory_space<vmem_shared>>
    %dma_wait3A_105 = tpu.memref_slice %arg28[%dma_wait3A_97] : memref<2x!tpu.dma_semaphore, #tpu.memory_space<semaphore_mem>> -> memref<1x!tpu.dma_semaphore, #tpu.memory_space<semaphore_mem>>
    %dma_wait3A_106 = tpu.memref_squeeze %dma_wait3A_105 : memref<1x!tpu.dma_semaphore, #tpu.memory_space<semaphore_mem>> -> memref<!tpu.dma_semaphore, #tpu.memory_space<semaphore_mem>>
    tpu.wait_indirect_dma semaphore(%dma_wait3A_106 : memref<!tpu.dma_semaphore, #tpu.memory_space<semaphore_mem>>) src(%dma_wait3A_99 : memref<80xf32, #tpu.memory_space<vmem>>) dst(%dma_wait3A_104 : memref<40960xf32, #tpu.memory_space<vmem_shared>>)
    %dma_wait3A_107 = arith.constant 7 : i32
    %dma_wait3A_108 = arith.constant 1 : i32
    %dma_wait3A_109 = arith.constant 240 : i32
    %dma_wait3A_110 = tpu.memref_slice %arg23[%dma_wait3A_109] : memref<40320xf32, #tpu.memory_space<vmem>> -> memref<80xf32, #tpu.memory_space<vmem>>
    %dma_wait3A_111 = arith.constant 0 : i32
    %dma_wait3A_112 = tpu.memref_slice %arg18[%dma_wait3A_107, %dma_wait3A_111] : memref<8x80xi32, #tpu.memory_space<vmem>> -> memref<1x80xi32, #tpu.memory_space<vmem>>
    %dma_wait3A_113 = tpu.memref_squeeze %dma_wait3A_112 : memref<1x80xi32, #tpu.memory_space<vmem>> -> memref<80xi32, #tpu.memory_space<vmem>>
    %dma_wait3A_114 = arith.constant 0 : i32
    %dma_wait3A_115 = tpu.memref_slice %arg26[%dma_wait3A_114] : memref<40960xf32, #tpu.memory_space<vmem_shared>> -> memref<40960xf32, #tpu.memory_space<vmem_shared>>
    %dma_wait3A_116 = tpu.memref_slice %arg28[%dma_wait3A_108] : memref<2x!tpu.dma_semaphore, #tpu.memory_space<semaphore_mem>> -> memref<1x!tpu.dma_semaphore, #tpu.memory_space<semaphore_mem>>
    %dma_wait3A_117 = tpu.memref_squeeze %dma_wait3A_116 : memref<1x!tpu.dma_semaphore, #tpu.memory_space<semaphore_mem>> -> memref<!tpu.dma_semaphore, #tpu.memory_space<semaphore_mem>>
    tpu.wait_indirect_dma semaphore(%dma_wait3A_117 : memref<!tpu.dma_semaphore, #tpu.memory_space<semaphore_mem>>) src(%dma_wait3A_110 : memref<80xf32, #tpu.memory_space<vmem>>) dst(%dma_wait3A_115 : memref<40960xf32, #tpu.memory_space<vmem_shared>>)
    %barrier3A_118 = arith.constant 0 : index
    tpu.barrier barrier_id(%barrier3A_118)
    %mul3A_119 = arith.constant 2560 : i32
    %mul3A_120 = arith.muli %arg1, %mul3A_119 : i32
    "tpu.region"() ({
      %run_scoped3A = tpu.sem_alloc : memref<!tpu.dma_semaphore, #tpu.memory_space<semaphore_mem>>
      %dma_start3A = arith.constant 0 : i32
      %dma_start3A_140 = tpu.memref_slice %arg24[%dma_start3A] : memref<40960xf32, #tpu.memory_space<vmem>> -> memref<2560xf32, #tpu.memory_space<vmem>>
      %dma_start3A_141 = tpu.memref_slice %arg26[%mul3A_120] : memref<40960xf32, #tpu.memory_space<vmem_shared>> -> memref<2560xf32, #tpu.memory_space<vmem_shared>>
      %dma_start3A_142 = arith.constant 0 : i32
      %dma_start3A_143 = tpu.memref_slice %arg24[%dma_start3A_142] : memref<40960xf32, #tpu.memory_space<vmem>> -> memref<2560xf32, #tpu.memory_space<vmem>>
      %dma_start3A_144 = tpu.memref_slice %arg26[%mul3A_120] : memref<40960xf32, #tpu.memory_space<vmem_shared>> -> memref<2560xf32, #tpu.memory_space<vmem_shared>>
      tpu.enqueue_dma source(%dma_start3A_144 : memref<2560xf32, #tpu.memory_space<vmem_shared>>) target(%dma_start3A_143 : memref<2560xf32, #tpu.memory_space<vmem>>) target_semaphore(%run_scoped3A : memref<!tpu.dma_semaphore, #tpu.memory_space<semaphore_mem>>)
      %dma_wait3A_145 = arith.constant 0 : i32
      %dma_wait3A_146 = tpu.memref_slice %arg24[%dma_wait3A_145] : memref<40960xf32, #tpu.memory_space<vmem>> -> memref<2560xf32, #tpu.memory_space<vmem>>
      %dma_wait3A_147 = tpu.memref_slice %arg26[%mul3A_120] : memref<40960xf32, #tpu.memory_space<vmem_shared>> -> memref<2560xf32, #tpu.memory_space<vmem_shared>>
      %dma_wait3A_148 = arith.constant 0 : i32
      %dma_wait3A_149 = tpu.memref_slice %arg24[%dma_wait3A_148] : memref<40960xf32, #tpu.memory_space<vmem>> -> memref<2560xf32, #tpu.memory_space<vmem>>
      %dma_wait3A_150 = tpu.memref_slice %arg26[%mul3A_120] : memref<40960xf32, #tpu.memory_space<vmem_shared>> -> memref<2560xf32, #tpu.memory_space<vmem_shared>>
      tpu.wait_dma2 semaphore(%run_scoped3A : memref<!tpu.dma_semaphore, #tpu.memory_space<semaphore_mem>>) src(%dma_wait3A_150 : memref<2560xf32, #tpu.memory_space<vmem_shared>>) dst(%dma_wait3A_149 : memref<2560xf32, #tpu.memory_space<vmem>>)
      tpu.yield
    }) : () -> ()
    %scan3A_121 = arith.constant 0 : i32
    %scan3A_122 = arith.constant 0 : i32
    %scan3A_123 = arith.constant 160 : i32
    %scan3A_124 = arith.addi %scan3A_122, %scan3A_123 : i32
    %scan3A_125 = arith.constant 1 : i32
    scf.for %scan3A_140 = %scan3A_122 to %scan3A_124 step %scan3A_125  : i32 {
      %mul3A_141 = arith.constant 16 : i32
      %mul3A_142 = arith.muli %scan3A_140, %mul3A_141 : i32
      %get3A = arith.index_cast %mul3A_142 : i32 to index
      %get3A_143 = tpu.vector_load %arg24[%get3A] {strides = array<i32>} : memref<40960xf32, #tpu.memory_space<vmem>>, vector<16xf32>,
      %add3A_144 = arith.constant 1.000000e-16 : f32
      %add3A_145 = vector.broadcast %add3A_144 : f32 to vector<16xf32>
      %add3A_146 = arith.addf %get3A_143, %add3A_145 : vector<16xf32>
      %div3A = arith.constant 1.000000e+00 : f32
      %div3A_147 = vector.broadcast %div3A : f32 to vector<16xf32>
      %div3A_148 = arith.divf %div3A_147, %add3A_146 : vector<16xf32>
      %mul3A_149 = arith.constant 16 : i32
      %mul3A_150 = arith.muli %scan3A_140, %mul3A_149 : i32
      %swap3A = arith.index_cast %mul3A_150 : i32 to index
      %swap3A_151 = tpu.vector_load %arg24[%swap3A] {strides = array<i32>} : memref<40960xf32, #tpu.memory_space<vmem>>, vector<16xf32>,
      tpu.vector_store %arg24[%swap3A], %div3A_148 {strides = array<i32>} : memref<40960xf32, #tpu.memory_space<vmem>>, vector<16xf32>,
    }
    %scan3A_126 = arith.constant 160 : i32
    "tpu.region"() ({
      %run_scoped3A = tpu.sem_alloc : memref<!tpu.dma_semaphore, #tpu.memory_space<semaphore_mem>>
      %dma_start3A = arith.constant 0 : i32
      %dma_start3A_140 = tpu.memref_slice %arg24[%dma_start3A] : memref<40960xf32, #tpu.memory_space<vmem>> -> memref<2560xf32, #tpu.memory_space<vmem>>
      %dma_start3A_141 = tpu.memref_slice %arg26[%mul3A_120] : memref<40960xf32, #tpu.memory_space<vmem_shared>> -> memref<2560xf32, #tpu.memory_space<vmem_shared>>
      %dma_start3A_142 = tpu.memref_slice %arg26[%mul3A_120] : memref<40960xf32, #tpu.memory_space<vmem_shared>> -> memref<2560xf32, #tpu.memory_space<vmem_shared>>
      %dma_start3A_143 = arith.constant 0 : i32
      %dma_start3A_144 = tpu.memref_slice %arg24[%dma_start3A_143] : memref<40960xf32, #tpu.memory_space<vmem>> -> memref<2560xf32, #tpu.memory_space<vmem>>
      tpu.enqueue_dma source(%dma_start3A_144 : memref<2560xf32, #tpu.memory_space<vmem>>) target(%dma_start3A_142 : memref<2560xf32, #tpu.memory_space<vmem_shared>>) target_semaphore(%run_scoped3A : memref<!tpu.dma_semaphore, #tpu.memory_space<semaphore_mem>>)
      %dma_wait3A_145 = arith.constant 0 : i32
      %dma_wait3A_146 = tpu.memref_slice %arg24[%dma_wait3A_145] : memref<40960xf32, #tpu.memory_space<vmem>> -> memref<2560xf32, #tpu.memory_space<vmem>>
      %dma_wait3A_147 = tpu.memref_slice %arg26[%mul3A_120] : memref<40960xf32, #tpu.memory_space<vmem_shared>> -> memref<2560xf32, #tpu.memory_space<vmem_shared>>
      %dma_wait3A_148 = tpu.memref_slice %arg26[%mul3A_120] : memref<40960xf32, #tpu.memory_space<vmem_shared>> -> memref<2560xf32, #tpu.memory_space<vmem_shared>>
      %dma_wait3A_149 = arith.constant 0 : i32
      %dma_wait3A_150 = tpu.memref_slice %arg24[%dma_wait3A_149] : memref<40960xf32, #tpu.memory_space<vmem>> -> memref<2560xf32, #tpu.memory_space<vmem>>
      tpu.wait_dma2 semaphore(%run_scoped3A : memref<!tpu.dma_semaphore, #tpu.memory_space<semaphore_mem>>) src(%dma_wait3A_150 : memref<2560xf32, #tpu.memory_space<vmem>>) dst(%dma_wait3A_148 : memref<2560xf32, #tpu.memory_space<vmem_shared>>)
      tpu.yield
    }) : () -> ()
    %barrier3A_127 = arith.constant 0 : index
    tpu.barrier barrier_id(%barrier3A_127)
    "tpu.region"() ({
      %run_scoped3A = tpu.sem_alloc : memref<!tpu.dma_semaphore, #tpu.memory_space<semaphore_mem>>
      tpu.enqueue_dma source(%arg26 : memref<40960xf32, #tpu.memory_space<vmem_shared>>) target(%arg24 : memref<40960xf32, #tpu.memory_space<vmem>>) target_semaphore(%run_scoped3A : memref<!tpu.dma_semaphore, #tpu.memory_space<semaphore_mem>>)
      tpu.wait_dma2 semaphore(%run_scoped3A : memref<!tpu.dma_semaphore, #tpu.memory_space<semaphore_mem>>) src(%arg26 : memref<40960xf32, #tpu.memory_space<vmem_shared>>) dst(%arg24 : memref<40960xf32, #tpu.memory_space<vmem>>)
      tpu.yield
    }) : () -> ()
    %scan3A_128 = arith.constant 0 : i32
    %scan3A_129 = arith.constant 0 : i32
    %scan3A_130 = arith.constant 630 : i32
    %scan3A_131 = arith.addi %scan3A_129, %scan3A_130 : i32
    %scan3A_132 = arith.constant 1 : i32
    scf.for %scan3A_140 = %scan3A_129 to %scan3A_131 step %scan3A_132  : i32 {
      %mul3A_141 = arith.constant 16 : i32
      %mul3A_142 = arith.muli %scan3A_140, %mul3A_141 : i32
      %get3A = arith.index_cast %mul3A_142 : i32 to index
      %get3A_143 = tpu.vector_load %arg14[%get3A] {strides = array<i32>} : memref<10080xi32, #tpu.memory_space<vmem>>, vector<16xi32>,
      %mul3A_144 = arith.constant 16 : i32
      %mul3A_145 = arith.muli %scan3A_140, %mul3A_144 : i32
      %add3A_146 = arith.constant 0 : i32
      %add3A_147 = arith.addi %add3A_146, %mul3A_145 : i32
      %get3A_148 = arith.index_cast %add3A_147 : i32 to index
      %get3A_149 = tpu.vector_load %arg23[%get3A_148] {strides = array<i32>} : memref<40320xf32, #tpu.memory_space<vmem>>, vector<16xf32>,
      %mul3A_150 = arith.constant 4 : i32
      %mul3A_151 = vector.broadcast %mul3A_150 : i32 to vector<16xi32>
      %mul3A_152 = arith.muli %get3A_143, %mul3A_151 : vector<16xi32>
      %add3A_153 = arith.constant 0 : i32
      %add3A_154 = vector.broadcast %add3A_153 : i32 to vector<16xi32>
      %add3A_155 = arith.addi %mul3A_152, %add3A_154 : vector<16xi32>
      %gather3A = tpu.vector_load_idx %arg24[%add3A_155] : memref<40960xf32, #tpu.memory_space<vmem>>[vector<16xi32>], vector<16xf32>,
      %mul3A_156 = arith.mulf %get3A_149, %gather3A : vector<16xf32>
      %swap3A = arith.index_cast %add3A_147 : i32 to index
      %swap3A_157 = tpu.vector_load %arg23[%swap3A] {strides = array<i32>} : memref<40320xf32, #tpu.memory_space<vmem>>, vector<16xf32>,
      tpu.vector_store %arg23[%swap3A], %mul3A_156 {strides = array<i32>} : memref<40320xf32, #tpu.memory_space<vmem>>, vector<16xf32>,
      %mul3A_158 = arith.constant 16 : i32
      %mul3A_159 = arith.muli %scan3A_140, %mul3A_158 : i32
      %add3A_160 = arith.constant 10080 : i32
      %add3A_161 = arith.addi %add3A_160, %mul3A_159 : i32
      %get3A_162 = arith.index_cast %add3A_161 : i32 to index
      %get3A_163 = tpu.vector_load %arg23[%get3A_162] {strides = array<i32>} : memref<40320xf32, #tpu.memory_space<vmem>>, vector<16xf32>,
      %mul3A_164 = arith.constant 4 : i32
      %mul3A_165 = vector.broadcast %mul3A_164 : i32 to vector<16xi32>
      %mul3A_166 = arith.muli %get3A_143, %mul3A_165 : vector<16xi32>
      %add3A_167 = arith.constant 1 : i32
      %add3A_168 = vector.broadcast %add3A_167 : i32 to vector<16xi32>
      %add3A_169 = arith.addi %mul3A_166, %add3A_168 : vector<16xi32>
      %gather3A_170 = tpu.vector_load_idx %arg24[%add3A_169] : memref<40960xf32, #tpu.memory_space<vmem>>[vector<16xi32>], vector<16xf32>,
      %mul3A_171 = arith.mulf %get3A_163, %gather3A_170 : vector<16xf32>
      %swap3A_172 = arith.index_cast %add3A_161 : i32 to index
      %swap3A_173 = tpu.vector_load %arg23[%swap3A_172] {strides = array<i32>} : memref<40320xf32, #tpu.memory_space<vmem>>, vector<16xf32>,
      tpu.vector_store %arg23[%swap3A_172], %mul3A_171 {strides = array<i32>} : memref<40320xf32, #tpu.memory_space<vmem>>, vector<16xf32>,
      %mul3A_174 = arith.constant 16 : i32
      %mul3A_175 = arith.muli %scan3A_140, %mul3A_174 : i32
      %add3A_176 = arith.constant 20160 : i32
      %add3A_177 = arith.addi %add3A_176, %mul3A_175 : i32
      %get3A_178 = arith.index_cast %add3A_177 : i32 to index
      %get3A_179 = tpu.vector_load %arg23[%get3A_178] {strides = array<i32>} : memref<40320xf32, #tpu.memory_space<vmem>>, vector<16xf32>,
      %mul3A_180 = arith.constant 4 : i32
      %mul3A_181 = vector.broadcast %mul3A_180 : i32 to vector<16xi32>
      %mul3A_182 = arith.muli %get3A_143, %mul3A_181 : vector<16xi32>
      %add3A_183 = arith.constant 2 : i32
      %add3A_184 = vector.broadcast %add3A_183 : i32 to vector<16xi32>
      %add3A_185 = arith.addi %mul3A_182, %add3A_184 : vector<16xi32>
      %gather3A_186 = tpu.vector_load_idx %arg24[%add3A_185] : memref<40960xf32, #tpu.memory_space<vmem>>[vector<16xi32>], vector<16xf32>,
      %mul3A_187 = arith.mulf %get3A_179, %gather3A_186 : vector<16xf32>
      %swap3A_188 = arith.index_cast %add3A_177 : i32 to index
      %swap3A_189 = tpu.vector_load %arg23[%swap3A_188] {strides = array<i32>} : memref<40320xf32, #tpu.memory_space<vmem>>, vector<16xf32>,
      tpu.vector_store %arg23[%swap3A_188], %mul3A_187 {strides = array<i32>} : memref<40320xf32, #tpu.memory_space<vmem>>, vector<16xf32>,
      %mul3A_190 = arith.constant 16 : i32
      %mul3A_191 = arith.muli %scan3A_140, %mul3A_190 : i32
      %add3A_192 = arith.constant 30240 : i32
      %add3A_193 = arith.addi %add3A_192, %mul3A_191 : i32
      %get3A_194 = arith.index_cast %add3A_193 : i32 to index
      %get3A_195 = tpu.vector_load %arg23[%get3A_194] {strides = array<i32>} : memref<40320xf32, #tpu.memory_space<vmem>>, vector<16xf32>,
      %mul3A_196 = arith.constant 4 : i32
      %mul3A_197 = vector.broadcast %mul3A_196 : i32 to vector<16xi32>
      %mul3A_198 = arith.muli %get3A_143, %mul3A_197 : vector<16xi32>
      %add3A_199 = arith.constant 3 : i32
      %add3A_200 = vector.broadcast %add3A_199 : i32 to vector<16xi32>
      %add3A_201 = arith.addi %mul3A_198, %add3A_200 : vector<16xi32>
      %gather3A_202 = tpu.vector_load_idx %arg24[%add3A_201] : memref<40960xf32, #tpu.memory_space<vmem>>[vector<16xi32>], vector<16xf32>,
      %mul3A_203 = arith.mulf %get3A_195, %gather3A_202 : vector<16xf32>
      %swap3A_204 = arith.index_cast %add3A_193 : i32 to index
      %swap3A_205 = tpu.vector_load %arg23[%swap3A_204] {strides = array<i32>} : memref<40320xf32, #tpu.memory_space<vmem>>, vector<16xf32>,
      tpu.vector_store %arg23[%swap3A_204], %mul3A_203 {strides = array<i32>} : memref<40320xf32, #tpu.memory_space<vmem>>, vector<16xf32>,
    }
    %scan3A_133 = arith.constant 630 : i32
    %scan3A_134 = arith.constant 0 : i32
    %scan3A_135 = arith.constant 0 : i32
    %scan3A_136 = arith.constant 8 : i32
    %scan3A_137 = arith.addi %scan3A_135, %scan3A_136 : i32
    %scan3A_138 = arith.constant 1 : i32
    scf.for %scan3A_140 = %scan3A_135 to %scan3A_137 step %scan3A_138  : i32 {
      %scan3A_141 = arith.constant 0 : i32
      %scan3A_142 = arith.constant 0 : i32
      %scan3A_143 = arith.constant 2 : i32
      %scan3A_144 = arith.addi %scan3A_142, %scan3A_143 : i32
      %scan3A_145 = arith.constant 1 : i32
      scf.for %scan3A_203 = %scan3A_142 to %scan3A_144 step %scan3A_145  : i32 {
        %jit3A = arith.constant 2 : i32
        %eq3A_204 = arith.constant 0 : i32
        %eq3A_205 = arith.cmpi eq, %jit3A, %eq3A_204 : i32
        %jit3A_206 = arith.constant 1 : i32
        %select_n3A = arith.select %eq3A_205, %jit3A_206, %jit3A : i32
        %rem3A = arith.remsi %scan3A_203, %select_n3A : i32
        %ne3A = arith.constant 0 : i32
        %ne3A_207 = arith.cmpi ne, %rem3A, %ne3A : i32
        %lt3A_208 = arith.constant 0 : i32
        %lt3A_209 = arith.cmpi slt, %rem3A, %lt3A_208 : i32
        %lt3A_210 = arith.constant 0 : i32
        %lt3A_211 = arith.cmpi slt, %select_n3A, %lt3A_210 : i32
        %ne3A_212 = arith.xori %lt3A_209, %lt3A_211 : i1
        %and3A_213 = arith.andi %ne3A_212, %ne3A_207 : i1
        %add3A_214 = arith.addi %rem3A, %select_n3A : i32
        %select_n3A_215 = arith.select %and3A_213, %add3A_214, %rem3A : i32
        %mul3A_216 = arith.constant 112 : i32
        %mul3A_217 = arith.muli %scan3A_203, %mul3A_216 : i32
        %add3A_218 = arith.constant 0 : i32
        %add3A_219 = arith.addi %mul3A_217, %add3A_218 : i32
        %get3A = arith.index_cast %add3A_219 : i32 to index
        %get3A_220 = tpu.vector_load %arg13[%get3A] {strides = array<i32>} : memref<10080xi32, #tpu.memory_space<vmem>>, vector<16xi32>,
        %mul3A_221 = arith.constant 8 : i32
        %mul3A_222 = vector.broadcast %mul3A_221 : i32 to vector<16xi32>
        %mul3A_223 = arith.muli %get3A_220, %mul3A_222 : vector<16xi32>
        %add3A_224 = vector.broadcast %scan3A_140 : i32 to vector<16xi32>
        %add3A_225 = arith.addi %mul3A_223, %add3A_224 : vector<16xi32>
        %swap3A = arith.index_cast %select_n3A_215 : i32 to index
        %swap3A_226 = arith.constant 0 : index
        %swap3A_227 = tpu.vector_load %arg19[%swap3A, %swap3A_226] {strides = array<i32>} : memref<2x112xi32, #tpu.memory_space<vmem>>, vector<16xi32>,
        tpu.vector_store %arg19[%swap3A, %swap3A_226], %add3A_225 {strides = array<i32>} : memref<2x112xi32, #tpu.memory_space<vmem>>, vector<16xi32>,
        %add3A_228 = arith.constant 16 : i32
        %add3A_229 = arith.addi %mul3A_217, %add3A_228 : i32
        %get3A_230 = arith.index_cast %add3A_229 : i32 to index
        %get3A_231 = tpu.vector_load %arg13[%get3A_230] {strides = array<i32>} : memref<10080xi32, #tpu.memory_space<vmem>>, vector<16xi32>,
        %mul3A_232 = arith.constant 8 : i32
        %mul3A_233 = vector.broadcast %mul3A_232 : i32 to vector<16xi32>
        %mul3A_234 = arith.muli %get3A_231, %mul3A_233 : vector<16xi32>
        %add3A_235 = vector.broadcast %scan3A_140 : i32 to vector<16xi32>
        %add3A_236 = arith.addi %mul3A_234, %add3A_235 : vector<16xi32>
        %swap3A_237 = arith.index_cast %select_n3A_215 : i32 to index
        %swap3A_238 = arith.constant 16 : index
        %swap3A_239 = tpu.vector_load %arg19[%swap3A_237, %swap3A_238] {strides = array<i32>} : memref<2x112xi32, #tpu.memory_space<vmem>>, vector<16xi32>,
        tpu.vector_store %arg19[%swap3A_237, %swap3A_238], %add3A_236 {strides = array<i32>} : memref<2x112xi32, #tpu.memory_space<vmem>>, vector<16xi32>,
        %add3A_240 = arith.constant 32 : i32
        %add3A_241 = arith.addi %mul3A_217, %add3A_240 : i32
        %get3A_242 = arith.index_cast %add3A_241 : i32 to index
        %get3A_243 = tpu.vector_load %arg13[%get3A_242] {strides = array<i32>} : memref<10080xi32, #tpu.memory_space<vmem>>, vector<16xi32>,
        %mul3A_244 = arith.constant 8 : i32
        %mul3A_245 = vector.broadcast %mul3A_244 : i32 to vector<16xi32>
        %mul3A_246 = arith.muli %get3A_243, %mul3A_245 : vector<16xi32>
        %add3A_247 = vector.broadcast %scan3A_140 : i32 to vector<16xi32>
        %add3A_248 = arith.addi %mul3A_246, %add3A_247 : vector<16xi32>
        %swap3A_249 = arith.index_cast %select_n3A_215 : i32 to index
        %swap3A_250 = arith.constant 32 : index
        %swap3A_251 = tpu.vector_load %arg19[%swap3A_249, %swap3A_250] {strides = array<i32>} : memref<2x112xi32, #tpu.memory_space<vmem>>, vector<16xi32>,
        tpu.vector_store %arg19[%swap3A_249, %swap3A_250], %add3A_248 {strides = array<i32>} : memref<2x112xi32, #tpu.memory_space<vmem>>, vector<16xi32>,
        %add3A_252 = arith.constant 48 : i32
        %add3A_253 = arith.addi %mul3A_217, %add3A_252 : i32
        %get3A_254 = arith.index_cast %add3A_253 : i32 to index
        %get3A_255 = tpu.vector_load %arg13[%get3A_254] {strides = array<i32>} : memref<10080xi32, #tpu.memory_space<vmem>>, vector<16xi32>,
        %mul3A_256 = arith.constant 8 : i32
        %mul3A_257 = vector.broadcast %mul3A_256 : i32 to vector<16xi32>
        %mul3A_258 = arith.muli %get3A_255, %mul3A_257 : vector<16xi32>
        %add3A_259 = vector.broadcast %scan3A_140 : i32 to vector<16xi32>
        %add3A_260 = arith.addi %mul3A_258, %add3A_259 : vector<16xi32>
        %swap3A_261 = arith.index_cast %select_n3A_215 : i32 to index
        %swap3A_262 = arith.constant 48 : index
        %swap3A_263 = tpu.vector_load %arg19[%swap3A_261, %swap3A_262] {strides = array<i32>} : memref<2x112xi32, #tpu.memory_space<vmem>>, vector<16xi32>,
        tpu.vector_store %arg19[%swap3A_261, %swap3A_262], %add3A_260 {strides = array<i32>} : memref<2x112xi32, #tpu.memory_space<vmem>>, vector<16xi32>,
        %add3A_264 = arith.constant 64 : i32
        %add3A_265 = arith.addi %mul3A_217, %add3A_264 : i32
        %get3A_266 = arith.index_cast %add3A_265 : i32 to index
        %get3A_267 = tpu.vector_load %arg13[%get3A_266] {strides = array<i32>} : memref<10080xi32, #tpu.memory_space<vmem>>, vector<16xi32>,
        %mul3A_268 = arith.constant 8 : i32
        %mul3A_269 = vector.broadcast %mul3A_268 : i32 to vector<16xi32>
        %mul3A_270 = arith.muli %get3A_267, %mul3A_269 : vector<16xi32>
        %add3A_271 = vector.broadcast %scan3A_140 : i32 to vector<16xi32>
        %add3A_272 = arith.addi %mul3A_270, %add3A_271 : vector<16xi32>
        %swap3A_273 = arith.index_cast %select_n3A_215 : i32 to index
        %swap3A_274 = arith.constant 64 : index
        %swap3A_275 = tpu.vector_load %arg19[%swap3A_273, %swap3A_274] {strides = array<i32>} : memref<2x112xi32, #tpu.memory_space<vmem>>, vector<16xi32>,
        tpu.vector_store %arg19[%swap3A_273, %swap3A_274], %add3A_272 {strides = array<i32>} : memref<2x112xi32, #tpu.memory_space<vmem>>, vector<16xi32>,
        %add3A_276 = arith.constant 80 : i32
        %add3A_277 = arith.addi %mul3A_217, %add3A_276 : i32
        %get3A_278 = arith.index_cast %add3A_277 : i32 to index
        %get3A_279 = tpu.vector_load %arg13[%get3A_278] {strides = array<i32>} : memref<10080xi32, #tpu.memory_space<vmem>>, vector<16xi32>,
        %mul3A_280 = arith.constant 8 : i32
        %mul3A_281 = vector.broadcast %mul3A_280 : i32 to vector<16xi32>
        %mul3A_282 = arith.muli %get3A_279, %mul3A_281 : vector<16xi32>
        %add3A_283 = vector.broadcast %scan3A_140 : i32 to vector<16xi32>
        %add3A_284 = arith.addi %mul3A_282, %add3A_283 : vector<16xi32>
        %swap3A_285 = arith.index_cast %select_n3A_215 : i32 to index
        %swap3A_286 = arith.constant 80 : index
        %swap3A_287 = tpu.vector_load %arg19[%swap3A_285, %swap3A_286] {strides = array<i32>} : memref<2x112xi32, #tpu.memory_space<vmem>>, vector<16xi32>,
        tpu.vector_store %arg19[%swap3A_285, %swap3A_286], %add3A_284 {strides = array<i32>} : memref<2x112xi32, #tpu.memory_space<vmem>>, vector<16xi32>,
        %add3A_288 = arith.constant 96 : i32
        %add3A_289 = arith.addi %mul3A_217, %add3A_288 : i32
        %get3A_290 = arith.index_cast %add3A_289 : i32 to index
        %get3A_291 = tpu.vector_load %arg13[%get3A_290] {strides = array<i32>} : memref<10080xi32, #tpu.memory_space<vmem>>, vector<16xi32>,
        %mul3A_292 = arith.constant 8 : i32
        %mul3A_293 = vector.broadcast %mul3A_292 : i32 to vector<16xi32>
        %mul3A_294 = arith.muli %get3A_291, %mul3A_293 : vector<16xi32>
        %add3A_295 = vector.broadcast %scan3A_140 : i32 to vector<16xi32>
        %add3A_296 = arith.addi %mul3A_294, %add3A_295 : vector<16xi32>
        %swap3A_297 = arith.index_cast %select_n3A_215 : i32 to index
        %swap3A_298 = arith.constant 96 : index
        %swap3A_299 = tpu.vector_load %arg19[%swap3A_297, %swap3A_298] {strides = array<i32>} : memref<2x112xi32, #tpu.memory_space<vmem>>, vector<16xi32>,
        tpu.vector_store %arg19[%swap3A_297, %swap3A_298], %add3A_296 {strides = array<i32>} : memref<2x112xi32, #tpu.memory_space<vmem>>, vector<16xi32>,
        %eq3A_300 = arith.constant 0 : i32
        %eq3A_301 = arith.cmpi eq, %arg0, %eq3A_300 : i32
        %convert_element_type3A_302 = arith.extui %eq3A_301 : i1 to i32
        %cond3A_303 = arith.constant 0 : i32
        %cond3A_304 = arith.cmpi ne, %convert_element_type3A_302, %cond3A_303 : i32
        scf.if %cond3A_304 {
          %dma_start3A = arith.constant 0 : i32
          %dma_start3A_310 = arith.constant 0 : i32
          %dma_start3A_311 = tpu.memref_slice %arg21[%select_n3A_215, %dma_start3A, %dma_start3A_310] : memref<2x112x16xf32, #tpu.memory_space<vmem>> -> memref<1x112x16xf32, #tpu.memory_space<vmem>>
          %dma_start3A_312 = tpu.memref_squeeze %dma_start3A_311 : memref<1x112x16xf32, #tpu.memory_space<vmem>> -> memref<112x16xf32, #tpu.memory_space<vmem>>
          %dma_start3A_313 = arith.constant 0 : i32
          %dma_start3A_314 = tpu.memref_slice %arg19[%select_n3A_215, %dma_start3A_313] : memref<2x112xi32, #tpu.memory_space<vmem>> -> memref<1x112xi32, #tpu.memory_space<vmem>>
          %dma_start3A_315 = tpu.memref_squeeze %dma_start3A_314 : memref<1x112xi32, #tpu.memory_space<vmem>> -> memref<112xi32, #tpu.memory_space<vmem>>
          %dma_start3A_316 = arith.constant 0 : i32
          %dma_start3A_317 = arith.constant 0 : i32
          %dma_start3A_318 = tpu.memref_slice %arg2[%dma_start3A_316, %dma_start3A_317] : memref<80000x16xf32, #tpu.memory_space<hbm>> -> memref<80000x16xf32, #tpu.memory_space<hbm>>
          %dma_start3A_319 = tpu.memref_slice %arg27[%select_n3A_215] : memref<2x!tpu.dma_semaphore, #tpu.memory_space<semaphore_mem>> -> memref<1x!tpu.dma_semaphore, #tpu.memory_space<semaphore_mem>>
          %dma_start3A_320 = tpu.memref_squeeze %dma_start3A_319 : memref<1x!tpu.dma_semaphore, #tpu.memory_space<semaphore_mem>> -> memref<!tpu.dma_semaphore, #tpu.memory_space<semaphore_mem>>
          tpu.enqueue_indirect_dma source(%dma_start3A_318 : memref<80000x16xf32, #tpu.memory_space<hbm>>) target(%dma_start3A_312 : memref<112x16xf32, #tpu.memory_space<vmem>>) offsets(%dma_start3A_315 : memref<112xi32, #tpu.memory_space<vmem>>) semaphore(%dma_start3A_320 : memref<!tpu.dma_semaphore, #tpu.memory_space<semaphore_mem>>)
        } else {
        }
        %eq3A_305 = arith.constant 1 : i32
        %eq3A_306 = arith.cmpi eq, %arg0, %eq3A_305 : i32
        %convert_element_type3A_307 = arith.extui %eq3A_306 : i1 to i32
        %cond3A_308 = arith.constant 0 : i32
        %cond3A_309 = arith.cmpi ne, %convert_element_type3A_307, %cond3A_308 : i32
        scf.if %cond3A_309 {
          %dma_start3A = arith.constant 0 : i32
          %dma_start3A_310 = arith.constant 0 : i32
          %dma_start3A_311 = tpu.memref_slice %arg21[%select_n3A_215, %dma_start3A, %dma_start3A_310] : memref<2x112x16xf32, #tpu.memory_space<vmem>> -> memref<1x112x16xf32, #tpu.memory_space<vmem>>
          %dma_start3A_312 = tpu.memref_squeeze %dma_start3A_311 : memref<1x112x16xf32, #tpu.memory_space<vmem>> -> memref<112x16xf32, #tpu.memory_space<vmem>>
          %dma_start3A_313 = arith.constant 0 : i32
          %dma_start3A_314 = tpu.memref_slice %arg19[%select_n3A_215, %dma_start3A_313] : memref<2x112xi32, #tpu.memory_space<vmem>> -> memref<1x112xi32, #tpu.memory_space<vmem>>
          %dma_start3A_315 = tpu.memref_squeeze %dma_start3A_314 : memref<1x112xi32, #tpu.memory_space<vmem>> -> memref<112xi32, #tpu.memory_space<vmem>>
          %dma_start3A_316 = arith.constant 0 : i32
          %dma_start3A_317 = arith.constant 0 : i32
          %dma_start3A_318 = tpu.memref_slice %arg3[%dma_start3A_316, %dma_start3A_317] : memref<80000x16xf32, #tpu.memory_space<hbm>> -> memref<80000x16xf32, #tpu.memory_space<hbm>>
          %dma_start3A_319 = tpu.memref_slice %arg27[%select_n3A_215] : memref<2x!tpu.dma_semaphore, #tpu.memory_space<semaphore_mem>> -> memref<1x!tpu.dma_semaphore, #tpu.memory_space<semaphore_mem>>
          %dma_start3A_320 = tpu.memref_squeeze %dma_start3A_319 : memref<1x!tpu.dma_semaphore, #tpu.memory_space<semaphore_mem>> -> memref<!tpu.dma_semaphore, #tpu.memory_space<semaphore_mem>>
          tpu.enqueue_indirect_dma source(%dma_start3A_318 : memref<80000x16xf32, #tpu.memory_space<hbm>>) target(%dma_start3A_312 : memref<112x16xf32, #tpu.memory_space<vmem>>) offsets(%dma_start3A_315 : memref<112xi32, #tpu.memory_space<vmem>>) semaphore(%dma_start3A_320 : memref<!tpu.dma_semaphore, #tpu.memory_space<semaphore_mem>>)
        } else {
        }
      }
      %scan3A_146 = arith.constant 2 : i32
      %scan3A_147 = arith.constant 0 : i32
      %scan3A_148 = arith.constant 0 : i32
      %scan3A_149 = arith.constant 90 : i32
      %scan3A_150 = arith.addi %scan3A_148, %scan3A_149 : i32
      %scan3A_151 = arith.constant 1 : i32
      scf.for %scan3A_203 = %scan3A_148 to %scan3A_150 step %scan3A_151  : i32 {
        %jit3A = arith.constant 2 : i32
        %eq3A_204 = arith.constant 0 : i32
        %eq3A_205 = arith.cmpi eq, %jit3A, %eq3A_204 : i32
        %jit3A_206 = arith.constant 1 : i32
        %select_n3A = arith.select %eq3A_205, %jit3A_206, %jit3A : i32
        %rem3A = arith.remsi %scan3A_203, %select_n3A : i32
        %ne3A = arith.constant 0 : i32
        %ne3A_207 = arith.cmpi ne, %rem3A, %ne3A : i32
        %lt3A_208 = arith.constant 0 : i32
        %lt3A_209 = arith.cmpi slt, %rem3A, %lt3A_208 : i32
        %lt3A_210 = arith.constant 0 : i32
        %lt3A_211 = arith.cmpi slt, %select_n3A, %lt3A_210 : i32
        %ne3A_212 = arith.xori %lt3A_209, %lt3A_211 : i1
        %and3A_213 = arith.andi %ne3A_212, %ne3A_207 : i1
        %add3A_214 = arith.addi %rem3A, %select_n3A : i32
        %select_n3A_215 = arith.select %and3A_213, %add3A_214, %rem3A : i32
        %dma_wait3A_216 = arith.constant 0 : i32
        %dma_wait3A_217 = arith.constant 0 : i32
        %dma_wait3A_218 = tpu.memref_slice %arg21[%select_n3A_215, %dma_wait3A_216, %dma_wait3A_217] : memref<2x112x16xf32, #tpu.memory_space<vmem>> -> memref<1x112x16xf32, #tpu.memory_space<vmem>>
        %dma_wait3A_219 = tpu.memref_squeeze %dma_wait3A_218 : memref<1x112x16xf32, #tpu.memory_space<vmem>> -> memref<112x16xf32, #tpu.memory_space<vmem>>
        %dma_wait3A_220 = arith.constant 0 : i32
        %dma_wait3A_221 = tpu.memref_slice %arg19[%select_n3A_215, %dma_wait3A_220] : memref<2x112xi32, #tpu.memory_space<vmem>> -> memref<1x112xi32, #tpu.memory_space<vmem>>
        %dma_wait3A_222 = tpu.memref_squeeze %dma_wait3A_221 : memref<1x112xi32, #tpu.memory_space<vmem>> -> memref<112xi32, #tpu.memory_space<vmem>>
        %dma_wait3A_223 = arith.constant 0 : i32
        %dma_wait3A_224 = arith.constant 0 : i32
        %dma_wait3A_225 = tpu.memref_slice %arg2[%dma_wait3A_223, %dma_wait3A_224] : memref<80000x16xf32, #tpu.memory_space<hbm>> -> memref<80000x16xf32, #tpu.memory_space<hbm>>
        %dma_wait3A_226 = tpu.memref_slice %arg27[%select_n3A_215] : memref<2x!tpu.dma_semaphore, #tpu.memory_space<semaphore_mem>> -> memref<1x!tpu.dma_semaphore, #tpu.memory_space<semaphore_mem>>
        %dma_wait3A_227 = tpu.memref_squeeze %dma_wait3A_226 : memref<1x!tpu.dma_semaphore, #tpu.memory_space<semaphore_mem>> -> memref<!tpu.dma_semaphore, #tpu.memory_space<semaphore_mem>>
        tpu.wait_indirect_dma semaphore(%dma_wait3A_227 : memref<!tpu.dma_semaphore, #tpu.memory_space<semaphore_mem>>) src(%dma_wait3A_225 : memref<80000x16xf32, #tpu.memory_space<hbm>>) dst(%dma_wait3A_219 : memref<112x16xf32, #tpu.memory_space<vmem>>)
        %mul3A_228 = arith.constant 112 : i32
        %mul3A_229 = arith.muli %scan3A_203, %mul3A_228 : i32
        %add3A_230 = arith.constant 0 : i32
        %add3A_231 = arith.addi %mul3A_229, %add3A_230 : i32
        %get3A = arith.index_cast %add3A_231 : i32 to index
        %get3A_232 = tpu.vector_load %arg14[%get3A] {strides = array<i32>} : memref<10080xi32, #tpu.memory_space<vmem>>, vector<16xi32>,
        %swap3A = arith.index_cast %select_n3A_215 : i32 to index
        %swap3A_233 = arith.constant 0 : index
        %swap3A_234 = tpu.vector_load %arg20[%swap3A, %swap3A_233] {strides = array<i32>} : memref<2x112xi32, #tpu.memory_space<vmem>>, vector<16xi32>,
        tpu.vector_store %arg20[%swap3A, %swap3A_233], %get3A_232 {strides = array<i32>} : memref<2x112xi32, #tpu.memory_space<vmem>>, vector<16xi32>,
        %mul3A_235 = arith.constant 112 : i32
        %mul3A_236 = arith.muli %scan3A_203, %mul3A_235 : i32
        %add3A_237 = arith.constant 16 : i32
        %add3A_238 = arith.addi %mul3A_236, %add3A_237 : i32
        %get3A_239 = arith.index_cast %add3A_238 : i32 to index
        %get3A_240 = tpu.vector_load %arg14[%get3A_239] {strides = array<i32>} : memref<10080xi32, #tpu.memory_space<vmem>>, vector<16xi32>,
        %swap3A_241 = arith.index_cast %select_n3A_215 : i32 to index
        %swap3A_242 = arith.constant 16 : index
        %swap3A_243 = tpu.vector_load %arg20[%swap3A_241, %swap3A_242] {strides = array<i32>} : memref<2x112xi32, #tpu.memory_space<vmem>>, vector<16xi32>,
        tpu.vector_store %arg20[%swap3A_241, %swap3A_242], %get3A_240 {strides = array<i32>} : memref<2x112xi32, #tpu.memory_space<vmem>>, vector<16xi32>,
        %mul3A_244 = arith.constant 112 : i32
        %mul3A_245 = arith.muli %scan3A_203, %mul3A_244 : i32
        %add3A_246 = arith.constant 32 : i32
        %add3A_247 = arith.addi %mul3A_245, %add3A_246 : i32
        %get3A_248 = arith.index_cast %add3A_247 : i32 to index
        %get3A_249 = tpu.vector_load %arg14[%get3A_248] {strides = array<i32>} : memref<10080xi32, #tpu.memory_space<vmem>>, vector<16xi32>,
        %swap3A_250 = arith.index_cast %select_n3A_215 : i32 to index
        %swap3A_251 = arith.constant 32 : index
        %swap3A_252 = tpu.vector_load %arg20[%swap3A_250, %swap3A_251] {strides = array<i32>} : memref<2x112xi32, #tpu.memory_space<vmem>>, vector<16xi32>,
        tpu.vector_store %arg20[%swap3A_250, %swap3A_251], %get3A_249 {strides = array<i32>} : memref<2x112xi32, #tpu.memory_space<vmem>>, vector<16xi32>,
        %mul3A_253 = arith.constant 112 : i32
        %mul3A_254 = arith.muli %scan3A_203, %mul3A_253 : i32
        %add3A_255 = arith.constant 48 : i32
        %add3A_256 = arith.addi %mul3A_254, %add3A_255 : i32
        %get3A_257 = arith.index_cast %add3A_256 : i32 to index
        %get3A_258 = tpu.vector_load %arg14[%get3A_257] {strides = array<i32>} : memref<10080xi32, #tpu.memory_space<vmem>>, vector<16xi32>,
        %swap3A_259 = arith.index_cast %select_n3A_215 : i32 to index
        %swap3A_260 = arith.constant 48 : index
        %swap3A_261 = tpu.vector_load %arg20[%swap3A_259, %swap3A_260] {strides = array<i32>} : memref<2x112xi32, #tpu.memory_space<vmem>>, vector<16xi32>,
        tpu.vector_store %arg20[%swap3A_259, %swap3A_260], %get3A_258 {strides = array<i32>} : memref<2x112xi32, #tpu.memory_space<vmem>>, vector<16xi32>,
        %mul3A_262 = arith.constant 112 : i32
        %mul3A_263 = arith.muli %scan3A_203, %mul3A_262 : i32
        %add3A_264 = arith.constant 64 : i32
        %add3A_265 = arith.addi %mul3A_263, %add3A_264 : i32
        %get3A_266 = arith.index_cast %add3A_265 : i32 to index
        %get3A_267 = tpu.vector_load %arg14[%get3A_266] {strides = array<i32>} : memref<10080xi32, #tpu.memory_space<vmem>>, vector<16xi32>,
        %swap3A_268 = arith.index_cast %select_n3A_215 : i32 to index
        %swap3A_269 = arith.constant 64 : index
        %swap3A_270 = tpu.vector_load %arg20[%swap3A_268, %swap3A_269] {strides = array<i32>} : memref<2x112xi32, #tpu.memory_space<vmem>>, vector<16xi32>,
        tpu.vector_store %arg20[%swap3A_268, %swap3A_269], %get3A_267 {strides = array<i32>} : memref<2x112xi32, #tpu.memory_space<vmem>>, vector<16xi32>,
        %mul3A_271 = arith.constant 112 : i32
        %mul3A_272 = arith.muli %scan3A_203, %mul3A_271 : i32
        %add3A_273 = arith.constant 80 : i32
        %add3A_274 = arith.addi %mul3A_272, %add3A_273 : i32
        %get3A_275 = arith.index_cast %add3A_274 : i32 to index
        %get3A_276 = tpu.vector_load %arg14[%get3A_275] {strides = array<i32>} : memref<10080xi32, #tpu.memory_space<vmem>>, vector<16xi32>,
        %swap3A_277 = arith.index_cast %select_n3A_215 : i32 to index
        %swap3A_278 = arith.constant 80 : index
        %swap3A_279 = tpu.vector_load %arg20[%swap3A_277, %swap3A_278] {strides = array<i32>} : memref<2x112xi32, #tpu.memory_space<vmem>>, vector<16xi32>,
        tpu.vector_store %arg20[%swap3A_277, %swap3A_278], %get3A_276 {strides = array<i32>} : memref<2x112xi32, #tpu.memory_space<vmem>>, vector<16xi32>,
        %mul3A_280 = arith.constant 112 : i32
        %mul3A_281 = arith.muli %scan3A_203, %mul3A_280 : i32
        %add3A_282 = arith.constant 96 : i32
        %add3A_283 = arith.addi %mul3A_281, %add3A_282 : i32
        %get3A_284 = arith.index_cast %add3A_283 : i32 to index
        %get3A_285 = tpu.vector_load %arg14[%get3A_284] {strides = array<i32>} : memref<10080xi32, #tpu.memory_space<vmem>>, vector<16xi32>,
        %swap3A_286 = arith.index_cast %select_n3A_215 : i32 to index
        %swap3A_287 = arith.constant 96 : index
        %swap3A_288 = tpu.vector_load %arg20[%swap3A_286, %swap3A_287] {strides = array<i32>} : memref<2x112xi32, #tpu.memory_space<vmem>>, vector<16xi32>,
        tpu.vector_store %arg20[%swap3A_286, %swap3A_287], %get3A_285 {strides = array<i32>} : memref<2x112xi32, #tpu.memory_space<vmem>>, vector<16xi32>,
        %ge3A_289 = arith.constant 2 : i32
        %ge3A_290 = arith.cmpi sge, %scan3A_203, %ge3A_289 : i32
        %convert_element_type3A_291 = arith.extui %ge3A_290 : i1 to i32
        %cond3A_292 = arith.constant 0 : i32
        %cond3A_293 = arith.cmpi ne, %convert_element_type3A_291, %cond3A_292 : i32
        scf.if %cond3A_293 {
          %dma_wait3A_339 = arith.constant 0 : i32
          %dma_wait3A_340 = arith.constant 0 : i32
          %dma_wait3A_341 = tpu.memref_slice %arg22[%select_n3A_215, %dma_wait3A_339, %dma_wait3A_340] : memref<2x112x16xf32, #tpu.memory_space<vmem>> -> memref<1x112x16xf32, #tpu.memory_space<vmem>>
          %dma_wait3A_342 = tpu.memref_squeeze %dma_wait3A_341 : memref<1x112x16xf32, #tpu.memory_space<vmem>> -> memref<112x16xf32, #tpu.memory_space<vmem>>
          %dma_wait3A_343 = arith.constant 0 : i32
          %dma_wait3A_344 = tpu.memref_slice %arg20[%select_n3A_215, %dma_wait3A_343] : memref<2x112xi32, #tpu.memory_space<vmem>> -> memref<1x112xi32, #tpu.memory_space<vmem>>
          %dma_wait3A_345 = tpu.memref_squeeze %dma_wait3A_344 : memref<1x112xi32, #tpu.memory_space<vmem>> -> memref<112xi32, #tpu.memory_space<vmem>>
          %dma_wait3A_346 = arith.constant 0 : i32
          %dma_wait3A_347 = arith.constant 0 : i32
          %dma_wait3A_348 = tpu.memref_slice %arg25[%dma_wait3A_346, %dma_wait3A_347] : memref<10000x16xf32, #tpu.memory_space<vmem_shared>> -> memref<10000x16xf32, #tpu.memory_space<vmem_shared>>
          %dma_wait3A_349 = tpu.memref_slice %arg28[%select_n3A_215] : memref<2x!tpu.dma_semaphore, #tpu.memory_space<semaphore_mem>> -> memref<1x!tpu.dma_semaphore, #tpu.memory_space<semaphore_mem>>
          %dma_wait3A_350 = tpu.memref_squeeze %dma_wait3A_349 : memref<1x!tpu.dma_semaphore, #tpu.memory_space<semaphore_mem>> -> memref<!tpu.dma_semaphore, #tpu.memory_space<semaphore_mem>>
          tpu.wait_indirect_dma semaphore(%dma_wait3A_350 : memref<!tpu.dma_semaphore, #tpu.memory_space<semaphore_mem>>) src(%dma_wait3A_342 : memref<112x16xf32, #tpu.memory_space<vmem>>) dst(%dma_wait3A_348 : memref<10000x16xf32, #tpu.memory_space<vmem_shared>>)
        } else {
        }
        %jit3A_294 = arith.constant 2 : i32
        %div3A = arith.divsi %scan3A_140, %jit3A_294 : i32
        %sign3A = arith.constant 0 : i32
        %sign3A_295 = arith.cmpi sgt, %scan3A_140, %sign3A : i32
        %sign3A_296 = arith.extui %sign3A_295 : i1 to i32
        %sign3A_297 = arith.constant 0 : i32
        %sign3A_298 = arith.cmpi slt, %scan3A_140, %sign3A_297 : i32
        %sign3A_299 = arith.extui %sign3A_298 : i1 to i32
        %sign3A_300 = arith.subi %sign3A_296, %sign3A_299 : i32
        %sign3A_301 = arith.constant 0 : i32
        %sign3A_302 = arith.cmpi sgt, %jit3A_294, %sign3A_301 : i32
        %sign3A_303 = arith.extui %sign3A_302 : i1 to i32
        %sign3A_304 = arith.constant 0 : i32
        %sign3A_305 = arith.cmpi slt, %jit3A_294, %sign3A_304 : i32
        %sign3A_306 = arith.extui %sign3A_305 : i1 to i32
        %sign3A_307 = arith.subi %sign3A_303, %sign3A_306 : i32
        %ne3A_308 = arith.cmpi ne, %sign3A_300, %sign3A_307 : i32
        %rem3A_309 = arith.remsi %scan3A_140, %jit3A_294 : i32
        %ne3A_310 = arith.constant 0 : i32
        %ne3A_311 = arith.cmpi ne, %rem3A_309, %ne3A_310 : i32
        %and3A_312 = arith.andi %ne3A_308, %ne3A_311 : i1
        %sub3A_313 = arith.constant 1 : i32
        %sub3A_314 = arith.subi %div3A, %sub3A_313 : i32
        %select_n3A_315 = arith.select %and3A_312, %sub3A_314, %div3A : i32
        %mul3A_316 = arith.constant 10080 : i32
        %mul3A_317 = arith.muli %select_n3A_315, %mul3A_316 : i32
        %mul3A_318 = arith.constant 112 : i32
        %mul3A_319 = arith.muli %scan3A_203, %mul3A_318 : i32
        %add3A_320 = arith.addi %mul3A_317, %mul3A_319 : i32
        %parallel_loop3A = arith.constant 0 : i32
        %parallel_loop3A_321 = arith.constant 7 : i32
        %parallel_loop3A_322 = arith.constant 1 : i32
        scf.for %parallel_loop3A_339 = %parallel_loop3A to %parallel_loop3A_321 step %parallel_loop3A_322  : i32 {
          %parallel_loop3A_340 = arith.constant 16 : i32
          %parallel_loop3A_341 = arith.muli %parallel_loop3A_339, %parallel_loop3A_340 : i32
          %parallel_loop3A_342 = arith.addi %add3A_320, %parallel_loop3A_341 : i32
          %parallel_loop3A_343 = arith.index_cast %parallel_loop3A_342 : i32 to index
          %parallel_loop3A_344 = tpu.vector_load %arg23[%parallel_loop3A_343] {strides = array<i32>} : memref<40320xf32, #tpu.memory_space<vmem>>, vector<16xf32>,
          %parallel_loop3A_345 = arith.constant 16 : i32
          %parallel_loop3A_346 = arith.muli %parallel_loop3A_339, %parallel_loop3A_345 : i32
          %parallel_loop3A_347 = arith.constant 0 : i32
          %parallel_loop3A_348 = arith.addi %parallel_loop3A_346, %parallel_loop3A_347 : i32
          %parallel_loop3A_349 = arith.index_cast %select_n3A_215 : i32 to index
          %parallel_loop3A_350 = arith.index_cast %parallel_loop3A_348 : i32 to index
          %parallel_loop3A_351 = arith.constant 0 : index
          %parallel_loop3A_352 = tpu.vector_load %arg21[%parallel_loop3A_349, %parallel_loop3A_350, %parallel_loop3A_351] {strides = array<i32>} : memref<2x112x16xf32, #tpu.memory_space<vmem>>, vector<16xf32>,
          %parallel_loop3A_353 = vector.extract_strided_slice %parallel_loop3A_344 {offsets = [0], sizes = [1], strides = [1]} : vector<16xf32> to vector<1xf32>
          %parallel_loop3A_354 = vector.extract %parallel_loop3A_353[0] : f32 from vector<1xf32>
          %parallel_loop3A_355 = vector.broadcast %parallel_loop3A_354 : f32 to vector<16xf32>
          %parallel_loop3A_356 = arith.mulf %parallel_loop3A_352, %parallel_loop3A_355 : vector<16xf32>
          %parallel_loop3A_357 = arith.index_cast %select_n3A_215 : i32 to index
          %parallel_loop3A_358 = arith.index_cast %parallel_loop3A_348 : i32 to index
          %parallel_loop3A_359 = arith.constant 0 : index
          %parallel_loop3A_360 = tpu.vector_load %arg22[%parallel_loop3A_357, %parallel_loop3A_358, %parallel_loop3A_359] {strides = array<i32>} : memref<2x112x16xf32, #tpu.memory_space<vmem>>, vector<16xf32>,
          tpu.vector_store %arg22[%parallel_loop3A_357, %parallel_loop3A_358, %parallel_loop3A_359], %parallel_loop3A_356 {strides = array<i32>} : memref<2x112x16xf32, #tpu.memory_space<vmem>>, vector<16xf32>,
          %parallel_loop3A_361 = arith.constant 16 : i32
          %parallel_loop3A_362 = arith.muli %parallel_loop3A_339, %parallel_loop3A_361 : i32
          %parallel_loop3A_363 = arith.constant 1 : i32
          %parallel_loop3A_364 = arith.addi %parallel_loop3A_362, %parallel_loop3A_363 : i32
          %parallel_loop3A_365 = arith.index_cast %select_n3A_215 : i32 to index
          %parallel_loop3A_366 = arith.index_cast %parallel_loop3A_364 : i32 to index
          %parallel_loop3A_367 = arith.constant 0 : index
          %parallel_loop3A_368 = tpu.vector_load %arg21[%parallel_loop3A_365, %parallel_loop3A_366, %parallel_loop3A_367] {strides = array<i32>} : memref<2x112x16xf32, #tpu.memory_space<vmem>>, vector<16xf32>,
          %parallel_loop3A_369 = vector.extract_strided_slice %parallel_loop3A_344 {offsets = [1], sizes = [1], strides = [1]} : vector<16xf32> to vector<1xf32>
          %parallel_loop3A_370 = vector.extract %parallel_loop3A_369[0] : f32 from vector<1xf32>
          %parallel_loop3A_371 = vector.broadcast %parallel_loop3A_370 : f32 to vector<16xf32>
          %parallel_loop3A_372 = arith.mulf %parallel_loop3A_368, %parallel_loop3A_371 : vector<16xf32>
          %parallel_loop3A_373 = arith.index_cast %select_n3A_215 : i32 to index
          %parallel_loop3A_374 = arith.index_cast %parallel_loop3A_364 : i32 to index
          %parallel_loop3A_375 = arith.constant 0 : index
          %parallel_loop3A_376 = tpu.vector_load %arg22[%parallel_loop3A_373, %parallel_loop3A_374, %parallel_loop3A_375] {strides = array<i32>} : memref<2x112x16xf32, #tpu.memory_space<vmem>>, vector<16xf32>,
          tpu.vector_store %arg22[%parallel_loop3A_373, %parallel_loop3A_374, %parallel_loop3A_375], %parallel_loop3A_372 {strides = array<i32>} : memref<2x112x16xf32, #tpu.memory_space<vmem>>, vector<16xf32>,
          %parallel_loop3A_377 = arith.constant 16 : i32
          %parallel_loop3A_378 = arith.muli %parallel_loop3A_339, %parallel_loop3A_377 : i32
          %parallel_loop3A_379 = arith.constant 2 : i32
          %parallel_loop3A_380 = arith.addi %parallel_loop3A_378, %parallel_loop3A_379 : i32
          %parallel_loop3A_381 = arith.index_cast %select_n3A_215 : i32 to index
          %parallel_loop3A_382 = arith.index_cast %parallel_loop3A_380 : i32 to index
          %parallel_loop3A_383 = arith.constant 0 : index
          %parallel_loop3A_384 = tpu.vector_load %arg21[%parallel_loop3A_381, %parallel_loop3A_382, %parallel_loop3A_383] {strides = array<i32>} : memref<2x112x16xf32, #tpu.memory_space<vmem>>, vector<16xf32>,
          %parallel_loop3A_385 = vector.extract_strided_slice %parallel_loop3A_344 {offsets = [2], sizes = [1], strides = [1]} : vector<16xf32> to vector<1xf32>
          %parallel_loop3A_386 = vector.extract %parallel_loop3A_385[0] : f32 from vector<1xf32>
          %parallel_loop3A_387 = vector.broadcast %parallel_loop3A_386 : f32 to vector<16xf32>
          %parallel_loop3A_388 = arith.mulf %parallel_loop3A_384, %parallel_loop3A_387 : vector<16xf32>
          %parallel_loop3A_389 = arith.index_cast %select_n3A_215 : i32 to index
          %parallel_loop3A_390 = arith.index_cast %parallel_loop3A_380 : i32 to index
          %parallel_loop3A_391 = arith.constant 0 : index
          %parallel_loop3A_392 = tpu.vector_load %arg22[%parallel_loop3A_389, %parallel_loop3A_390, %parallel_loop3A_391] {strides = array<i32>} : memref<2x112x16xf32, #tpu.memory_space<vmem>>, vector<16xf32>,
          tpu.vector_store %arg22[%parallel_loop3A_389, %parallel_loop3A_390, %parallel_loop3A_391], %parallel_loop3A_388 {strides = array<i32>} : memref<2x112x16xf32, #tpu.memory_space<vmem>>, vector<16xf32>,
          %parallel_loop3A_393 = arith.constant 16 : i32
          %parallel_loop3A_394 = arith.muli %parallel_loop3A_339, %parallel_loop3A_393 : i32
          %parallel_loop3A_395 = arith.constant 3 : i32
          %parallel_loop3A_396 = arith.addi %parallel_loop3A_394, %parallel_loop3A_395 : i32
          %parallel_loop3A_397 = arith.index_cast %select_n3A_215 : i32 to index
          %parallel_loop3A_398 = arith.index_cast %parallel_loop3A_396 : i32 to index
          %parallel_loop3A_399 = arith.constant 0 : index
          %parallel_loop3A_400 = tpu.vector_load %arg21[%parallel_loop3A_397, %parallel_loop3A_398, %parallel_loop3A_399] {strides = array<i32>} : memref<2x112x16xf32, #tpu.memory_space<vmem>>, vector<16xf32>,
          %parallel_loop3A_401 = vector.extract_strided_slice %parallel_loop3A_344 {offsets = [3], sizes = [1], strides = [1]} : vector<16xf32> to vector<1xf32>
          %parallel_loop3A_402 = vector.extract %parallel_loop3A_401[0] : f32 from vector<1xf32>
          %parallel_loop3A_403 = vector.broadcast %parallel_loop3A_402 : f32 to vector<16xf32>
          %parallel_loop3A_404 = arith.mulf %parallel_loop3A_400, %parallel_loop3A_403 : vector<16xf32>
          %parallel_loop3A_405 = arith.index_cast %select_n3A_215 : i32 to index
          %parallel_loop3A_406 = arith.index_cast %parallel_loop3A_396 : i32 to index
          %parallel_loop3A_407 = arith.constant 0 : index
          %parallel_loop3A_408 = tpu.vector_load %arg22[%parallel_loop3A_405, %parallel_loop3A_406, %parallel_loop3A_407] {strides = array<i32>} : memref<2x112x16xf32, #tpu.memory_space<vmem>>, vector<16xf32>,
          tpu.vector_store %arg22[%parallel_loop3A_405, %parallel_loop3A_406, %parallel_loop3A_407], %parallel_loop3A_404 {strides = array<i32>} : memref<2x112x16xf32, #tpu.memory_space<vmem>>, vector<16xf32>,
          %parallel_loop3A_409 = arith.constant 16 : i32
          %parallel_loop3A_410 = arith.muli %parallel_loop3A_339, %parallel_loop3A_409 : i32
          %parallel_loop3A_411 = arith.constant 4 : i32
          %parallel_loop3A_412 = arith.addi %parallel_loop3A_410, %parallel_loop3A_411 : i32
          %parallel_loop3A_413 = arith.index_cast %select_n3A_215 : i32 to index
          %parallel_loop3A_414 = arith.index_cast %parallel_loop3A_412 : i32 to index
          %parallel_loop3A_415 = arith.constant 0 : index
          %parallel_loop3A_416 = tpu.vector_load %arg21[%parallel_loop3A_413, %parallel_loop3A_414, %parallel_loop3A_415] {strides = array<i32>} : memref<2x112x16xf32, #tpu.memory_space<vmem>>, vector<16xf32>,
          %parallel_loop3A_417 = vector.extract_strided_slice %parallel_loop3A_344 {offsets = [4], sizes = [1], strides = [1]} : vector<16xf32> to vector<1xf32>
          %parallel_loop3A_418 = vector.extract %parallel_loop3A_417[0] : f32 from vector<1xf32>
          %parallel_loop3A_419 = vector.broadcast %parallel_loop3A_418 : f32 to vector<16xf32>
          %parallel_loop3A_420 = arith.mulf %parallel_loop3A_416, %parallel_loop3A_419 : vector<16xf32>
          %parallel_loop3A_421 = arith.index_cast %select_n3A_215 : i32 to index
          %parallel_loop3A_422 = arith.index_cast %parallel_loop3A_412 : i32 to index
          %parallel_loop3A_423 = arith.constant 0 : index
          %parallel_loop3A_424 = tpu.vector_load %arg22[%parallel_loop3A_421, %parallel_loop3A_422, %parallel_loop3A_423] {strides = array<i32>} : memref<2x112x16xf32, #tpu.memory_space<vmem>>, vector<16xf32>,
          tpu.vector_store %arg22[%parallel_loop3A_421, %parallel_loop3A_422, %parallel_loop3A_423], %parallel_loop3A_420 {strides = array<i32>} : memref<2x112x16xf32, #tpu.memory_space<vmem>>, vector<16xf32>,
          %parallel_loop3A_425 = arith.constant 16 : i32
          %parallel_loop3A_426 = arith.muli %parallel_loop3A_339, %parallel_loop3A_425 : i32
          %parallel_loop3A_427 = arith.constant 5 : i32
          %parallel_loop3A_428 = arith.addi %parallel_loop3A_426, %parallel_loop3A_427 : i32
          %parallel_loop3A_429 = arith.index_cast %select_n3A_215 : i32 to index
          %parallel_loop3A_430 = arith.index_cast %parallel_loop3A_428 : i32 to index
          %parallel_loop3A_431 = arith.constant 0 : index
          %parallel_loop3A_432 = tpu.vector_load %arg21[%parallel_loop3A_429, %parallel_loop3A_430, %parallel_loop3A_431] {strides = array<i32>} : memref<2x112x16xf32, #tpu.memory_space<vmem>>, vector<16xf32>,
          %parallel_loop3A_433 = vector.extract_strided_slice %parallel_loop3A_344 {offsets = [5], sizes = [1], strides = [1]} : vector<16xf32> to vector<1xf32>
          %parallel_loop3A_434 = vector.extract %parallel_loop3A_433[0] : f32 from vector<1xf32>
          %parallel_loop3A_435 = vector.broadcast %parallel_loop3A_434 : f32 to vector<16xf32>
          %parallel_loop3A_436 = arith.mulf %parallel_loop3A_432, %parallel_loop3A_435 : vector<16xf32>
          %parallel_loop3A_437 = arith.index_cast %select_n3A_215 : i32 to index
          %parallel_loop3A_438 = arith.index_cast %parallel_loop3A_428 : i32 to index
          %parallel_loop3A_439 = arith.constant 0 : index
          %parallel_loop3A_440 = tpu.vector_load %arg22[%parallel_loop3A_437, %parallel_loop3A_438, %parallel_loop3A_439] {strides = array<i32>} : memref<2x112x16xf32, #tpu.memory_space<vmem>>, vector<16xf32>,
          tpu.vector_store %arg22[%parallel_loop3A_437, %parallel_loop3A_438, %parallel_loop3A_439], %parallel_loop3A_436 {strides = array<i32>} : memref<2x112x16xf32, #tpu.memory_space<vmem>>, vector<16xf32>,
          %parallel_loop3A_441 = arith.constant 16 : i32
          %parallel_loop3A_442 = arith.muli %parallel_loop3A_339, %parallel_loop3A_441 : i32
          %parallel_loop3A_443 = arith.constant 6 : i32
          %parallel_loop3A_444 = arith.addi %parallel_loop3A_442, %parallel_loop3A_443 : i32
          %parallel_loop3A_445 = arith.index_cast %select_n3A_215 : i32 to index
          %parallel_loop3A_446 = arith.index_cast %parallel_loop3A_444 : i32 to index
          %parallel_loop3A_447 = arith.constant 0 : index
          %parallel_loop3A_448 = tpu.vector_load %arg21[%parallel_loop3A_445, %parallel_loop3A_446, %parallel_loop3A_447] {strides = array<i32>} : memref<2x112x16xf32, #tpu.memory_space<vmem>>, vector<16xf32>,
          %parallel_loop3A_449 = vector.extract_strided_slice %parallel_loop3A_344 {offsets = [6], sizes = [1], strides = [1]} : vector<16xf32> to vector<1xf32>
          %parallel_loop3A_450 = vector.extract %parallel_loop3A_449[0] : f32 from vector<1xf32>
          %parallel_loop3A_451 = vector.broadcast %parallel_loop3A_450 : f32 to vector<16xf32>
          %parallel_loop3A_452 = arith.mulf %parallel_loop3A_448, %parallel_loop3A_451 : vector<16xf32>
          %parallel_loop3A_453 = arith.index_cast %select_n3A_215 : i32 to index
          %parallel_loop3A_454 = arith.index_cast %parallel_loop3A_444 : i32 to index
          %parallel_loop3A_455 = arith.constant 0 : index
          %parallel_loop3A_456 = tpu.vector_load %arg22[%parallel_loop3A_453, %parallel_loop3A_454, %parallel_loop3A_455] {strides = array<i32>} : memref<2x112x16xf32, #tpu.memory_space<vmem>>, vector<16xf32>,
          tpu.vector_store %arg22[%parallel_loop3A_453, %parallel_loop3A_454, %parallel_loop3A_455], %parallel_loop3A_452 {strides = array<i32>} : memref<2x112x16xf32, #tpu.memory_space<vmem>>, vector<16xf32>,
          %parallel_loop3A_457 = arith.constant 16 : i32
          %parallel_loop3A_458 = arith.muli %parallel_loop3A_339, %parallel_loop3A_457 : i32
          %parallel_loop3A_459 = arith.constant 7 : i32
          %parallel_loop3A_460 = arith.addi %parallel_loop3A_458, %parallel_loop3A_459 : i32
          %parallel_loop3A_461 = arith.index_cast %select_n3A_215 : i32 to index
          %parallel_loop3A_462 = arith.index_cast %parallel_loop3A_460 : i32 to index
          %parallel_loop3A_463 = arith.constant 0 : index
          %parallel_loop3A_464 = tpu.vector_load %arg21[%parallel_loop3A_461, %parallel_loop3A_462, %parallel_loop3A_463] {strides = array<i32>} : memref<2x112x16xf32, #tpu.memory_space<vmem>>, vector<16xf32>,
          %parallel_loop3A_465 = vector.extract_strided_slice %parallel_loop3A_344 {offsets = [7], sizes = [1], strides = [1]} : vector<16xf32> to vector<1xf32>
          %parallel_loop3A_466 = vector.extract %parallel_loop3A_465[0] : f32 from vector<1xf32>
          %parallel_loop3A_467 = vector.broadcast %parallel_loop3A_466 : f32 to vector<16xf32>
          %parallel_loop3A_468 = arith.mulf %parallel_loop3A_464, %parallel_loop3A_467 : vector<16xf32>
          %parallel_loop3A_469 = arith.index_cast %select_n3A_215 : i32 to index
          %parallel_loop3A_470 = arith.index_cast %parallel_loop3A_460 : i32 to index
          %parallel_loop3A_471 = arith.constant 0 : index
          %parallel_loop3A_472 = tpu.vector_load %arg22[%parallel_loop3A_469, %parallel_loop3A_470, %parallel_loop3A_471] {strides = array<i32>} : memref<2x112x16xf32, #tpu.memory_space<vmem>>, vector<16xf32>,
          tpu.vector_store %arg22[%parallel_loop3A_469, %parallel_loop3A_470, %parallel_loop3A_471], %parallel_loop3A_468 {strides = array<i32>} : memref<2x112x16xf32, #tpu.memory_space<vmem>>, vector<16xf32>,
          %parallel_loop3A_473 = arith.constant 16 : i32
          %parallel_loop3A_474 = arith.muli %parallel_loop3A_339, %parallel_loop3A_473 : i32
          %parallel_loop3A_475 = arith.constant 8 : i32
          %parallel_loop3A_476 = arith.addi %parallel_loop3A_474, %parallel_loop3A_475 : i32
          %parallel_loop3A_477 = arith.index_cast %select_n3A_215 : i32 to index
          %parallel_loop3A_478 = arith.index_cast %parallel_loop3A_476 : i32 to index
          %parallel_loop3A_479 = arith.constant 0 : index
          %parallel_loop3A_480 = tpu.vector_load %arg21[%parallel_loop3A_477, %parallel_loop3A_478, %parallel_loop3A_479] {strides = array<i32>} : memref<2x112x16xf32, #tpu.memory_space<vmem>>, vector<16xf32>,
          %parallel_loop3A_481 = vector.extract_strided_slice %parallel_loop3A_344 {offsets = [8], sizes = [1], strides = [1]} : vector<16xf32> to vector<1xf32>
          %parallel_loop3A_482 = vector.extract %parallel_loop3A_481[0] : f32 from vector<1xf32>
          %parallel_loop3A_483 = vector.broadcast %parallel_loop3A_482 : f32 to vector<16xf32>
          %parallel_loop3A_484 = arith.mulf %parallel_loop3A_480, %parallel_loop3A_483 : vector<16xf32>
          %parallel_loop3A_485 = arith.index_cast %select_n3A_215 : i32 to index
          %parallel_loop3A_486 = arith.index_cast %parallel_loop3A_476 : i32 to index
          %parallel_loop3A_487 = arith.constant 0 : index
          %parallel_loop3A_488 = tpu.vector_load %arg22[%parallel_loop3A_485, %parallel_loop3A_486, %parallel_loop3A_487] {strides = array<i32>} : memref<2x112x16xf32, #tpu.memory_space<vmem>>, vector<16xf32>,
          tpu.vector_store %arg22[%parallel_loop3A_485, %parallel_loop3A_486, %parallel_loop3A_487], %parallel_loop3A_484 {strides = array<i32>} : memref<2x112x16xf32, #tpu.memory_space<vmem>>, vector<16xf32>,
          %parallel_loop3A_489 = arith.constant 16 : i32
          %parallel_loop3A_490 = arith.muli %parallel_loop3A_339, %parallel_loop3A_489 : i32
          %parallel_loop3A_491 = arith.constant 9 : i32
          %parallel_loop3A_492 = arith.addi %parallel_loop3A_490, %parallel_loop3A_491 : i32
          %parallel_loop3A_493 = arith.index_cast %select_n3A_215 : i32 to index
          %parallel_loop3A_494 = arith.index_cast %parallel_loop3A_492 : i32 to index
          %parallel_loop3A_495 = arith.constant 0 : index
          %parallel_loop3A_496 = tpu.vector_load %arg21[%parallel_loop3A_493, %parallel_loop3A_494, %parallel_loop3A_495] {strides = array<i32>} : memref<2x112x16xf32, #tpu.memory_space<vmem>>, vector<16xf32>,
          %parallel_loop3A_497 = vector.extract_strided_slice %parallel_loop3A_344 {offsets = [9], sizes = [1], strides = [1]} : vector<16xf32> to vector<1xf32>
          %parallel_loop3A_498 = vector.extract %parallel_loop3A_497[0] : f32 from vector<1xf32>
          %parallel_loop3A_499 = vector.broadcast %parallel_loop3A_498 : f32 to vector<16xf32>
          %parallel_loop3A_500 = arith.mulf %parallel_loop3A_496, %parallel_loop3A_499 : vector<16xf32>
          %parallel_loop3A_501 = arith.index_cast %select_n3A_215 : i32 to index
          %parallel_loop3A_502 = arith.index_cast %parallel_loop3A_492 : i32 to index
          %parallel_loop3A_503 = arith.constant 0 : index
          %parallel_loop3A_504 = tpu.vector_load %arg22[%parallel_loop3A_501, %parallel_loop3A_502, %parallel_loop3A_503] {strides = array<i32>} : memref<2x112x16xf32, #tpu.memory_space<vmem>>, vector<16xf32>,
          tpu.vector_store %arg22[%parallel_loop3A_501, %parallel_loop3A_502, %parallel_loop3A_503], %parallel_loop3A_500 {strides = array<i32>} : memref<2x112x16xf32, #tpu.memory_space<vmem>>, vector<16xf32>,
          %parallel_loop3A_505 = arith.constant 16 : i32
          %parallel_loop3A_506 = arith.muli %parallel_loop3A_339, %parallel_loop3A_505 : i32
          %parallel_loop3A_507 = arith.constant 10 : i32
          %parallel_loop3A_508 = arith.addi %parallel_loop3A_506, %parallel_loop3A_507 : i32
          %parallel_loop3A_509 = arith.index_cast %select_n3A_215 : i32 to index
          %parallel_loop3A_510 = arith.index_cast %parallel_loop3A_508 : i32 to index
          %parallel_loop3A_511 = arith.constant 0 : index
          %parallel_loop3A_512 = tpu.vector_load %arg21[%parallel_loop3A_509, %parallel_loop3A_510, %parallel_loop3A_511] {strides = array<i32>} : memref<2x112x16xf32, #tpu.memory_space<vmem>>, vector<16xf32>,
          %parallel_loop3A_513 = vector.extract_strided_slice %parallel_loop3A_344 {offsets = [10], sizes = [1], strides = [1]} : vector<16xf32> to vector<1xf32>
          %parallel_loop3A_514 = vector.extract %parallel_loop3A_513[0] : f32 from vector<1xf32>
          %parallel_loop3A_515 = vector.broadcast %parallel_loop3A_514 : f32 to vector<16xf32>
          %parallel_loop3A_516 = arith.mulf %parallel_loop3A_512, %parallel_loop3A_515 : vector<16xf32>
          %parallel_loop3A_517 = arith.index_cast %select_n3A_215 : i32 to index
          %parallel_loop3A_518 = arith.index_cast %parallel_loop3A_508 : i32 to index
          %parallel_loop3A_519 = arith.constant 0 : index
          %parallel_loop3A_520 = tpu.vector_load %arg22[%parallel_loop3A_517, %parallel_loop3A_518, %parallel_loop3A_519] {strides = array<i32>} : memref<2x112x16xf32, #tpu.memory_space<vmem>>, vector<16xf32>,
          tpu.vector_store %arg22[%parallel_loop3A_517, %parallel_loop3A_518, %parallel_loop3A_519], %parallel_loop3A_516 {strides = array<i32>} : memref<2x112x16xf32, #tpu.memory_space<vmem>>, vector<16xf32>,
          %parallel_loop3A_521 = arith.constant 16 : i32
          %parallel_loop3A_522 = arith.muli %parallel_loop3A_339, %parallel_loop3A_521 : i32
          %parallel_loop3A_523 = arith.constant 11 : i32
          %parallel_loop3A_524 = arith.addi %parallel_loop3A_522, %parallel_loop3A_523 : i32
          %parallel_loop3A_525 = arith.index_cast %select_n3A_215 : i32 to index
          %parallel_loop3A_526 = arith.index_cast %parallel_loop3A_524 : i32 to index
          %parallel_loop3A_527 = arith.constant 0 : index
          %parallel_loop3A_528 = tpu.vector_load %arg21[%parallel_loop3A_525, %parallel_loop3A_526, %parallel_loop3A_527] {strides = array<i32>} : memref<2x112x16xf32, #tpu.memory_space<vmem>>, vector<16xf32>,
          %parallel_loop3A_529 = vector.extract_strided_slice %parallel_loop3A_344 {offsets = [11], sizes = [1], strides = [1]} : vector<16xf32> to vector<1xf32>
          %parallel_loop3A_530 = vector.extract %parallel_loop3A_529[0] : f32 from vector<1xf32>
          %parallel_loop3A_531 = vector.broadcast %parallel_loop3A_530 : f32 to vector<16xf32>
          %parallel_loop3A_532 = arith.mulf %parallel_loop3A_528, %parallel_loop3A_531 : vector<16xf32>
          %parallel_loop3A_533 = arith.index_cast %select_n3A_215 : i32 to index
          %parallel_loop3A_534 = arith.index_cast %parallel_loop3A_524 : i32 to index
          %parallel_loop3A_535 = arith.constant 0 : index
          %parallel_loop3A_536 = tpu.vector_load %arg22[%parallel_loop3A_533, %parallel_loop3A_534, %parallel_loop3A_535] {strides = array<i32>} : memref<2x112x16xf32, #tpu.memory_space<vmem>>, vector<16xf32>,
          tpu.vector_store %arg22[%parallel_loop3A_533, %parallel_loop3A_534, %parallel_loop3A_535], %parallel_loop3A_532 {strides = array<i32>} : memref<2x112x16xf32, #tpu.memory_space<vmem>>, vector<16xf32>,
          %parallel_loop3A_537 = arith.constant 16 : i32
          %parallel_loop3A_538 = arith.muli %parallel_loop3A_339, %parallel_loop3A_537 : i32
          %parallel_loop3A_539 = arith.constant 12 : i32
          %parallel_loop3A_540 = arith.addi %parallel_loop3A_538, %parallel_loop3A_539 : i32
          %parallel_loop3A_541 = arith.index_cast %select_n3A_215 : i32 to index
          %parallel_loop3A_542 = arith.index_cast %parallel_loop3A_540 : i32 to index
          %parallel_loop3A_543 = arith.constant 0 : index
          %parallel_loop3A_544 = tpu.vector_load %arg21[%parallel_loop3A_541, %parallel_loop3A_542, %parallel_loop3A_543] {strides = array<i32>} : memref<2x112x16xf32, #tpu.memory_space<vmem>>, vector<16xf32>,
          %parallel_loop3A_545 = vector.extract_strided_slice %parallel_loop3A_344 {offsets = [12], sizes = [1], strides = [1]} : vector<16xf32> to vector<1xf32>
          %parallel_loop3A_546 = vector.extract %parallel_loop3A_545[0] : f32 from vector<1xf32>
          %parallel_loop3A_547 = vector.broadcast %parallel_loop3A_546 : f32 to vector<16xf32>
          %parallel_loop3A_548 = arith.mulf %parallel_loop3A_544, %parallel_loop3A_547 : vector<16xf32>
          %parallel_loop3A_549 = arith.index_cast %select_n3A_215 : i32 to index
          %parallel_loop3A_550 = arith.index_cast %parallel_loop3A_540 : i32 to index
          %parallel_loop3A_551 = arith.constant 0 : index
          %parallel_loop3A_552 = tpu.vector_load %arg22[%parallel_loop3A_549, %parallel_loop3A_550, %parallel_loop3A_551] {strides = array<i32>} : memref<2x112x16xf32, #tpu.memory_space<vmem>>, vector<16xf32>,
          tpu.vector_store %arg22[%parallel_loop3A_549, %parallel_loop3A_550, %parallel_loop3A_551], %parallel_loop3A_548 {strides = array<i32>} : memref<2x112x16xf32, #tpu.memory_space<vmem>>, vector<16xf32>,
          %parallel_loop3A_553 = arith.constant 16 : i32
          %parallel_loop3A_554 = arith.muli %parallel_loop3A_339, %parallel_loop3A_553 : i32
          %parallel_loop3A_555 = arith.constant 13 : i32
          %parallel_loop3A_556 = arith.addi %parallel_loop3A_554, %parallel_loop3A_555 : i32
          %parallel_loop3A_557 = arith.index_cast %select_n3A_215 : i32 to index
          %parallel_loop3A_558 = arith.index_cast %parallel_loop3A_556 : i32 to index
          %parallel_loop3A_559 = arith.constant 0 : index
          %parallel_loop3A_560 = tpu.vector_load %arg21[%parallel_loop3A_557, %parallel_loop3A_558, %parallel_loop3A_559] {strides = array<i32>} : memref<2x112x16xf32, #tpu.memory_space<vmem>>, vector<16xf32>,
          %parallel_loop3A_561 = vector.extract_strided_slice %parallel_loop3A_344 {offsets = [13], sizes = [1], strides = [1]} : vector<16xf32> to vector<1xf32>
          %parallel_loop3A_562 = vector.extract %parallel_loop3A_561[0] : f32 from vector<1xf32>
          %parallel_loop3A_563 = vector.broadcast %parallel_loop3A_562 : f32 to vector<16xf32>
          %parallel_loop3A_564 = arith.mulf %parallel_loop3A_560, %parallel_loop3A_563 : vector<16xf32>
          %parallel_loop3A_565 = arith.index_cast %select_n3A_215 : i32 to index
          %parallel_loop3A_566 = arith.index_cast %parallel_loop3A_556 : i32 to index
          %parallel_loop3A_567 = arith.constant 0 : index
          %parallel_loop3A_568 = tpu.vector_load %arg22[%parallel_loop3A_565, %parallel_loop3A_566, %parallel_loop3A_567] {strides = array<i32>} : memref<2x112x16xf32, #tpu.memory_space<vmem>>, vector<16xf32>,
          tpu.vector_store %arg22[%parallel_loop3A_565, %parallel_loop3A_566, %parallel_loop3A_567], %parallel_loop3A_564 {strides = array<i32>} : memref<2x112x16xf32, #tpu.memory_space<vmem>>, vector<16xf32>,
          %parallel_loop3A_569 = arith.constant 16 : i32
          %parallel_loop3A_570 = arith.muli %parallel_loop3A_339, %parallel_loop3A_569 : i32
          %parallel_loop3A_571 = arith.constant 14 : i32
          %parallel_loop3A_572 = arith.addi %parallel_loop3A_570, %parallel_loop3A_571 : i32
          %parallel_loop3A_573 = arith.index_cast %select_n3A_215 : i32 to index
          %parallel_loop3A_574 = arith.index_cast %parallel_loop3A_572 : i32 to index
          %parallel_loop3A_575 = arith.constant 0 : index
          %parallel_loop3A_576 = tpu.vector_load %arg21[%parallel_loop3A_573, %parallel_loop3A_574, %parallel_loop3A_575] {strides = array<i32>} : memref<2x112x16xf32, #tpu.memory_space<vmem>>, vector<16xf32>,
          %parallel_loop3A_577 = vector.extract_strided_slice %parallel_loop3A_344 {offsets = [14], sizes = [1], strides = [1]} : vector<16xf32> to vector<1xf32>
          %parallel_loop3A_578 = vector.extract %parallel_loop3A_577[0] : f32 from vector<1xf32>
          %parallel_loop3A_579 = vector.broadcast %parallel_loop3A_578 : f32 to vector<16xf32>
          %parallel_loop3A_580 = arith.mulf %parallel_loop3A_576, %parallel_loop3A_579 : vector<16xf32>
          %parallel_loop3A_581 = arith.index_cast %select_n3A_215 : i32 to index
          %parallel_loop3A_582 = arith.index_cast %parallel_loop3A_572 : i32 to index
          %parallel_loop3A_583 = arith.constant 0 : index
          %parallel_loop3A_584 = tpu.vector_load %arg22[%parallel_loop3A_581, %parallel_loop3A_582, %parallel_loop3A_583] {strides = array<i32>} : memref<2x112x16xf32, #tpu.memory_space<vmem>>, vector<16xf32>,
          tpu.vector_store %arg22[%parallel_loop3A_581, %parallel_loop3A_582, %parallel_loop3A_583], %parallel_loop3A_580 {strides = array<i32>} : memref<2x112x16xf32, #tpu.memory_space<vmem>>, vector<16xf32>,
          %parallel_loop3A_585 = arith.constant 16 : i32
          %parallel_loop3A_586 = arith.muli %parallel_loop3A_339, %parallel_loop3A_585 : i32
          %parallel_loop3A_587 = arith.constant 15 : i32
          %parallel_loop3A_588 = arith.addi %parallel_loop3A_586, %parallel_loop3A_587 : i32
          %parallel_loop3A_589 = arith.index_cast %select_n3A_215 : i32 to index
          %parallel_loop3A_590 = arith.index_cast %parallel_loop3A_588 : i32 to index
          %parallel_loop3A_591 = arith.constant 0 : index
          %parallel_loop3A_592 = tpu.vector_load %arg21[%parallel_loop3A_589, %parallel_loop3A_590, %parallel_loop3A_591] {strides = array<i32>} : memref<2x112x16xf32, #tpu.memory_space<vmem>>, vector<16xf32>,
          %parallel_loop3A_593 = vector.extract_strided_slice %parallel_loop3A_344 {offsets = [15], sizes = [1], strides = [1]} : vector<16xf32> to vector<1xf32>
          %parallel_loop3A_594 = vector.extract %parallel_loop3A_593[0] : f32 from vector<1xf32>
          %parallel_loop3A_595 = vector.broadcast %parallel_loop3A_594 : f32 to vector<16xf32>
          %parallel_loop3A_596 = arith.mulf %parallel_loop3A_592, %parallel_loop3A_595 : vector<16xf32>
          %parallel_loop3A_597 = arith.index_cast %select_n3A_215 : i32 to index
          %parallel_loop3A_598 = arith.index_cast %parallel_loop3A_588 : i32 to index
          %parallel_loop3A_599 = arith.constant 0 : index
          %parallel_loop3A_600 = tpu.vector_load %arg22[%parallel_loop3A_597, %parallel_loop3A_598, %parallel_loop3A_599] {strides = array<i32>} : memref<2x112x16xf32, #tpu.memory_space<vmem>>, vector<16xf32>,
          tpu.vector_store %arg22[%parallel_loop3A_597, %parallel_loop3A_598, %parallel_loop3A_599], %parallel_loop3A_596 {strides = array<i32>} : memref<2x112x16xf32, #tpu.memory_space<vmem>>, vector<16xf32>,
        } {sc.loop_unroll_factor = 2 : i64, sc.parallel_access}
        %dma_start3A = arith.constant 0 : i32
        %dma_start3A_323 = arith.constant 0 : i32
        %dma_start3A_324 = tpu.memref_slice %arg22[%select_n3A_215, %dma_start3A, %dma_start3A_323] : memref<2x112x16xf32, #tpu.memory_space<vmem>> -> memref<1x112x16xf32, #tpu.memory_space<vmem>>
        %dma_start3A_325 = tpu.memref_squeeze %dma_start3A_324 : memref<1x112x16xf32, #tpu.memory_space<vmem>> -> memref<112x16xf32, #tpu.memory_space<vmem>>
        %dma_start3A_326 = arith.constant 0 : i32
        %dma_start3A_327 = tpu.memref_slice %arg20[%select_n3A_215, %dma_start3A_326] : memref<2x112xi32, #tpu.memory_space<vmem>> -> memref<1x112xi32, #tpu.memory_space<vmem>>
        %dma_start3A_328 = tpu.memref_squeeze %dma_start3A_327 : memref<1x112xi32, #tpu.memory_space<vmem>> -> memref<112xi32, #tpu.memory_space<vmem>>
        %dma_start3A_329 = arith.constant 0 : i32
        %dma_start3A_330 = arith.constant 0 : i32
        %dma_start3A_331 = tpu.memref_slice %arg25[%dma_start3A_329, %dma_start3A_330] : memref<10000x16xf32, #tpu.memory_space<vmem_shared>> -> memref<10000x16xf32, #tpu.memory_space<vmem_shared>>
        %dma_start3A_332 = tpu.memref_slice %arg28[%select_n3A_215] : memref<2x!tpu.dma_semaphore, #tpu.memory_space<semaphore_mem>> -> memref<1x!tpu.dma_semaphore, #tpu.memory_space<semaphore_mem>>
        %dma_start3A_333 = tpu.memref_squeeze %dma_start3A_332 : memref<1x!tpu.dma_semaphore, #tpu.memory_space<semaphore_mem>> -> memref<!tpu.dma_semaphore, #tpu.memory_space<semaphore_mem>>
        tpu.enqueue_indirect_dma source(%dma_start3A_325 : memref<112x16xf32, #tpu.memory_space<vmem>>) target(%dma_start3A_331 : memref<10000x16xf32, #tpu.memory_space<vmem_shared>>) offsets(%dma_start3A_328 : memref<112xi32, #tpu.memory_space<vmem>>) semaphore(%dma_start3A_333 : memref<!tpu.dma_semaphore, #tpu.memory_space<semaphore_mem>>) {add = true}
        %lt3A_334 = arith.constant 88 : i32
        %lt3A_335 = arith.cmpi slt, %scan3A_203, %lt3A_334 : i32
        %convert_element_type3A_336 = arith.extui %lt3A_335 : i1 to i32
        %cond3A_337 = arith.constant 0 : i32
        %cond3A_338 = arith.cmpi ne, %convert_element_type3A_336, %cond3A_337 : i32
        scf.if %cond3A_338 {
          %add3A_339 = arith.constant 2 : i32
          %add3A_340 = arith.addi %scan3A_203, %add3A_339 : i32
          %jit3A_341 = arith.constant 2 : i32
          %eq3A_342 = arith.constant 0 : i32
          %eq3A_343 = arith.cmpi eq, %jit3A_341, %eq3A_342 : i32
          %jit3A_344 = arith.constant 1 : i32
          %select_n3A_345 = arith.select %eq3A_343, %jit3A_344, %jit3A_341 : i32
          %rem3A_346 = arith.remsi %add3A_340, %select_n3A_345 : i32
          %ne3A_347 = arith.constant 0 : i32
          %ne3A_348 = arith.cmpi ne, %rem3A_346, %ne3A_347 : i32
          %lt3A_349 = arith.constant 0 : i32
          %lt3A_350 = arith.cmpi slt, %rem3A_346, %lt3A_349 : i32
          %lt3A_351 = arith.constant 0 : i32
          %lt3A_352 = arith.cmpi slt, %select_n3A_345, %lt3A_351 : i32
          %ne3A_353 = arith.xori %lt3A_350, %lt3A_352 : i1
          %and3A_354 = arith.andi %ne3A_353, %ne3A_348 : i1
          %add3A_355 = arith.addi %rem3A_346, %select_n3A_345 : i32
          %select_n3A_356 = arith.select %and3A_354, %add3A_355, %rem3A_346 : i32
          %mul3A_357 = arith.constant 112 : i32
          %mul3A_358 = arith.muli %add3A_340, %mul3A_357 : i32
          %add3A_359 = arith.constant 0 : i32
          %add3A_360 = arith.addi %mul3A_358, %add3A_359 : i32
          %get3A_361 = arith.index_cast %add3A_360 : i32 to index
          %get3A_362 = tpu.vector_load %arg13[%get3A_361] {strides = array<i32>} : memref<10080xi32, #tpu.memory_space<vmem>>, vector<16xi32>,
          %mul3A_363 = arith.constant 8 : i32
          %mul3A_364 = vector.broadcast %mul3A_363 : i32 to vector<16xi32>
          %mul3A_365 = arith.muli %get3A_362, %mul3A_364 : vector<16xi32>
          %add3A_366 = vector.broadcast %scan3A_140 : i32 to vector<16xi32>
          %add3A_367 = arith.addi %mul3A_365, %add3A_366 : vector<16xi32>
          %swap3A_368 = arith.index_cast %select_n3A_356 : i32 to index
          %swap3A_369 = arith.constant 0 : index
          %swap3A_370 = tpu.vector_load %arg19[%swap3A_368, %swap3A_369] {strides = array<i32>} : memref<2x112xi32, #tpu.memory_space<vmem>>, vector<16xi32>,
          tpu.vector_store %arg19[%swap3A_368, %swap3A_369], %add3A_367 {strides = array<i32>} : memref<2x112xi32, #tpu.memory_space<vmem>>, vector<16xi32>,
          %add3A_371 = arith.constant 16 : i32
          %add3A_372 = arith.addi %mul3A_358, %add3A_371 : i32
          %get3A_373 = arith.index_cast %add3A_372 : i32 to index
          %get3A_374 = tpu.vector_load %arg13[%get3A_373] {strides = array<i32>} : memref<10080xi32, #tpu.memory_space<vmem>>, vector<16xi32>,
          %mul3A_375 = arith.constant 8 : i32
          %mul3A_376 = vector.broadcast %mul3A_375 : i32 to vector<16xi32>
          %mul3A_377 = arith.muli %get3A_374, %mul3A_376 : vector<16xi32>
          %add3A_378 = vector.broadcast %scan3A_140 : i32 to vector<16xi32>
          %add3A_379 = arith.addi %mul3A_377, %add3A_378 : vector<16xi32>
          %swap3A_380 = arith.index_cast %select_n3A_356 : i32 to index
          %swap3A_381 = arith.constant 16 : index
          %swap3A_382 = tpu.vector_load %arg19[%swap3A_380, %swap3A_381] {strides = array<i32>} : memref<2x112xi32, #tpu.memory_space<vmem>>, vector<16xi32>,
          tpu.vector_store %arg19[%swap3A_380, %swap3A_381], %add3A_379 {strides = array<i32>} : memref<2x112xi32, #tpu.memory_space<vmem>>, vector<16xi32>,
          %add3A_383 = arith.constant 32 : i32
          %add3A_384 = arith.addi %mul3A_358, %add3A_383 : i32
          %get3A_385 = arith.index_cast %add3A_384 : i32 to index
          %get3A_386 = tpu.vector_load %arg13[%get3A_385] {strides = array<i32>} : memref<10080xi32, #tpu.memory_space<vmem>>, vector<16xi32>,
          %mul3A_387 = arith.constant 8 : i32
          %mul3A_388 = vector.broadcast %mul3A_387 : i32 to vector<16xi32>
          %mul3A_389 = arith.muli %get3A_386, %mul3A_388 : vector<16xi32>
          %add3A_390 = vector.broadcast %scan3A_140 : i32 to vector<16xi32>
          %add3A_391 = arith.addi %mul3A_389, %add3A_390 : vector<16xi32>
          %swap3A_392 = arith.index_cast %select_n3A_356 : i32 to index
          %swap3A_393 = arith.constant 32 : index
          %swap3A_394 = tpu.vector_load %arg19[%swap3A_392, %swap3A_393] {strides = array<i32>} : memref<2x112xi32, #tpu.memory_space<vmem>>, vector<16xi32>,
          tpu.vector_store %arg19[%swap3A_392, %swap3A_393], %add3A_391 {strides = array<i32>} : memref<2x112xi32, #tpu.memory_space<vmem>>, vector<16xi32>,
          %add3A_395 = arith.constant 48 : i32
          %add3A_396 = arith.addi %mul3A_358, %add3A_395 : i32
          %get3A_397 = arith.index_cast %add3A_396 : i32 to index
          %get3A_398 = tpu.vector_load %arg13[%get3A_397] {strides = array<i32>} : memref<10080xi32, #tpu.memory_space<vmem>>, vector<16xi32>,
          %mul3A_399 = arith.constant 8 : i32
          %mul3A_400 = vector.broadcast %mul3A_399 : i32 to vector<16xi32>
          %mul3A_401 = arith.muli %get3A_398, %mul3A_400 : vector<16xi32>
          %add3A_402 = vector.broadcast %scan3A_140 : i32 to vector<16xi32>
          %add3A_403 = arith.addi %mul3A_401, %add3A_402 : vector<16xi32>
          %swap3A_404 = arith.index_cast %select_n3A_356 : i32 to index
          %swap3A_405 = arith.constant 48 : index
          %swap3A_406 = tpu.vector_load %arg19[%swap3A_404, %swap3A_405] {strides = array<i32>} : memref<2x112xi32, #tpu.memory_space<vmem>>, vector<16xi32>,
          tpu.vector_store %arg19[%swap3A_404, %swap3A_405], %add3A_403 {strides = array<i32>} : memref<2x112xi32, #tpu.memory_space<vmem>>, vector<16xi32>,
          %add3A_407 = arith.constant 64 : i32
          %add3A_408 = arith.addi %mul3A_358, %add3A_407 : i32
          %get3A_409 = arith.index_cast %add3A_408 : i32 to index
          %get3A_410 = tpu.vector_load %arg13[%get3A_409] {strides = array<i32>} : memref<10080xi32, #tpu.memory_space<vmem>>, vector<16xi32>,
          %mul3A_411 = arith.constant 8 : i32
          %mul3A_412 = vector.broadcast %mul3A_411 : i32 to vector<16xi32>
          %mul3A_413 = arith.muli %get3A_410, %mul3A_412 : vector<16xi32>
          %add3A_414 = vector.broadcast %scan3A_140 : i32 to vector<16xi32>
          %add3A_415 = arith.addi %mul3A_413, %add3A_414 : vector<16xi32>
          %swap3A_416 = arith.index_cast %select_n3A_356 : i32 to index
          %swap3A_417 = arith.constant 64 : index
          %swap3A_418 = tpu.vector_load %arg19[%swap3A_416, %swap3A_417] {strides = array<i32>} : memref<2x112xi32, #tpu.memory_space<vmem>>, vector<16xi32>,
          tpu.vector_store %arg19[%swap3A_416, %swap3A_417], %add3A_415 {strides = array<i32>} : memref<2x112xi32, #tpu.memory_space<vmem>>, vector<16xi32>,
          %add3A_419 = arith.constant 80 : i32
          %add3A_420 = arith.addi %mul3A_358, %add3A_419 : i32
          %get3A_421 = arith.index_cast %add3A_420 : i32 to index
          %get3A_422 = tpu.vector_load %arg13[%get3A_421] {strides = array<i32>} : memref<10080xi32, #tpu.memory_space<vmem>>, vector<16xi32>,
          %mul3A_423 = arith.constant 8 : i32
          %mul3A_424 = vector.broadcast %mul3A_423 : i32 to vector<16xi32>
          %mul3A_425 = arith.muli %get3A_422, %mul3A_424 : vector<16xi32>
          %add3A_426 = vector.broadcast %scan3A_140 : i32 to vector<16xi32>
          %add3A_427 = arith.addi %mul3A_425, %add3A_426 : vector<16xi32>
          %swap3A_428 = arith.index_cast %select_n3A_356 : i32 to index
          %swap3A_429 = arith.constant 80 : index
          %swap3A_430 = tpu.vector_load %arg19[%swap3A_428, %swap3A_429] {strides = array<i32>} : memref<2x112xi32, #tpu.memory_space<vmem>>, vector<16xi32>,
          tpu.vector_store %arg19[%swap3A_428, %swap3A_429], %add3A_427 {strides = array<i32>} : memref<2x112xi32, #tpu.memory_space<vmem>>, vector<16xi32>,
          %add3A_431 = arith.constant 96 : i32
          %add3A_432 = arith.addi %mul3A_358, %add3A_431 : i32
          %get3A_433 = arith.index_cast %add3A_432 : i32 to index
          %get3A_434 = tpu.vector_load %arg13[%get3A_433] {strides = array<i32>} : memref<10080xi32, #tpu.memory_space<vmem>>, vector<16xi32>,
          %mul3A_435 = arith.constant 8 : i32
          %mul3A_436 = vector.broadcast %mul3A_435 : i32 to vector<16xi32>
          %mul3A_437 = arith.muli %get3A_434, %mul3A_436 : vector<16xi32>
          %add3A_438 = vector.broadcast %scan3A_140 : i32 to vector<16xi32>
          %add3A_439 = arith.addi %mul3A_437, %add3A_438 : vector<16xi32>
          %swap3A_440 = arith.index_cast %select_n3A_356 : i32 to index
          %swap3A_441 = arith.constant 96 : index
          %swap3A_442 = tpu.vector_load %arg19[%swap3A_440, %swap3A_441] {strides = array<i32>} : memref<2x112xi32, #tpu.memory_space<vmem>>, vector<16xi32>,
          tpu.vector_store %arg19[%swap3A_440, %swap3A_441], %add3A_439 {strides = array<i32>} : memref<2x112xi32, #tpu.memory_space<vmem>>, vector<16xi32>,
          %eq3A_443 = arith.constant 0 : i32
          %eq3A_444 = arith.cmpi eq, %arg0, %eq3A_443 : i32
          %convert_element_type3A_445 = arith.extui %eq3A_444 : i1 to i32
          %cond3A_446 = arith.constant 0 : i32
          %cond3A_447 = arith.cmpi ne, %convert_element_type3A_445, %cond3A_446 : i32
          scf.if %cond3A_447 {
            %dma_start3A_453 = arith.constant 0 : i32
            %dma_start3A_454 = arith.constant 0 : i32
            %dma_start3A_455 = tpu.memref_slice %arg21[%select_n3A_356, %dma_start3A_453, %dma_start3A_454] : memref<2x112x16xf32, #tpu.memory_space<vmem>> -> memref<1x112x16xf32, #tpu.memory_space<vmem>>
            %dma_start3A_456 = tpu.memref_squeeze %dma_start3A_455 : memref<1x112x16xf32, #tpu.memory_space<vmem>> -> memref<112x16xf32, #tpu.memory_space<vmem>>
            %dma_start3A_457 = arith.constant 0 : i32
            %dma_start3A_458 = tpu.memref_slice %arg19[%select_n3A_356, %dma_start3A_457] : memref<2x112xi32, #tpu.memory_space<vmem>> -> memref<1x112xi32, #tpu.memory_space<vmem>>
            %dma_start3A_459 = tpu.memref_squeeze %dma_start3A_458 : memref<1x112xi32, #tpu.memory_space<vmem>> -> memref<112xi32, #tpu.memory_space<vmem>>
            %dma_start3A_460 = arith.constant 0 : i32
            %dma_start3A_461 = arith.constant 0 : i32
            %dma_start3A_462 = tpu.memref_slice %arg2[%dma_start3A_460, %dma_start3A_461] : memref<80000x16xf32, #tpu.memory_space<hbm>> -> memref<80000x16xf32, #tpu.memory_space<hbm>>
            %dma_start3A_463 = tpu.memref_slice %arg27[%select_n3A_356] : memref<2x!tpu.dma_semaphore, #tpu.memory_space<semaphore_mem>> -> memref<1x!tpu.dma_semaphore, #tpu.memory_space<semaphore_mem>>
            %dma_start3A_464 = tpu.memref_squeeze %dma_start3A_463 : memref<1x!tpu.dma_semaphore, #tpu.memory_space<semaphore_mem>> -> memref<!tpu.dma_semaphore, #tpu.memory_space<semaphore_mem>>
            tpu.enqueue_indirect_dma source(%dma_start3A_462 : memref<80000x16xf32, #tpu.memory_space<hbm>>) target(%dma_start3A_456 : memref<112x16xf32, #tpu.memory_space<vmem>>) offsets(%dma_start3A_459 : memref<112xi32, #tpu.memory_space<vmem>>) semaphore(%dma_start3A_464 : memref<!tpu.dma_semaphore, #tpu.memory_space<semaphore_mem>>)
          } else {
          }
          %eq3A_448 = arith.constant 1 : i32
          %eq3A_449 = arith.cmpi eq, %arg0, %eq3A_448 : i32
          %convert_element_type3A_450 = arith.extui %eq3A_449 : i1 to i32
          %cond3A_451 = arith.constant 0 : i32
          %cond3A_452 = arith.cmpi ne, %convert_element_type3A_450, %cond3A_451 : i32
          scf.if %cond3A_452 {
            %dma_start3A_453 = arith.constant 0 : i32
            %dma_start3A_454 = arith.constant 0 : i32
            %dma_start3A_455 = tpu.memref_slice %arg21[%select_n3A_356, %dma_start3A_453, %dma_start3A_454] : memref<2x112x16xf32, #tpu.memory_space<vmem>> -> memref<1x112x16xf32, #tpu.memory_space<vmem>>
            %dma_start3A_456 = tpu.memref_squeeze %dma_start3A_455 : memref<1x112x16xf32, #tpu.memory_space<vmem>> -> memref<112x16xf32, #tpu.memory_space<vmem>>
            %dma_start3A_457 = arith.constant 0 : i32
            %dma_start3A_458 = tpu.memref_slice %arg19[%select_n3A_356, %dma_start3A_457] : memref<2x112xi32, #tpu.memory_space<vmem>> -> memref<1x112xi32, #tpu.memory_space<vmem>>
            %dma_start3A_459 = tpu.memref_squeeze %dma_start3A_458 : memref<1x112xi32, #tpu.memory_space<vmem>> -> memref<112xi32, #tpu.memory_space<vmem>>
            %dma_start3A_460 = arith.constant 0 : i32
            %dma_start3A_461 = arith.constant 0 : i32
            %dma_start3A_462 = tpu.memref_slice %arg3[%dma_start3A_460, %dma_start3A_461] : memref<80000x16xf32, #tpu.memory_space<hbm>> -> memref<80000x16xf32, #tpu.memory_space<hbm>>
            %dma_start3A_463 = tpu.memref_slice %arg27[%select_n3A_356] : memref<2x!tpu.dma_semaphore, #tpu.memory_space<semaphore_mem>> -> memref<1x!tpu.dma_semaphore, #tpu.memory_space<semaphore_mem>>
            %dma_start3A_464 = tpu.memref_squeeze %dma_start3A_463 : memref<1x!tpu.dma_semaphore, #tpu.memory_space<semaphore_mem>> -> memref<!tpu.dma_semaphore, #tpu.memory_space<semaphore_mem>>
            tpu.enqueue_indirect_dma source(%dma_start3A_462 : memref<80000x16xf32, #tpu.memory_space<hbm>>) target(%dma_start3A_456 : memref<112x16xf32, #tpu.memory_space<vmem>>) offsets(%dma_start3A_459 : memref<112xi32, #tpu.memory_space<vmem>>) semaphore(%dma_start3A_464 : memref<!tpu.dma_semaphore, #tpu.memory_space<semaphore_mem>>)
          } else {
          }
        } else {
        }
      }
      %scan3A_152 = arith.constant 90 : i32
      %dma_wait3A_153 = arith.constant 0 : i32
      %dma_wait3A_154 = arith.constant 0 : i32
      %dma_wait3A_155 = arith.constant 0 : i32
      %dma_wait3A_156 = arith.constant 0 : i32
      %dma_wait3A_157 = arith.constant 0 : i32
      %dma_wait3A_158 = tpu.memref_slice %arg22[%dma_wait3A_153, %dma_wait3A_156, %dma_wait3A_157] : memref<2x112x16xf32, #tpu.memory_space<vmem>> -> memref<1x112x16xf32, #tpu.memory_space<vmem>>
      %dma_wait3A_159 = tpu.memref_squeeze %dma_wait3A_158 : memref<1x112x16xf32, #tpu.memory_space<vmem>> -> memref<112x16xf32, #tpu.memory_space<vmem>>
      %dma_wait3A_160 = arith.constant 0 : i32
      %dma_wait3A_161 = tpu.memref_slice %arg20[%dma_wait3A_154, %dma_wait3A_160] : memref<2x112xi32, #tpu.memory_space<vmem>> -> memref<1x112xi32, #tpu.memory_space<vmem>>
      %dma_wait3A_162 = tpu.memref_squeeze %dma_wait3A_161 : memref<1x112xi32, #tpu.memory_space<vmem>> -> memref<112xi32, #tpu.memory_space<vmem>>
      %dma_wait3A_163 = arith.constant 0 : i32
      %dma_wait3A_164 = arith.constant 0 : i32
      %dma_wait3A_165 = tpu.memref_slice %arg25[%dma_wait3A_163, %dma_wait3A_164] : memref<10000x16xf32, #tpu.memory_space<vmem_shared>> -> memref<10000x16xf32, #tpu.memory_space<vmem_shared>>
      %dma_wait3A_166 = tpu.memref_slice %arg28[%dma_wait3A_155] : memref<2x!tpu.dma_semaphore, #tpu.memory_space<semaphore_mem>> -> memref<1x!tpu.dma_semaphore, #tpu.memory_space<semaphore_mem>>
      %dma_wait3A_167 = tpu.memref_squeeze %dma_wait3A_166 : memref<1x!tpu.dma_semaphore, #tpu.memory_space<semaphore_mem>> -> memref<!tpu.dma_semaphore, #tpu.memory_space<semaphore_mem>>
      tpu.wait_indirect_dma semaphore(%dma_wait3A_167 : memref<!tpu.dma_semaphore, #tpu.memory_space<semaphore_mem>>) src(%dma_wait3A_159 : memref<112x16xf32, #tpu.memory_space<vmem>>) dst(%dma_wait3A_165 : memref<10000x16xf32, #tpu.memory_space<vmem_shared>>)
      %dma_wait3A_168 = arith.constant 1 : i32
      %dma_wait3A_169 = arith.constant 1 : i32
      %dma_wait3A_170 = arith.constant 1 : i32
      %dma_wait3A_171 = arith.constant 0 : i32
      %dma_wait3A_172 = arith.constant 0 : i32
      %dma_wait3A_173 = tpu.memref_slice %arg22[%dma_wait3A_168, %dma_wait3A_171, %dma_wait3A_172] : memref<2x112x16xf32, #tpu.memory_space<vmem>> -> memref<1x112x16xf32, #tpu.memory_space<vmem>>
      %dma_wait3A_174 = tpu.memref_squeeze %dma_wait3A_173 : memref<1x112x16xf32, #tpu.memory_space<vmem>> -> memref<112x16xf32, #tpu.memory_space<vmem>>
      %dma_wait3A_175 = arith.constant 0 : i32
      %dma_wait3A_176 = tpu.memref_slice %arg20[%dma_wait3A_169, %dma_wait3A_175] : memref<2x112xi32, #tpu.memory_space<vmem>> -> memref<1x112xi32, #tpu.memory_space<vmem>>
      %dma_wait3A_177 = tpu.memref_squeeze %dma_wait3A_176 : memref<1x112xi32, #tpu.memory_space<vmem>> -> memref<112xi32, #tpu.memory_space<vmem>>
      %dma_wait3A_178 = arith.constant 0 : i32
      %dma_wait3A_179 = arith.constant 0 : i32
      %dma_wait3A_180 = tpu.memref_slice %arg25[%dma_wait3A_178, %dma_wait3A_179] : memref<10000x16xf32, #tpu.memory_space<vmem_shared>> -> memref<10000x16xf32, #tpu.memory_space<vmem_shared>>
      %dma_wait3A_181 = tpu.memref_slice %arg28[%dma_wait3A_170] : memref<2x!tpu.dma_semaphore, #tpu.memory_space<semaphore_mem>> -> memref<1x!tpu.dma_semaphore, #tpu.memory_space<semaphore_mem>>
      %dma_wait3A_182 = tpu.memref_squeeze %dma_wait3A_181 : memref<1x!tpu.dma_semaphore, #tpu.memory_space<semaphore_mem>> -> memref<!tpu.dma_semaphore, #tpu.memory_space<semaphore_mem>>
      tpu.wait_indirect_dma semaphore(%dma_wait3A_182 : memref<!tpu.dma_semaphore, #tpu.memory_space<semaphore_mem>>) src(%dma_wait3A_174 : memref<112x16xf32, #tpu.memory_space<vmem>>) dst(%dma_wait3A_180 : memref<10000x16xf32, #tpu.memory_space<vmem_shared>>)
      %barrier3A_183 = arith.constant 0 : index
      tpu.barrier barrier_id(%barrier3A_183)
      %eq3A_184 = arith.constant 0 : i32
      %eq3A_185 = arith.cmpi eq, %arg0, %eq3A_184 : i32
      %convert_element_type3A_186 = arith.extui %eq3A_185 : i1 to i32
      %cond3A_187 = arith.constant 0 : i32
      %cond3A_188 = arith.cmpi ne, %convert_element_type3A_186, %cond3A_187 : i32
      scf.if %cond3A_188 {
        %mul3A_203 = arith.constant 624 : i32
        %mul3A_204 = arith.muli %arg1, %mul3A_203 : i32
        %mul3A_205 = arith.constant 624 : i32
        %mul3A_206 = arith.muli %arg1, %mul3A_205 : i32
        "tpu.region"() ({
          %run_scoped3A = tpu.sem_alloc : memref<!tpu.dma_semaphore, #tpu.memory_space<semaphore_mem>>
          %dma_start3A = arith.constant 0 : i32
          %dma_start3A_212 = tpu.memref_slice %arg11[%scan3A_140, %mul3A_206, %dma_start3A] : memref<8x10000x16xf32, #tpu.memory_space<hbm>> -> memref<1x624x16xf32, #tpu.memory_space<hbm>>
          %dma_start3A_213 = tpu.memref_squeeze %dma_start3A_212 : memref<1x624x16xf32, #tpu.memory_space<hbm>> -> memref<624x16xf32, #tpu.memory_space<hbm>>
          %dma_start3A_214 = arith.constant 0 : i32
          %dma_start3A_215 = tpu.memref_slice %arg25[%mul3A_204, %dma_start3A_214] : memref<10000x16xf32, #tpu.memory_space<vmem_shared>> -> memref<624x16xf32, #tpu.memory_space<vmem_shared>>
          tpu.enqueue_dma source(%dma_start3A_215 : memref<624x16xf32, #tpu.memory_space<vmem_shared>>) target(%dma_start3A_213 : memref<624x16xf32, #tpu.memory_space<hbm>>) target_semaphore(%run_scoped3A : memref<!tpu.dma_semaphore, #tpu.memory_space<semaphore_mem>>)
          %dma_wait3A_216 = arith.constant 0 : i32
          %dma_wait3A_217 = tpu.memref_slice %arg11[%scan3A_140, %mul3A_206, %dma_wait3A_216] : memref<8x10000x16xf32, #tpu.memory_space<hbm>> -> memref<1x624x16xf32, #tpu.memory_space<hbm>>
          %dma_wait3A_218 = tpu.memref_squeeze %dma_wait3A_217 : memref<1x624x16xf32, #tpu.memory_space<hbm>> -> memref<624x16xf32, #tpu.memory_space<hbm>>
          %dma_wait3A_219 = arith.constant 0 : i32
          %dma_wait3A_220 = tpu.memref_slice %arg25[%mul3A_204, %dma_wait3A_219] : memref<10000x16xf32, #tpu.memory_space<vmem_shared>> -> memref<624x16xf32, #tpu.memory_space<vmem_shared>>
          tpu.wait_dma2 semaphore(%run_scoped3A : memref<!tpu.dma_semaphore, #tpu.memory_space<semaphore_mem>>) src(%dma_wait3A_220 : memref<624x16xf32, #tpu.memory_space<vmem_shared>>) dst(%dma_wait3A_218 : memref<624x16xf32, #tpu.memory_space<hbm>>)
          tpu.yield
        }) : () -> ()
        %eq3A_207 = arith.constant 0 : i32
        %eq3A_208 = arith.cmpi eq, %arg1, %eq3A_207 : i32
        %convert_element_type3A_209 = arith.extui %eq3A_208 : i1 to i32
        %cond3A_210 = arith.constant 0 : i32
        %cond3A_211 = arith.cmpi ne, %convert_element_type3A_209, %cond3A_210 : i32
        scf.if %cond3A_211 {
          "tpu.region"() ({
            %run_scoped3A = tpu.sem_alloc : memref<!tpu.dma_semaphore, #tpu.memory_space<semaphore_mem>>
            %dma_start3A = arith.constant 9984 : i32
            %dma_start3A_212 = arith.constant 0 : i32
            %dma_start3A_213 = tpu.memref_slice %arg11[%scan3A_140, %dma_start3A, %dma_start3A_212] : memref<8x10000x16xf32, #tpu.memory_space<hbm>> -> memref<1x16x16xf32, #tpu.memory_space<hbm>>
            %dma_start3A_214 = tpu.memref_squeeze %dma_start3A_213 : memref<1x16x16xf32, #tpu.memory_space<hbm>> -> memref<16x16xf32, #tpu.memory_space<hbm>>
            %dma_start3A_215 = arith.constant 9984 : i32
            %dma_start3A_216 = arith.constant 0 : i32
            %dma_start3A_217 = tpu.memref_slice %arg25[%dma_start3A_215, %dma_start3A_216] : memref<10000x16xf32, #tpu.memory_space<vmem_shared>> -> memref<16x16xf32, #tpu.memory_space<vmem_shared>>
            tpu.enqueue_dma source(%dma_start3A_217 : memref<16x16xf32, #tpu.memory_space<vmem_shared>>) target(%dma_start3A_214 : memref<16x16xf32, #tpu.memory_space<hbm>>) target_semaphore(%run_scoped3A : memref<!tpu.dma_semaphore, #tpu.memory_space<semaphore_mem>>)
            %dma_wait3A_218 = arith.constant 9984 : i32
            %dma_wait3A_219 = arith.constant 0 : i32
            %dma_wait3A_220 = tpu.memref_slice %arg11[%scan3A_140, %dma_wait3A_218, %dma_wait3A_219] : memref<8x10000x16xf32, #tpu.memory_space<hbm>> -> memref<1x16x16xf32, #tpu.memory_space<hbm>>
            %dma_wait3A_221 = tpu.memref_squeeze %dma_wait3A_220 : memref<1x16x16xf32, #tpu.memory_space<hbm>> -> memref<16x16xf32, #tpu.memory_space<hbm>>
            %dma_wait3A_222 = arith.constant 9984 : i32
            %dma_wait3A_223 = arith.constant 0 : i32
            %dma_wait3A_224 = tpu.memref_slice %arg25[%dma_wait3A_222, %dma_wait3A_223] : memref<10000x16xf32, #tpu.memory_space<vmem_shared>> -> memref<16x16xf32, #tpu.memory_space<vmem_shared>>
            tpu.wait_dma2 semaphore(%run_scoped3A : memref<!tpu.dma_semaphore, #tpu.memory_space<semaphore_mem>>) src(%dma_wait3A_224 : memref<16x16xf32, #tpu.memory_space<vmem_shared>>) dst(%dma_wait3A_221 : memref<16x16xf32, #tpu.memory_space<hbm>>)
            tpu.yield
          }) : () -> ()
        } else {
        }
      } else {
      }
      %eq3A_189 = arith.constant 1 : i32
      %eq3A_190 = arith.cmpi eq, %arg0, %eq3A_189 : i32
      %convert_element_type3A_191 = arith.extui %eq3A_190 : i1 to i32
      %cond3A_192 = arith.constant 0 : i32
      %cond3A_193 = arith.cmpi ne, %convert_element_type3A_191, %cond3A_192 : i32
      scf.if %cond3A_193 {
        %mul3A_203 = arith.constant 624 : i32
        %mul3A_204 = arith.muli %arg1, %mul3A_203 : i32
        %mul3A_205 = arith.constant 624 : i32
        %mul3A_206 = arith.muli %arg1, %mul3A_205 : i32
        "tpu.region"() ({
          %run_scoped3A = tpu.sem_alloc : memref<!tpu.dma_semaphore, #tpu.memory_space<semaphore_mem>>
          %dma_start3A = arith.constant 0 : i32
          %dma_start3A_212 = tpu.memref_slice %arg12[%scan3A_140, %mul3A_206, %dma_start3A] : memref<8x10000x16xf32, #tpu.memory_space<hbm>> -> memref<1x624x16xf32, #tpu.memory_space<hbm>>
          %dma_start3A_213 = tpu.memref_squeeze %dma_start3A_212 : memref<1x624x16xf32, #tpu.memory_space<hbm>> -> memref<624x16xf32, #tpu.memory_space<hbm>>
          %dma_start3A_214 = arith.constant 0 : i32
          %dma_start3A_215 = tpu.memref_slice %arg25[%mul3A_204, %dma_start3A_214] : memref<10000x16xf32, #tpu.memory_space<vmem_shared>> -> memref<624x16xf32, #tpu.memory_space<vmem_shared>>
          tpu.enqueue_dma source(%dma_start3A_215 : memref<624x16xf32, #tpu.memory_space<vmem_shared>>) target(%dma_start3A_213 : memref<624x16xf32, #tpu.memory_space<hbm>>) target_semaphore(%run_scoped3A : memref<!tpu.dma_semaphore, #tpu.memory_space<semaphore_mem>>)
          %dma_wait3A_216 = arith.constant 0 : i32
          %dma_wait3A_217 = tpu.memref_slice %arg12[%scan3A_140, %mul3A_206, %dma_wait3A_216] : memref<8x10000x16xf32, #tpu.memory_space<hbm>> -> memref<1x624x16xf32, #tpu.memory_space<hbm>>
          %dma_wait3A_218 = tpu.memref_squeeze %dma_wait3A_217 : memref<1x624x16xf32, #tpu.memory_space<hbm>> -> memref<624x16xf32, #tpu.memory_space<hbm>>
          %dma_wait3A_219 = arith.constant 0 : i32
          %dma_wait3A_220 = tpu.memref_slice %arg25[%mul3A_204, %dma_wait3A_219] : memref<10000x16xf32, #tpu.memory_space<vmem_shared>> -> memref<624x16xf32, #tpu.memory_space<vmem_shared>>
          tpu.wait_dma2 semaphore(%run_scoped3A : memref<!tpu.dma_semaphore, #tpu.memory_space<semaphore_mem>>) src(%dma_wait3A_220 : memref<624x16xf32, #tpu.memory_space<vmem_shared>>) dst(%dma_wait3A_218 : memref<624x16xf32, #tpu.memory_space<hbm>>)
          tpu.yield
        }) : () -> ()
        %eq3A_207 = arith.constant 0 : i32
        %eq3A_208 = arith.cmpi eq, %arg1, %eq3A_207 : i32
        %convert_element_type3A_209 = arith.extui %eq3A_208 : i1 to i32
        %cond3A_210 = arith.constant 0 : i32
        %cond3A_211 = arith.cmpi ne, %convert_element_type3A_209, %cond3A_210 : i32
        scf.if %cond3A_211 {
          "tpu.region"() ({
            %run_scoped3A = tpu.sem_alloc : memref<!tpu.dma_semaphore, #tpu.memory_space<semaphore_mem>>
            %dma_start3A = arith.constant 9984 : i32
            %dma_start3A_212 = arith.constant 0 : i32
            %dma_start3A_213 = tpu.memref_slice %arg12[%scan3A_140, %dma_start3A, %dma_start3A_212] : memref<8x10000x16xf32, #tpu.memory_space<hbm>> -> memref<1x16x16xf32, #tpu.memory_space<hbm>>
            %dma_start3A_214 = tpu.memref_squeeze %dma_start3A_213 : memref<1x16x16xf32, #tpu.memory_space<hbm>> -> memref<16x16xf32, #tpu.memory_space<hbm>>
            %dma_start3A_215 = arith.constant 9984 : i32
            %dma_start3A_216 = arith.constant 0 : i32
            %dma_start3A_217 = tpu.memref_slice %arg25[%dma_start3A_215, %dma_start3A_216] : memref<10000x16xf32, #tpu.memory_space<vmem_shared>> -> memref<16x16xf32, #tpu.memory_space<vmem_shared>>
            tpu.enqueue_dma source(%dma_start3A_217 : memref<16x16xf32, #tpu.memory_space<vmem_shared>>) target(%dma_start3A_214 : memref<16x16xf32, #tpu.memory_space<hbm>>) target_semaphore(%run_scoped3A : memref<!tpu.dma_semaphore, #tpu.memory_space<semaphore_mem>>)
            %dma_wait3A_218 = arith.constant 9984 : i32
            %dma_wait3A_219 = arith.constant 0 : i32
            %dma_wait3A_220 = tpu.memref_slice %arg12[%scan3A_140, %dma_wait3A_218, %dma_wait3A_219] : memref<8x10000x16xf32, #tpu.memory_space<hbm>> -> memref<1x16x16xf32, #tpu.memory_space<hbm>>
            %dma_wait3A_221 = tpu.memref_squeeze %dma_wait3A_220 : memref<1x16x16xf32, #tpu.memory_space<hbm>> -> memref<16x16xf32, #tpu.memory_space<hbm>>
            %dma_wait3A_222 = arith.constant 9984 : i32
            %dma_wait3A_223 = arith.constant 0 : i32
            %dma_wait3A_224 = tpu.memref_slice %arg25[%dma_wait3A_222, %dma_wait3A_223] : memref<10000x16xf32, #tpu.memory_space<vmem_shared>> -> memref<16x16xf32, #tpu.memory_space<vmem_shared>>
            tpu.wait_dma2 semaphore(%run_scoped3A : memref<!tpu.dma_semaphore, #tpu.memory_space<semaphore_mem>>) src(%dma_wait3A_224 : memref<16x16xf32, #tpu.memory_space<vmem_shared>>) dst(%dma_wait3A_221 : memref<16x16xf32, #tpu.memory_space<hbm>>)
            tpu.yield
          }) : () -> ()
        } else {
        }
      } else {
      }
      %barrier3A_194 = arith.constant 0 : index
      tpu.barrier barrier_id(%barrier3A_194)
      %mul3A_195 = arith.constant 624 : i32
      %mul3A_196 = arith.muli %arg1, %mul3A_195 : i32
      "tpu.region"() ({
        %run_scoped3A = tpu.sem_alloc : memref<!tpu.dma_semaphore, #tpu.memory_space<semaphore_mem>>
        %dma_start3A = arith.constant 0 : i32
        %dma_start3A_203 = tpu.memref_slice %arg25[%mul3A_196, %dma_start3A] : memref<10000x16xf32, #tpu.memory_space<vmem_shared>> -> memref<624x16xf32, #tpu.memory_space<vmem_shared>>
        tpu.enqueue_dma source(%arg9 : memref<624x16xf32, #tpu.memory_space<hbm>>) target(%dma_start3A_203 : memref<624x16xf32, #tpu.memory_space<vmem_shared>>) target_semaphore(%run_scoped3A : memref<!tpu.dma_semaphore, #tpu.memory_space<semaphore_mem>>)
        %dma_wait3A_204 = arith.constant 0 : i32
        %dma_wait3A_205 = tpu.memref_slice %arg25[%mul3A_196, %dma_wait3A_204] : memref<10000x16xf32, #tpu.memory_space<vmem_shared>> -> memref<624x16xf32, #tpu.memory_space<vmem_shared>>
        tpu.wait_dma2 semaphore(%run_scoped3A : memref<!tpu.dma_semaphore, #tpu.memory_space<semaphore_mem>>) src(%arg9 : memref<624x16xf32, #tpu.memory_space<hbm>>) dst(%dma_wait3A_205 : memref<624x16xf32, #tpu.memory_space<vmem_shared>>)
        tpu.yield
      }) : () -> ()
      %eq3A_197 = arith.constant 0 : i32
      %eq3A_198 = arith.cmpi eq, %arg1, %eq3A_197 : i32
      %convert_element_type3A_199 = arith.extui %eq3A_198 : i1 to i32
      %cond3A_200 = arith.constant 0 : i32
      %cond3A_201 = arith.cmpi ne, %convert_element_type3A_199, %cond3A_200 : i32
      scf.if %cond3A_201 {
        "tpu.region"() ({
          %run_scoped3A = tpu.sem_alloc : memref<!tpu.dma_semaphore, #tpu.memory_space<semaphore_mem>>
          %dma_start3A = arith.constant 9984 : i32
          %dma_start3A_203 = arith.constant 0 : i32
          %dma_start3A_204 = tpu.memref_slice %arg25[%dma_start3A, %dma_start3A_203] : memref<10000x16xf32, #tpu.memory_space<vmem_shared>> -> memref<16x16xf32, #tpu.memory_space<vmem_shared>>
          %dma_start3A_205 = arith.constant 0 : i32
          %dma_start3A_206 = arith.constant 0 : i32
          %dma_start3A_207 = tpu.memref_slice %arg9[%dma_start3A_205, %dma_start3A_206] : memref<624x16xf32, #tpu.memory_space<hbm>> -> memref<16x16xf32, #tpu.memory_space<hbm>>
          tpu.enqueue_dma source(%dma_start3A_207 : memref<16x16xf32, #tpu.memory_space<hbm>>) target(%dma_start3A_204 : memref<16x16xf32, #tpu.memory_space<vmem_shared>>) target_semaphore(%run_scoped3A : memref<!tpu.dma_semaphore, #tpu.memory_space<semaphore_mem>>)
          %dma_wait3A_208 = arith.constant 9984 : i32
          %dma_wait3A_209 = arith.constant 0 : i32
          %dma_wait3A_210 = tpu.memref_slice %arg25[%dma_wait3A_208, %dma_wait3A_209] : memref<10000x16xf32, #tpu.memory_space<vmem_shared>> -> memref<16x16xf32, #tpu.memory_space<vmem_shared>>
          %dma_wait3A_211 = arith.constant 0 : i32
          %dma_wait3A_212 = arith.constant 0 : i32
          %dma_wait3A_213 = tpu.memref_slice %arg9[%dma_wait3A_211, %dma_wait3A_212] : memref<624x16xf32, #tpu.memory_space<hbm>> -> memref<16x16xf32, #tpu.memory_space<hbm>>
          tpu.wait_dma2 semaphore(%run_scoped3A : memref<!tpu.dma_semaphore, #tpu.memory_space<semaphore_mem>>) src(%dma_wait3A_213 : memref<16x16xf32, #tpu.memory_space<hbm>>) dst(%dma_wait3A_210 : memref<16x16xf32, #tpu.memory_space<vmem_shared>>)
          tpu.yield
        }) : () -> ()
      } else {
      }
      %barrier3A_202 = arith.constant 0 : index
      tpu.barrier barrier_id(%barrier3A_202)
    }
    %scan3A_139 = arith.constant 8 : i32
    return
  }
}

module attributes {stable_mosaic.version = 14 : i64} {
  func.func @_proj_body(%arg0: i32, %arg1: memref<1000x256xf32, #tpu.memory_space<vmem>>, %arg2: memref<256x256xf32, #tpu.memory_space<vmem>>, %arg3: memref<256x8xf32, #tpu.memory_space<vmem>>, %arg4: memref<256x8xf32, #tpu.memory_space<vmem>>, %arg5: memref<1000x128xf32, #tpu.memory_space<vmem>>, %arg6: memref<1000x128xf32, #tpu.memory_space<vmem>>, %arg7: memref<1000x16xf32, #tpu.memory_space<vmem>>, %arg8: memref<1000x16xf32, #tpu.memory_space<vmem>>) attributes {dimension_semantics = [#tpu.dimension_semantics<arbitrary>], iteration_bounds = array<i64: 10>, scalar_prefetch = 0 : i64, scratch_operands = 0 : i64, tpu.core_type = #tpu.core_type<tc>, window_params = [{transform_indices = @transform_0, window_bounds = array<i64: 1000, 256>}, {pipeline_mode = #tpu.pipeline_mode<synchronous>, transform_indices = @transform_1, window_bounds = array<i64: 256, 256>}, {pipeline_mode = #tpu.pipeline_mode<synchronous>, transform_indices = @transform_2, window_bounds = array<i64: 256, 8>}, {pipeline_mode = #tpu.pipeline_mode<synchronous>, transform_indices = @transform_3, window_bounds = array<i64: 256, 8>}, {transform_indices = @transform_4, window_bounds = array<i64: 1000, 128>}, {transform_indices = @transform_5, window_bounds = array<i64: 1000, 128>}, {transform_indices = @transform_6, window_bounds = array<i64: 1000, 16>}, {transform_indices = @transform_7, window_bounds = array<i64: 1000, 16>}]} {
    %get3A = arith.constant 0 : index
    %get3A_0 = arith.constant 0 : index
    %get3A_1 = vector.load %arg1[%get3A, %get3A_0] : memref<1000x256xf32, #tpu.memory_space<vmem>>, vector<1000x256xf32>
    %get3A_2 = arith.constant 0 : index
    %get3A_3 = arith.constant 0 : index
    %get3A_4 = vector.load %arg2[%get3A_2, %get3A_3] : memref<256x256xf32, #tpu.memory_space<vmem>>, vector<256x256xf32>
    %dot_general3A = arith.constant dense<0.000000e+00> : vector<1000x256xf32>
    %dot_general3A_5 = tpu.matmul %get3A_1, %get3A_4, %dot_general3A {dimension_numbers = #tpu.dot_dimension_numbers<[1], [0], [0], [1], [0, 0, 1, 1], [], []>, transpose_lhs_hint = false} : vector<1000x256xf32>, vector<256x256xf32>, vector<1000x256xf32> -> vector<1000x256xf32>
    %slice3A = vector.extract_strided_slice %dot_general3A_5 {offsets = [0, 0], sizes = [1000, 128], strides = [1, 1]} : vector<1000x256xf32> to vector<1000x128xf32>
    %swap3A = arith.constant 0 : index
    %swap3A_6 = arith.constant 0 : index
    %swap3A_7 = vector.load %arg5[%swap3A, %swap3A_6] : memref<1000x128xf32, #tpu.memory_space<vmem>>, vector<1000x128xf32>
    tpu.vector_store %arg5[%swap3A, %swap3A_6], %slice3A {strides = array<i32>} : memref<1000x128xf32, #tpu.memory_space<vmem>>, vector<1000x128xf32>,
    %slice3A_8 = vector.extract_strided_slice %dot_general3A_5 {offsets = [0, 128], sizes = [1000, 128], strides = [1, 1]} : vector<1000x256xf32> to vector<1000x128xf32>
    %swap3A_9 = arith.constant 0 : index
    %swap3A_10 = arith.constant 0 : index
    %swap3A_11 = vector.load %arg6[%swap3A_9, %swap3A_10] : memref<1000x128xf32, #tpu.memory_space<vmem>>, vector<1000x128xf32>
    tpu.vector_store %arg6[%swap3A_9, %swap3A_10], %slice3A_8 {strides = array<i32>} : memref<1000x128xf32, #tpu.memory_space<vmem>>, vector<1000x128xf32>,
    %broadcast_in_dim3A = arith.constant 0.000000e+00 : f32
    %broadcast_in_dim3A_12 = vector.broadcast %broadcast_in_dim3A : f32 to vector<1000x8xf32>
    %get3A_13 = arith.constant 0 : index
    %get3A_14 = arith.constant 0 : index
    %get3A_15 = vector.load %arg3[%get3A_13, %get3A_14] : memref<256x8xf32, #tpu.memory_space<vmem>>, vector<256x8xf32>
    %dot_general3A_16 = arith.constant dense<0.000000e+00> : vector<1000x8xf32>
    %dot_general3A_17 = tpu.matmul %dot_general3A_5, %get3A_15, %dot_general3A_16 {dimension_numbers = #tpu.dot_dimension_numbers<[1], [0], [0], [1], [0, 0, 1, 1], [], []>, transpose_lhs_hint = false} : vector<1000x256xf32>, vector<256x8xf32>, vector<1000x8xf32> -> vector<1000x8xf32>
    %get3A_18 = arith.constant 0 : index
    %get3A_19 = arith.constant 0 : index
    %get3A_20 = vector.load %arg4[%get3A_18, %get3A_19] : memref<256x8xf32, #tpu.memory_space<vmem>>, vector<256x8xf32>
    %dot_general3A_21 = arith.constant dense<0.000000e+00> : vector<1000x8xf32>
    %dot_general3A_22 = tpu.matmul %dot_general3A_5, %get3A_20, %dot_general3A_21 {dimension_numbers = #tpu.dot_dimension_numbers<[1], [0], [0], [1], [0, 0, 1, 1], [], []>, transpose_lhs_hint = false} : vector<1000x256xf32>, vector<256x8xf32>, vector<1000x8xf32> -> vector<1000x8xf32>
    %concatenate3A = tpu.concatenate %dot_general3A_17, %broadcast_in_dim3A_12 in 1 : vector<1000x8xf32>, vector<1000x8xf32> -> vector<1000x16xf32>
    %swap3A_23 = arith.constant 0 : index
    %swap3A_24 = arith.constant 0 : index
    %swap3A_25 = vector.load %arg7[%swap3A_23, %swap3A_24] : memref<1000x16xf32, #tpu.memory_space<vmem>>, vector<1000x16xf32>
    tpu.vector_store %arg7[%swap3A_23, %swap3A_24], %concatenate3A {strides = array<i32>} : memref<1000x16xf32, #tpu.memory_space<vmem>>, vector<1000x16xf32>,
    %concatenate3A_26 = tpu.concatenate %dot_general3A_22, %broadcast_in_dim3A_12 in 1 : vector<1000x8xf32>, vector<1000x8xf32> -> vector<1000x16xf32>
    %swap3A_27 = arith.constant 0 : index
    %swap3A_28 = arith.constant 0 : index
    %swap3A_29 = vector.load %arg8[%swap3A_27, %swap3A_28] : memref<1000x16xf32, #tpu.memory_space<vmem>>, vector<1000x16xf32>
    tpu.vector_store %arg8[%swap3A_27, %swap3A_28], %concatenate3A_26 {strides = array<i32>} : memref<1000x16xf32, #tpu.memory_space<vmem>>, vector<1000x16xf32>,
    return
  }
  func.func @transform_0(%arg0: i32) -> (i32, i32) {
    %c0_i32 = arith.constant 0 : i32
    %c0_i32_0 = arith.constant 0 : i32
    return %arg0, %c0_i32 : i32, i32
  }
  func.func @transform_1(%arg0: i32) -> (i32, i32) {
    %c0_i32 = arith.constant 0 : i32
    %c0_i32_0 = arith.constant 0 : i32
    %c0_i32_1 = arith.constant 0 : i32
    return %c0_i32, %c0_i32_0 : i32, i32
  }
  func.func @transform_2(%arg0: i32) -> (i32, i32) {
    %c0_i32 = arith.constant 0 : i32
    %c0_i32_0 = arith.constant 0 : i32
    %c0_i32_1 = arith.constant 0 : i32
    return %c0_i32, %c0_i32_0 : i32, i32
  }
  func.func @transform_3(%arg0: i32) -> (i32, i32) {
    %c0_i32 = arith.constant 0 : i32
    %c0_i32_0 = arith.constant 0 : i32
    %c0_i32_1 = arith.constant 0 : i32
    return %c0_i32, %c0_i32_0 : i32, i32
  }
  func.func @transform_4(%arg0: i32) -> (i32, i32) {
    %c0_i32 = arith.constant 0 : i32
    %c0_i32_0 = arith.constant 0 : i32
    return %arg0, %c0_i32 : i32, i32
  }
  func.func @transform_5(%arg0: i32) -> (i32, i32) {
    %c0_i32 = arith.constant 0 : i32
    %c0_i32_0 = arith.constant 0 : i32
    return %arg0, %c0_i32 : i32, i32
  }
  func.func @transform_6(%arg0: i32) -> (i32, i32) {
    %c0_i32 = arith.constant 0 : i32
    %c0_i32_0 = arith.constant 0 : i32
    return %arg0, %c0_i32 : i32, i32
  }
  func.func @transform_7(%arg0: i32) -> (i32, i32) {
    %c0_i32 = arith.constant 0 : i32
    %c0_i32_0 = arith.constant 0 : i32
    return %arg0, %c0_i32 : i32, i32
  }
}

module attributes {stable_mosaic.version = 14 : i64} {
  func.func @_infl_body(%arg0: i32, %arg1: memref<10000x1xf32, #tpu.memory_space<vmem>>, %arg2: memref<1x16xf32, #tpu.memory_space<vmem>>, %arg3: memref<1x16xf32, #tpu.memory_space<vmem>>, %arg4: memref<10080x16xf32, #tpu.memory_space<vmem>>) attributes {dimension_semantics = [#tpu.dimension_semantics<arbitrary>], iteration_bounds = array<i64: 16>, scalar_prefetch = 0 : i64, scratch_operands = 0 : i64, tpu.core_type = #tpu.core_type<tc>, window_params = [{transform_indices = @transform_0, window_bounds = array<i64: 10000, 1>}, {pipeline_mode = #tpu.pipeline_mode<synchronous>, transform_indices = @transform_1, window_bounds = array<i64: 1, 16>}, {pipeline_mode = #tpu.pipeline_mode<synchronous>, transform_indices = @transform_2, window_bounds = array<i64: 1, 16>}, {transform_indices = @transform_3, window_bounds = array<i64: 10080, 16>}]} {
    %get3A = arith.constant 0 : index
    %get3A_0 = arith.constant 0 : index
    %get3A_1 = vector.load %arg1[%get3A, %get3A_0] : memref<10000x1xf32, #tpu.memory_space<vmem>>, vector<10000x1xf32>
    %get3A_2 = arith.constant 0 : index
    %get3A_3 = arith.constant 0 : index
    %get3A_4 = vector.load %arg2[%get3A_2, %get3A_3] : memref<1x16xf32, #tpu.memory_space<vmem>>, vector<1x16xf32>
    %mul3A = vector.broadcast %get3A_1 : vector<10000x1xf32> to vector<10000x16xf32>
    %mul3A_5 = vector.broadcast %get3A_4 : vector<1x16xf32> to vector<10000x16xf32>
    %mul3A_6 = arith.mulf %mul3A, %mul3A_5 : vector<10000x16xf32>
    %get3A_7 = arith.constant 0 : index
    %get3A_8 = arith.constant 0 : index
    %get3A_9 = vector.load %arg3[%get3A_7, %get3A_8] : memref<1x16xf32, #tpu.memory_space<vmem>>, vector<1x16xf32>
    %add3A = vector.broadcast %get3A_9 : vector<1x16xf32> to vector<10000x16xf32>
    %add3A_10 = arith.addf %mul3A_6, %add3A : vector<10000x16xf32>
    %broadcast_in_dim3A = arith.constant -1.000000e+30 : f32
    %broadcast_in_dim3A_11 = vector.broadcast %broadcast_in_dim3A : f32 to vector<80x16xf32>
    %concatenate3A = tpu.concatenate %add3A_10, %broadcast_in_dim3A_11 in 0 : vector<10000x16xf32>, vector<80x16xf32> -> vector<10080x16xf32>
    %swap3A = arith.constant 0 : index
    %swap3A_12 = arith.constant 0 : index
    %swap3A_13 = vector.load %arg4[%swap3A, %swap3A_12] : memref<10080x16xf32, #tpu.memory_space<vmem>>, vector<10080x16xf32>
    tpu.vector_store %arg4[%swap3A, %swap3A_12], %concatenate3A {strides = array<i32>} : memref<10080x16xf32, #tpu.memory_space<vmem>>, vector<10080x16xf32>,
    return
  }
  func.func @transform_0(%arg0: i32) -> (i32, i32) {
    %c0_i32 = arith.constant 0 : i32
    %c0_i32_0 = arith.constant 0 : i32
    return %arg0, %c0_i32 : i32, i32
  }
  func.func @transform_1(%arg0: i32) -> (i32, i32) {
    %c0_i32 = arith.constant 0 : i32
    %c0_i32_0 = arith.constant 0 : i32
    %c0_i32_1 = arith.constant 0 : i32
    return %c0_i32, %c0_i32_0 : i32, i32
  }
  func.func @transform_2(%arg0: i32) -> (i32, i32) {
    %c0_i32 = arith.constant 0 : i32
    %c0_i32_0 = arith.constant 0 : i32
    %c0_i32_1 = arith.constant 0 : i32
    return %c0_i32, %c0_i32_0 : i32, i32
  }
  func.func @transform_3(%arg0: i32) -> (i32, i32) {
    %c0_i32 = arith.constant 0 : i32
    %c0_i32_0 = arith.constant 0 : i32
    return %arg0, %c0_i32 : i32, i32
  }
}

</mosaic_0001>

<sc_bundles>
// kernel: kernel.5.cloned.1.call-start
scs
__scs_entry_jumppad:
0x0: {  	(pc) =	sbr.rel $0x88, $3  }
0x1: {  	(tag) =	ssettag $0x0;
	lr =	simm.s32 $0x1  }
0x2: {  	[smem:$0x3F98] =	sst lr;
	_ =	strace $0xD0000000  }
0x3: {  	_ = 	snop  }
0x4: {  	_ = 	snop  }
0x5: {  	_ = 	snop  }
0x6: {  	_ = 	snop  }
0x7: {  	_ = 	snop  }
__scs_overlays_trampoline_lowered:
0x8: {  	[smem:$0x3FA7] =	sst s0  }
0x9: {  	[smem:$0x3FA8] =	sst s1  }
0xa: {  	[smem:$0x3FA9] =	sst s2  }
0xb: {  	[smem:$0x3FAA] =	sst s3  }
0xc: {  	[smem:$0x3FAB] =	sst s4  }
0xd: {  	[smem:$0x3FAC] =	sst s5  }
0xe: {  	[smem:$0x3FAD] =	sst s6  }
0xf: {  	[smem:$0x3FAE] =	sst s7  }
0x10: {  	[smem:$0x3FAF] =	sst s8  }
0x11: {  	[smem:$0x3FB0] =	sst s9;
	s0 =	simm.s32 @!p0 $0x0  }
0x12: {  	s1 =	sld [smem:$0x3F96];
	s0 =	simm.s32 @p0 $0x1  }
0x13: {  	[smem:$0x3FB1] =	sst s0;
	s0 =	simm.s32 @!p1 $0x0  }
0x14: {  	s2 =	sld [smem:$0x3F95];
	s0 =	simm.s32 @p1 $0x1  }
0x15: {  	[smem:$0x3FB2] =	sst s0;
	s0 =	simm.s32 @!p2 $0x0  }
0x16: {  	s3 =	sld [smem:$0x3FDB];
	s0 =	simm.s32 @p2 $0x1  }
0x17: {  	s4 =	simm.s32 $0x1BF5;
	[smem:$0x3FB4] =	sst s0  }
0x18: {  	s0 =	sld [smem:$0x3F97];
	_ =	swait.ge [sflag:s4], $0x0  }
0x19: {  	s7 =	sld [smem:$0x3F98]  }
0x1a: {  	s8 =	sadd.s32 $0xFFFFE003, lr  }
0x1b: {  	s9 =	sadd.s32 $0xFFFFFEF7, lr;
	s5 =	simm.s32 $0xFFFFFFFF;
	p2 =	slt.u32 s8, $0xFFFFF086  }
0x1c: {  	p1 =	slt.u32 s9, $0xF7A;
	s5 =	simm.s32 @!p2 $0x0  }
0x1d: {  	s5 =	simm.s32 @p1 $0x1;
	p0 =	seq.s32 s7, s2  }
0x1e: {  	s7 =	smul.u32 @!p0 $0xF7A, s2;
	p2 =	seq.s32 @!p0 s5, $0x0  }
0x1f: {  	s9 =	smul.u32 $0xF7A, s1;
	s8 =	simm.s32 @!p0 $0x1BF5;
	p2 =	por !p2, p0  }
0x20: {  	[sflag:s8] =	ssyncset.s32 @!p0 $0xFFFFF086;
	s6 =	sadd.s32 @!p0 s3, s7;
	s7 =	simm.s32 @!p0 $0x108  }
0x21: {  	s3 =	sadd.s32 s3, s9;
	s6 =	sadd.s32 @!p0 $0x88, s6;
	s7 =	simm.s32 @p2 $0x1082  }
0x22: {  	[simem:s7], [sflag:s8] =	dma.local @!p0 [hbm:s6], $0xF7A  }
0x23: {  	s9 =	sor.u32 $0xD0000000, s2;
	s6 =	simm.s32 $0x108;
	_ =	swait.ge @!p0 [sflag:s8], $0x0  }
0x24: {  	s3 =	sadd.s32 $0x88, s3;
	s6 =	simm.s32 @!p1 $0x1082;
	[sflag:s4] =	ssyncset.s32 $0xFFFFF086  }
0x25: {  	[simem:s6], [sflag:s4] =	dma.local [hbm:s3], $0xF7A  }
0x26: {  	[smem:$0x3F98] =	sst s1;
	(tag) =	ssettag s2;
	_ =	strace s9  }
0x27: {  	s1 =	sld [smem:$0x3FA8]  }
0x28: {  	s2 =	sld [smem:$0x3FA9]  }
0x29: {  	s4 =	sld [smem:$0x3FAB]  }
0x2a: {  	p0 =	seq.s32 s5, $0x0;
	s5 =	sld [smem:$0x3FAC]  }
0x2b: {  	s6 =	sld [smem:$0x3FAD]  }
0x2c: {  	s7 =	sld [smem:$0x3FAE]  }
0x2d: {  	s3 =	simm.s32 $0x108;
	s8 =	sld [smem:$0x3FAF]  }
0x2e: {  	s3 =	simm.s32 @!p0 $0x1082;
	s9 =	sld [smem:$0x3FB0]  }
0x2f: {  	lr =	sadd.s32 s0, s3;
	s0 =	sld [smem:$0x3FA7]  }
0x30: {  	s3 =	sld [smem:$0x3FAA]  }
0x31: {  	[smem:$0x3FB3] =	sst s10  }
0x32: {  	s10 =	sld [smem:$0x3FB1];
	_ =	sdelay $0x3  }
0x33: {  	p0 =	seq.s32 s10, $0x1;
	s10 =	sld [smem:$0x3FB3];
	_ =	sdelay $0x3  }
0x34: {  	[smem:$0x3FB3] =	sst s10  }
0x35: {  	s10 =	sld [smem:$0x3FB2];
	_ =	sdelay $0x3  }
0x36: {  	p1 =	seq.s32 s10, $0x1;
	s10 =	sld [smem:$0x3FB3];
	_ =	sdelay $0x3  }
0x37: {  	[smem:$0x3FB3] =	sst s10  }
0x38: {  	s10 =	sld [smem:$0x3FB4]  }
0x39: {  	_ = 	snop;
	(pc) =	sbr.ind lr, $3  }
0x3a: {  	_ = 	snop  }
0x3b: {  	_ = 	snop  }
0x3c: {  	p2 =	seq.s32 s10, $0x1;
	s10 =	sld [smem:$0x3FB3]  }
0x3d: {  	_ =	shalt  }
0x3e: {  	_ =	shalt  }
0x3f: {  	_ =	shalt  }
0x40: {  	_ =	shalt  }
0x41: {  	_ =	shalt  }
0x42: {  	_ =	shalt  }
0x43: {  	_ =	shalt  }
0x44: {  	_ =	shalt  }
0x45: {  	_ =	shalt  }
0x46: {  	_ =	shalt  }
0x47: {  	_ =	shalt  }
0x48: {  	_ =	shalt  }
0x49: {  	_ =	shalt  }
0x4a: {  	_ =	shalt  }
0x4b: {  	_ =	shalt  }
0x4c: {  	_ =	shalt  }
0x4d: {  	_ =	shalt  }
0x4e: {  	_ =	shalt  }
0x4f: {  	_ =	shalt  }
0x50: {  	_ =	shalt  }
0x51: {  	_ =	shalt  }
0x52: {  	_ =	shalt  }
0x53: {  	_ =	shalt  }
0x54: {  	_ =	shalt  }
0x55: {  	_ =	shalt  }
0x56: {  	_ =	shalt  }
0x57: {  	_ =	shalt  }
0x58: {  	_ =	shalt  }
0x59: {  	_ =	shalt  }
0x5a: {  	_ =	shalt  }
0x5b: {  	_ =	shalt  }
0x5c: {  	_ =	shalt  }
0x5d: {  	_ =	shalt  }
0x5e: {  	_ =	shalt  }
0x5f: {  	_ =	shalt  }
0x60: {  	_ =	shalt  }
0x61: {  	_ =	shalt  }
0x62: {  	_ =	shalt  }
0x63: {  	_ =	shalt  }
0x64: {  	_ =	shalt  }
0x65: {  	_ =	shalt  }
0x66: {  	_ =	shalt  }
0x67: {  	_ =	shalt  }
0x68: {  	_ =	shalt  }
0x69: {  	_ =	shalt  }
0x6a: {  	_ =	shalt  }
0x6b: {  	_ =	shalt  }
0x6c: {  	_ =	shalt  }
0x6d: {  	_ =	shalt  }
0x6e: {  	_ =	shalt  }
0x6f: {  	_ =	shalt  }
0x70: {  	_ =	shalt  }
0x71: {  	_ =	shalt  }
0x72: {  	_ =	shalt  }
0x73: {  	_ =	shalt  }
0x74: {  	_ =	shalt  }
0x75: {  	_ =	shalt  }
0x76: {  	_ =	shalt  }
0x77: {  	_ =	shalt  }
0x78: {  	_ =	shalt  }
0x79: {  	_ =	shalt  }
0x7a: {  	_ =	shalt  }
0x7b: {  	_ =	shalt  }
0x7c: {  	_ =	shalt  }
0x7d: {  	_ =	shalt  }
0x7e: {  	_ =	shalt  }
0x7f: {  	_ =	shalt  }
0x80: {  	_ =	shalt  }
0x81: {  	_ =	shalt  }
0x82: {  	_ =	shalt  }
0x83: {  	_ =	shalt  }
0x84: {  	_ =	shalt  }
0x85: {  	_ =	shalt  }
0x86: {  	_ =	shalt  }
0x87: {  	_ =	shalt  }
.Lfunc_end0:
.L_simem_size_0:
called_computation_lowered:
.L_overlay_start_0:
0x88: {  	s2 =	sld [smem:$0x3FD9]  }
0x89: {  	s3 =	sld [smem:$0x3FFE];
	_ =	sdelay $0x1  }
0x8a: {  	s1 =	srdreg.scid  }
0x8b: {  	s0 =	sand.u32 $0x1, s1  }
0x8c: {  	s17 =	sshll.u32 s0, $0xA;
	s2 =	sadd.s32 s3, s2  }
0x8d: {  	s2 =	sadd.s32 s2, s17  }
0x8e: {  	[smem:$0x3FBF] =	sst s2  }
0x8f: {  	_ = 	snop  }
0x90: {  	s2 =	sld [smem:$0x3FD0];
	(tm) =	ssettm $0x1  }
0x91: {  	s18 =	sld [smem:$0x3FFB];
	_ =	sdelay $0x3  }
0x92: {  	_ =	strace s18  }
0x93: {  	s3 =	sld [smem:$0x3FFC];
	_ =	sdelay $0x3  }
0x94: {  	_ =	strace s3  }
0x95: {  	s3 =	sld [smem:$0x3FFD];
	_ =	sdelay $0x3  }
0x96: {  	_ =	strace s3  }
0x97: {  	_ =	strace $0x8FFFFFFF  }
0x98: {  	s19 =	sld [smem:$0x3FDB];
	_ =	sdelay $0x1  }
0x99: {  	s4 =	simm.s32 $_scs_section_size  }
0x9a: {  	s5 =	simm.s32 $_size__tile_overlayer_lowered;
	s6 =	simm.s32 $_tile_overlayer_lowered  }
0x9b: {  	s22 =	simm.s32 $0x1BFF;
	s21 =	sshll.u32 s6, $0x1;
	s3 =	sadd.s32 s4, s19  }
0x9c: {  	s7 =	simm.s32 $0x0;
	s20 =	sshll.u32 s5, $0x1;
	s5 =	sadd.s32 s21, s3  }
0x9d: {  	[timem:s7], [sflag:s22] =	dma.local [hbm:s5], s20  }
0x9e: {  	_ =	swait.ge [sflag:s22], s20  }
0x9f: {  	s4 =	ssub.s32 $0x0, s20;
	[sflag:s22] =	ssyncset.done $0x0  }
0xa0: {  	[sflag:s22] =	ssyncadd.s32 s4;
	_ =	sdelay $0x1  }
0xa1: {  	s23 =	simm.s32 $0x1B8B  }
0xa2: {  	_ =	swait.ge [sflag:s23], $0x1  }
0xa3: {  	[sflag:s23] =	ssyncset.done $0x0  }
0xa4: {  	s25 =	simm.s32 $0x1B8E;
	s24 =	sld [smem:$0x3FFE];
	[sflag:s23] =	ssyncadd.s32 $0xFFFFFFFF  }
0xa5: {  	s26 =	simm.s32 $execute0_lowered;
	[smem:$0x3FD2] =	sst s25  }
0xa6: {  	s5 =	sshll.u32 s26, $0x1;
	_ =	strace $0x80000046;
	[dreg:$0x1] =	wrdreg $0xFFFFFFFF  }
0xa7: {  	s28 =	simm.s32 $_size_execute0_lowered;
	s3 =	sadd.s32 s3, s5;
	[dreg:$0x0] =	wrdreg $0x0  }
0xa8: {  	s5 =	sshll.u32 s28, $0x1;
	[dreg:$0x2] =	wrdreg s3  }
0xa9: {  	[dreg:$0x3] =	wrdreg s5  }
0xaa: {  	[dreg:$0x4] =	wrdreg $0xC0  }
0xab: {  	_ =	task [dreg:s7], $0x5FFFF  }
0xac: {  	[dreg:$0x1] =	wrdreg $0xFFFFFFFF  }
0xad: {  	[dreg:$0x0] =	wrdreg $0x60  }
0xae: {  	[dreg:$0x2] =	wrdreg s2  }
0xaf: {  	[dreg:$0x3] =	wrdreg s24  }
0xb0: {  	[dreg:$0x4] =	wrdreg $0x1CA800  }
0xb1: {  	[dreg:$0x5] =	wrdreg $0x1F1900  }
0xb2: {  	[dreg:$0x6] =	wrdreg $0x9  }
0xb3: {  	_ =	task.clear_ibuf [dreg:s7], $0x7FFFF;
	_ =	strace $0x90000046  }
0xb4: {  	s29 =	simm.s32 $0x9;
	_ =	strace $0x80000048  }
0xb5: {  	_ =	swait.ge [sflag:s29], $0x1  }
0xb6: {  	[sflag:s29] =	ssyncadd.s32 $0xFFFFFFFF  }
0xb7: {  	_ =	strace $0x90000048  }
0xb8: {  	_ =	sfence  }
0xb9: {  	s30 =	sld [smem:$0x0];
	_ =	sdelay $0x2  }
0xba: {  	s31 =	sshll.u32 s1, $0xD;
	s1 =	sshrl.u32 s1, $0x2  }
0xbb: {  	s3 =	sand.u32 $0x4000, s31;
	s1 =	sadd.s32 s1, s30  }
0xbc: {  	s0 =	sor.u32 s3, s0;
	s1 =	sshll.u32 s1, $0x11  }
0xbd: {  	s0 =	sor.u32 s1, s0  }
0xbe: {  	s0 =	sadd.s32 $0x8F2B, s0  }
0xbf: {  	[sflag:s0] =	ssyncadd.remote.s32 $0x1  }
0xc0: {  	_ =	sfence.sel $0xFFFF  }
0xc1: {  	[dreg:$0x0] =	wrdreg $0xFFFFFFFF;
	(pc) =	sbr.abs _section_cstart, $3  }
0xc2: {  	[dreg:$0x1] =	wrdreg $0xFFFFFFFF  }
0xc3: {  	_ =	task.clear_ibuf [dreg:s7], $0x2FFFF;
	_ =	strace $0x9FFFFFFF  }
0xc4: {  	(tm) =	ssettm $0x7FFFFFFF  }
0xc5: {  	_ =	shalt  }
tec
execute0_lowered:
.L_overlay_start_1:
0x0: {  	(tag) =	ssettag $0x1  }
0x1: {  	s22 =	rddreg [dreg:$0x0]  }
0x2: {  	s8 =	rddreg [dreg:$0x1]  }
0x3: {  	s3 =	rddreg [dreg:$0x2]  }
0x4: {  	s4 =	rddreg [dreg:$0x3]  }
0x5: {  	s1 =	simm.s32 $0x0;
	s0 =	stileid.u32;
	s12 =	srdreg.scid  }
0x6: {  	s25 =	simm.s32 $0x5;
	s28 =	simm.s32 $0x50;
	s31 =	simm.s32 $0x12A80  }
0x7: {  	[smem:$0x7FF] =	sst s1;
	s10 =	smul.u32 $0x2760, s0;
	s2 =	sadd.s32 $0x27200, s8  }
0x8: {  	s11 =	sadd.s32 $0x2C200, s8;
	_ =	strace $0x80000047;
	[dreg:$0x6] =	wrdreg s2  }
0x9: {  	s9 =	sadd.s32 $0x31200, s8;
	s5 =	sadd.s32 $0x89E00, s8;
	[dreg:$0x7] =	wrdreg s11  }
0xa: {  	s6 =	sadd.s32 $0x8A400, s8;
	s7 =	smul.u32 $0x2800, s0;
	[dreg:$0x9] =	wrdreg s5  }
0xb: {  	s15 =	sadd.s32 $0x8A600, s8;
	s17 =	sshll.u32 s0, $0x6;
	[dreg:$0xb] =	wrdreg s6  }
0xc: {  	s18 =	sadd.s32 $0x27000, s3;
	s23 =	smul.u32 $0x4EC0, s0;
	[dreg:$0xd] =	wrdreg s15  }
0xd: {  	p0 =	sne.s32 s0, $0x0;
	p2 =	seq.s32 s0, $0x0;
	[dreg:$0xf] =	wrdreg s18  }
0xe: {  	s2 =	sand.u32 $0x1, s12;
	s11 =	sadd.s32 $0xB1800, s8;
	[dreg:$0x8] =	wrdreg s9  }
0xf: {  	s12 =	simm.s32 $0x70;
	[dreg:$0x5] =	wrdreg s10;
	s1 =	sshrl.u32 s10, $0x3  }
0x10: {  	s13 =	ssub.s32 $0x2, s2;
	s10 =	smul.u32 $0x2700, s0;
	[dreg:$0xc] =	wrdreg s11  }
0x11: {  	s7 =	sshrl.u32 s7, $0x2;
	s21 =	sshll.u32 s2, $0x2;
	s26 =	sadd.s32 s9, s23  }
0x12: {  	v0 =	vlaneseq.u32;
	p1 =	seq.s32 s2, $0x1;
	s24 =	sadd.s32 $0x4, s21;
	[dreg:$0x13] =	wrdreg s26  }
0x13: {  	v3 =	vadd.s32 $0x1, v0;
	s0 =	simm.s32 $0x8D00;
	s19 =	sadd.s32 s7, s4;
	v1 =	vmov s21;
	[dreg:$0xa] =	wrdreg s10;
	v2 =	vmov s24  }
0x14: {  	s1 =	sadd.s32 s1, s8;
	s30 =	sadd.s32 $0xA0, s26;
	[dreg:$0x10] =	wrdreg s19;
	vm0 =	vlt.u32 v1, v3;
	vm1 =	vgt.u32 v2, v0  }
.Ltmp0:
0x15: {  	s16 =	sadd.s32 s10, s3;
	[dreg:$0x15] =	wrdreg s30;
	vm0 =	vmand vm0, vm1;
	(pc) =	sbr.rel .LBB2_1-.Ltmp0, $4  }
0x16: {  	s14 =	sshrl.u32 s13, $0x1;
	s20 =	sadd.s32 $0x7FE00, s1;
	[dreg:$0xe] =	wrdreg s16  }
0x17: {  	s5 =	ssub.s32 s13, s14;
	s1 =	sadd.s32 $0x84E00, s1;
	[dreg:$0x11] =	wrdreg s20;
	v0 =	vsub.s32 v0, v1  }
0x18: {  	s2 =	simm.s32 $0x0;
	[dreg:$0x12] =	wrdreg s1;
	s29 =	smax.u32 s5, $0x1;
	v0 =	vmul.u32 $0x2760, v0  }
0x19: {  	s22 =	smov.u32 @p1 s8;
	s16 =	sor.u32 $0x1C05, s17;
	[dreg:$0x14] =	wrdreg s29  }
.LBB2_20:
0x1a: {  	s2 =	rddreg [dreg:$0x16]  }
0x1b: {  	s1 =	rddreg [dreg:$0x14];
	s2 =	sadd.s32 $0x1, s2  }
0x1c: {  	p3 =	sne.s32 s2, s1  }
.Ltmp1:
0x1d: {  	_ = 	snop;
	(pc) =	sbr.rel @!p3 .LBB2_21-.Ltmp1, $1  }
0x1e: {  	_ =	sdelay $0x3  }
.LBB2_1:
0x1f: {  	[dreg:$0x16] =	wrdreg s2  }
0x20: {  	s1 =	rddreg [dreg:$0xe]  }
0x21: {  	s2 =	rddreg [dreg:$0x9];
	s20 =	sshrl.u32 s1, $0x3  }
0x22: {  	[spmem:s20], [sflag:s16] =	dma.local [hbm:s2], $0x4E0  }
0x23: {  	_ =	swait.ge [sflag:s25], $0x4E0  }
0x24: {  	[sflag:s25] =	ssyncset.done $0x0;
	s1 =	rddreg [dreg:$0xf]  }
0x25: {  	[sflag:s25] =	ssyncadd.s32 $0xFFFFFB20;
	s1 =	sshrl.u32 @!p0 s1, $0x3  }
0x26: {  	[spmem:s1], [sflag:s16] =	dma.local @!p0 [hbm:s2], $0x20  }
0x27: {  	s1 =	simm.s32 @!p0 $0x5  }
0x28: {  	_ =	swait.ge @!p0 [sflag:s1], $0x20  }
0x29: {  	[sflag:s1] =	ssyncset.done @!p0 $0x0;
	s10 =	rddreg [dreg:$0x10]  }
0x2a: {  	s11 =	rddreg [dreg:$0xb];
	[sflag:s1] =	ssyncadd.s32 @!p0 $0xFFFFFFE0;
	s1 =	sshrl.u32 s10, $0x3  }
0x2b: {  	[spmem:s1], [sflag:s16] =	dma.local [hbm:s11], $0x140  }
0x2c: {  	_ =	swait.ge [sflag:s25], $0x140  }
0x2d: {  	[sflag:s25] =	ssyncset.done $0x0  }
0x2e: {  	s13 =	simm.s32 $0x0;
	s14 =	rddreg [dreg:$0x11];
	[sflag:s25] =	ssyncadd.s32 $0xFFFFFEC0  }
0x2f: {  	[tilespmem:s13], [sflag:$0x5] =	stream.linear.gather [hbm4b:s14+s13], $0x2760, $0x38;
	[tilespmem:$0x1FB90] =	vst v63  }
0x30: {  	_ =	swait.ge [sflag:s25], $0x2760  }
0x31: {  	[sflag:s25] =	ssyncset.done $0x0  }
0x32: {  	s6 =	simm.s32 $0x2760;
	s15 =	rddreg [dreg:$0x12];
	[sflag:s25] =	ssyncadd.s32 $0xFFFFD8A0  }
0x33: {  	[tilespmem:s6], [sflag:$0x5] =	stream.linear.gather [hbm4b:s15+s13], $0x2760, $0x38;
	[tilespmem:$0x1FB90] =	vst v63  }
0x34: {  	_ =	swait.ge [sflag:s25], $0x2760  }
0x35: {  	[sflag:s25] =	ssyncset.done $0x0  }
0x36: {  	[sflag:s25] =	ssyncadd.s32 $0xFFFFD8A0  }
0x37: {  	[bflag:$0x0] =	sbarrier.arrive $0xFFFF  }
0x38: {  	s5 =	simm.s32 $0x4EC0;
	s17 =	rddreg [dreg:$0x6]  }
0x39: {  	[tilespmem:s5], [sflag:$0x1] =	stream.indirect.gather [hbm4b:s17+s28], $0x10, s13, s28, $0xb8;
	[tilespmem:$0x1FB90] =	vst v63  }
0x3a: {  	s7 =	simm.s32 $0x58C0;
	s18 =	rddreg [dreg:$0x7]  }
0x3b: {  	[tilespmem:s7], [sflag:$0x1] =	stream.indirect.gather [hbm4b:s18+s28], $0x10, s6, s28, $0xb8;
	[tilespmem:$0x1FB90] =	vst v63  }
0x3c: {  	s21 =	simm.s32 $0x62C0;
	s19 =	rddreg [dreg:$0x13]  }
0x3d: {  	[tilespmem:s21], [sflag:$0x1] =	stream.linear.gather [hbm4b:s19+s13], $0x500, $0x38;
	[tilespmem:$0x1FB90] =	vst v63  }
0x3e: {  	s23 =	simm.s32 $0x53C0;
	s24 =	simm.s32 $0x27B0  }
0x3f: {  	[tilespmem:s23], [sflag:$0x2] =	stream.indirect.gather [hbm4b:s17+s28], $0x10, s28, s28, $0xb8;
	[tilespmem:$0x1FB90] =	vst v63  }
0x40: {  	s26 =	simm.s32 $0x5DC0;
	s30 =	simm.s32 $0x67C0;
	p3 =	por $0x0, $0x0  }
0x41: {  	[tilespmem:s26], [sflag:$0x2] =	stream.indirect.gather [hbm4b:s18+s28], $0x10, s24, s28, $0xb8;
	[tilespmem:$0x1FB90] =	vst v63  }
0x42: {  	s2 =	simm.s32 $0x0;
	s1 =	simm.s32 $0x0;
	s29 =	rddreg [dreg:$0x15]  }
0x43: {  	[tilespmem:s30], [sflag:$0x2] =	stream.linear.gather [hbm4b:s29+s13], $0x500, $0x38;
	[tilespmem:$0x1FB90] =	vst v63  }
.LBB2_2:
0x44: {  	s17 =	sand.u32 $0x1, s2  }
0x45: {  	s5 =	sadd.s32 $0x1, s17  }
0x46: {  	_ =	swait.ge [sflag:s5], $0x500  }
0x47: {  	[sflag:s5] =	ssyncset.done $0x0  }
0x48: {  	[sflag:s5] =	ssyncadd.s32 $0xFFFFFB00  }
0x49: {  	_ =	swait.ge [sflag:s5], $0x500  }
0x4a: {  	[sflag:s5] =	ssyncset.done $0x0  }
0x4b: {  	[sflag:s5] =	ssyncadd.s32 $0xFFFFFB00  }
0x4c: {  	_ =	swait.ge [sflag:s5], $0x500  }
0x4d: {  	s15 =	smul.u32 $0x50, s2;
	[sflag:s5] =	ssyncset.done $0x0  }
0x4e: {  	[sflag:s5] =	ssyncadd.s32 $0xFFFFFB00  }
0x4f: {  	v1 =	vld [tilespmem:s15+$0x2760];
	_ =	sdelay $0x2  }
0x50: {  	s6 =	smul.u32 $0x500, s17;
	_ =	sdelay $0x1  }
0x51: {  	s8 =	sshrl.u32 s6, $0x2;
	v1 =	vshll.u32 v1, $0x2  }
0x52: {  	[tilespmem:s8+$0x6CC0] =	vst v1;
	v2 =	vor.u32 $0x1, v1  }
0x53: {  	[tilespmem:s8+$0x6D10] =	vst v2;
	v2 =	vor.u32 $0x2, v1  }
0x54: {  	v1 =	vor.u32 $0x3, v1;
	[tilespmem:s8+$0x6D60] =	vst v2  }
0x55: {  	[tilespmem:s8+$0x6DB0] =	vst v1  }
0x56: {  	v1 =	vld [tilespmem:s15+$0x2770];
	_ =	sdelay $0x4  }
0x57: {  	v1 =	vshll.u32 v1, $0x2  }
0x58: {  	[tilespmem:s8+$0x6CD0] =	vst v1;
	v2 =	vor.u32 $0x1, v1  }
0x59: {  	[tilespmem:s8+$0x6D20] =	vst v2;
	v2 =	vor.u32 $0x2, v1  }
0x5a: {  	v1 =	vor.u32 $0x3, v1;
	[tilespmem:s8+$0x6D70] =	vst v2  }
0x5b: {  	[tilespmem:s8+$0x6DC0] =	vst v1  }
0x5c: {  	v1 =	vld [tilespmem:s15+$0x2780];
	_ =	sdelay $0x4  }
0x5d: {  	v1 =	vshll.u32 v1, $0x2  }
0x5e: {  	[tilespmem:s8+$0x6CE0] =	vst v1;
	v2 =	vor.u32 $0x1, v1  }
0x5f: {  	[tilespmem:s8+$0x6D30] =	vst v2;
	v2 =	vor.u32 $0x2, v1  }
0x60: {  	v1 =	vor.u32 $0x3, v1;
	[tilespmem:s8+$0x6D80] =	vst v2  }
0x61: {  	[tilespmem:s8+$0x6DD0] =	vst v1  }
0x62: {  	v1 =	vld [tilespmem:s15+$0x2790];
	_ =	sdelay $0x4  }
0x63: {  	v1 =	vshll.u32 v1, $0x2  }
0x64: {  	[tilespmem:s8+$0x6CF0] =	vst v1;
	v2 =	vor.u32 $0x1, v1  }
0x65: {  	[tilespmem:s8+$0x6D40] =	vst v2;
	v2 =	vor.u32 $0x2, v1  }
0x66: {  	v1 =	vor.u32 $0x3, v1;
	[tilespmem:s8+$0x6D90] =	vst v2  }
0x67: {  	[tilespmem:s8+$0x6DE0] =	vst v1  }
0x68: {  	v1 =	vld [tilespmem:s15+$0x27A0];
	_ =	sdelay $0x3  }
0x69: {  	s7 =	simm.s32 $0x1  }
0x6a: {  	s7 =	simm.s32 @!p3 $0x0;
	v1 =	vshll.u32 v1, $0x2  }
0x6b: {  	s7 =	smul.u32 $0x1400, s7;
	[tilespmem:s8+$0x6D00] =	vst v1;
	v2 =	vor.u32 $0x1, v1  }
0x6c: {  	[tilespmem:s8+$0x6D50] =	vst v2;
	v2 =	vor.u32 $0x2, v1  }
0x6d: {  	s7 =	sshrl.u32 s7, $0x2;
	v1 =	vor.u32 $0x3, v1;
	[tilespmem:s8+$0x6DA0] =	vst v2  }
0x6e: {  	s10 =	sadd.s32 $0x4F00, s7;
	[tilespmem:s8+$0x6DF0] =	vst v1  }
0x6f: {  	s14 =	sadd.s32 $0x5900, s7;
	v1 =	vld [tilespmem:s10+$0x30]  }
0x70: {  	v2 =	vld [tilespmem:s14+$0x30]  }
0x71: {  	v7 =	vld [tilespmem:s14+$0xFFFFFFC0]  }
0x72: {  	v3 =	vld [tilespmem:s10+$0xFFFFFFD0]  }
0x73: {  	v4 =	vld [tilespmem:s14+$0xFFFFFFD0]  }
0x74: {  	s18 =	sadd.s32 $0x6300, s7;
	v5 =	vld [tilespmem:s10+$0xFFFFFFE0]  }
0x75: {  	v6 =	vld [tilespmem:s18+$0x30]  }
0x76: {  	v8 =	vld [tilespmem:s14+$0xFFFFFFE0];
	v1 =	vadd.f32 v2, v1  }
0x77: {  	v9 =	vld [tilespmem:s14+$0xFFFFFFF0]  }
0x78: {  	v11 =	vld [tilespmem:s10+$0x0];
	v10 =	vmul.f32 $2.000000030e-01, v1  }
0x79: {  	v12 =	vld [tilespmem:s14+$0x0];
	vm1 =	vge.f32 v1, $0.0e+00  }
0x7a: {  	v13 =	vld [tilespmem:s14+$0x20];
	v1 =	vsel vm1, v1, v10  }
0x7b: {  	v2 =	vld [tilespmem:s10+$0xFFFFFFF0];
	v3 =	vadd.f32 v4, v3;
	v1 =	vadd.f32 v1, v6  }
0x7c: {  	v5 =	vadd.f32 v8, v5;
	v8 =	vld [tilespmem:s10+$0x20]  }
0x7d: {  	v4 =	vld [tilespmem:s10+$0x10];
	v10 =	vmul.f32 $2.000000030e-01, v3;
	v1 =	vmul.f32 $1.442695020e+00, v1  }
0x7e: {  	vm1 =	vge.f32 v3, $0.0e+00;
	v6 =	vld [tilespmem:s14+$0x10]  }
0x7f: {  	v14 =	vadd.f32 v12, v11;
	v16 =	vsel vm1, v3, v10;
	v10 =	vld [tilespmem:s10+$0xFFFFFFC0];
	(erf) = vpow2.f32 v1  }
0x80: {  	v17 =	vld [tilespmem:s18+$0xFFFFFFD0];
	v9 =	vadd.f32 v9, v2  }
0x81: {  	v18 =	vmul.f32 $2.000000030e-01, v14;
	v2 =	vmul.f32 $2.000000030e-01, v5;
	v11 =	vadd.f32 v13, v8  }
0x82: {  	s19 =	sadd.s32 $0xFFFFFFF8, s1;
	v8 =	vld [tilespmem:s18+$0x0];
	vm1 =	vge.f32 v5, $0.0e+00;
	v3 =	vmul.f32 $2.000000030e-01, v9;
	vm2 =	vge.f32 v9, $0.0e+00  }
0x83: {  	s21 =	sadd.s32 $0xF, s19;
	s30 =	sadd.s32 $0x8, s19;
	v2 =	vsel vm1, v5, v2;
	vm1 =	vge.f32 v14, $0.0e+00;
	v15 =	vadd.f32 v6, v4;
	v6 =	vld [tilespmem:s18+$0xFFFFFFE0]  }
0x84: {  	s26 =	sadd.s32 $0x9, s19;
	s24 =	sadd.s32 $0xA, s19;
	s23 =	sadd.s32 $0xB, s19;
	v5 =	vld [tilespmem:s18+$0xFFFFFFF0];
	v4 =	vsel vm2, v9, v3;
	v3 =	vadd.s32 s21, v0;
	v12 =	vadd.f32 v7, v10  }
0x85: {  	s29 =	sadd.s32 $0xC, s19;
	s13 =	sadd.s32 $0x6D10, s8;
	s11 =	sadd.s32 $0x6D60, s8;
	v16 =	vadd.f32 v16, v17;
	v1 =	vld [tilespmem:s18+$0xFFFFFFC0];
	v7 =	vsel vm1, v14, v18;
	v9 =	vmul.f32 $2.000000030e-01, v15  }
0x86: {  	s9 =	sadd.s32 $0x6DB0, s8;
	s7 =	sadd.s32 $0x6CC0, s8;
	s8 =	simm.s32 $0x0;
	v10 =	vld [tilespmem:s18+$0x10];
	v14 =	vmul.f32 $2.000000030e-01, v11;
	vm1 =	vge.f32 v15, $0.0e+00;
	vm2 =	vge.f32 v12, $0.0e+00  }
0x87: {  	v13 =	vld [tilespmem:s18+$0x20];
	s10 =	sadd.s32 $0x80, s10;
	s21 =	sadd.s32 $0xD, s19;
	s19 =	sadd.s32 $0xE, s19;
	v9 =	vsel vm1, v15, v9;
	vm1 =	vge.f32 v11, $0.0e+00;
	v15 =	vmul.f32 $2.000000030e-01, v12  }
.LBB2_3:
0x88: {  	v17 =	vld [tilespmem:s10+$0x30];
	v18 =	vadd.s32 s30, v0;
	v2 =	vadd.f32 v2, v6;
	v6 =	vsel vm1, v11, v14;
	s14 =	sadd.s32 $0x80, s14;
	v11 =	vpop (erf);
	s30 =	smov.u32 s8  }
0x89: {  	s8 =	sadd.s32 $0x8, s8;
	v14 =	vld [tilespmem:s14+$0x30];
	v12 =	vsel vm2, v12, v15;
	v15 =	vmul.f32 $1.442695020e+00, v16;
	v4 =	vadd.f32 v4, v5;
	[tilespmem:v3+s0+$0x0] =	vst.idx.msk vm0, v11  }
0x8a: {  	p4 =	slt.u32 s8, $0x48;
	v16 =	vld [tilespmem:s14+$0xFFFFFFC0];
	v1 =	vadd.f32 v12, v1;
	v2 =	vmul.f32 $1.442695020e+00, v2;
	v3 =	vadd.f32 v7, v8  }
0x8b: {  	v5 =	vld [tilespmem:s10+$0xFFFFFFD0];
	v4 =	vmul.f32 $1.442695020e+00, v4;
	v7 =	vadd.f32 v9, v10;
	(erf) = vpow2.f32 v15  }
0x8c: {  	v8 =	vld [tilespmem:s14+$0xFFFFFFD0];
	v1 =	vmul.f32 $1.442695020e+00, v1;
	v3 =	vmul.f32 $1.442695020e+00, v3;
	v6 =	vadd.f32 v6, v13  }
0x8d: {  	s18 =	sadd.s32 $0x80, s18;
	v10 =	vadd.s32 s26, v0;
	v9 =	vld [tilespmem:s10+$0xFFFFFFE0];
	v7 =	vmul.f32 $1.442695020e+00, v7;
	(erf) = vpow2.f32 v2  }
0x8e: {  	v2 =	vadd.f32 v14, v17;
	v11 =	vld [tilespmem:s18+$0x30];
	v6 =	vmul.f32 $1.442695020e+00, v6;
	(erf) = vpow2.f32 v1  }
0x8f: {  	v12 =	vadd.s32 s24, v0;
	v13 =	vadd.s32 s23, v0;
	v1 =	vld [tilespmem:s14+$0xFFFFFFE0];
	(erf) = vpow2.f32 v4  }
0x90: {  	v15 =	vadd.s32 s29, v0;
	v4 =	vld [tilespmem:s10+$0xFFFFFFF0];
	v14 =	vmul.f32 $2.000000030e-01, v2;
	(erf) = vpow2.f32 v3  }
0x91: {  	vm1 =	vge.f32 v2, $0.0e+00;
	v3 =	vadd.f32 v8, v5;
	v5 =	vld [tilespmem:s14+$0xFFFFFFF0];
	(erf) = vpow2.f32 v7  }
0x92: {  	v8 =	vadd.s32 s21, v0;
	v7 =	vld [tilespmem:s10+$0x0];
	v2 =	vsel vm1, v2, v14;
	(erf) = vpow2.f32 v6  }
0x93: {  	vm1 =	vge.f32 v3, $0.0e+00;
	v6 =	vmul.f32 $2.000000030e-01, v3;
	v14 =	vld [tilespmem:s14+$0x0];
	v2 =	vadd.f32 v2, v11  }
0x94: {  	v17 =	vadd.s32 s19, v0;
	v9 =	vadd.f32 v1, v9;
	v11 =	vld [tilespmem:s10+$0x10];
	v1 =	vpop (erf)  }
0x95: {  	v19 =	vsel vm1, v3, v6;
	v3 =	vld [tilespmem:s14+$0x10];
	v2 =	vmul.f32 $1.442695020e+00, v2;
	[tilespmem:v10+s0+$0x0] =	vst.idx.msk vm0, v1  }
0x96: {  	vm1 =	vge.f32 v9, $0.0e+00;
	v21 =	vmul.f32 $2.000000030e-01, v9;
	v4 =	vadd.f32 v5, v4;
	v10 =	vld [tilespmem:s10+$0x20];
	v1 =	vpop (erf)  }
0x97: {  	v20 =	vld [tilespmem:s14+$0x20];
	(erf) = vpow2.f32 v2;
	[tilespmem:v12+s0+$0x0] =	vst.idx.msk vm0, v1;
	v1 =	vpop (erf)  }
0x98: {  	v12 =	vld [tilespmem:s10+$0xFFFFFFC0];
	vm2 =	vge.f32 v4, $0.0e+00;
	v5 =	vmul.f32 $2.000000030e-01, v4;
	v7 =	vadd.f32 v14, v7;
	[tilespmem:v18+s0+$0x0] =	vst.idx.msk vm0, v1;
	v14 =	vpop (erf)  }
0x99: {  	s19 =	sadd.s32 s30, s1;
	v2 =	vsel vm1, v9, v21;
	v1 =	vld [tilespmem:s18+$0xFFFFFFC0];
	[tilespmem:v13+s0+$0x0] =	vst.idx.msk vm0, v14;
	v6 =	vpop (erf)  }
0x9a: {  	s30 =	sadd.s32 $0x8, s19;
	v13 =	vld [tilespmem:s18+$0xFFFFFFD0];
	vm1 =	vge.f32 v7, $0.0e+00;
	v9 =	vmul.f32 $2.000000030e-01, v7;
	v14 =	vadd.f32 v3, v11;
	[tilespmem:v15+s0+$0x0] =	vst.idx.msk vm0, v6;
	v3 =	vpop (erf)  }
.Ltmp2:
0x9b: {  	s26 =	sadd.s32 $0x9, s19;
	s21 =	sadd.s32 $0xF, s19;
	v4 =	vsel vm2, v4, v5;
	v6 =	vld [tilespmem:s18+$0xFFFFFFE0];
	[tilespmem:v8+s0+$0x0] =	vst.idx.msk vm0, v3;
	v8 =	vpop (erf);
	(pc) =	sbr.rel @p4 .LBB2_3-.Ltmp2, $4  }
0x9c: {  	s24 =	sadd.s32 $0xA, s19;
	s23 =	sadd.s32 $0xB, s19;
	v3 =	vadd.s32 s21, v0;
	v5 =	vld [tilespmem:s18+$0xFFFFFFF0];
	v15 =	vmul.f32 $2.000000030e-01, v14;
	v11 =	vadd.f32 v20, v10;
	[tilespmem:v17+s0+$0x0] =	vst.idx.msk vm0, v8  }
0x9d: {  	s29 =	sadd.s32 $0xC, s19;
	s21 =	sadd.s32 $0xD, s19;
	s19 =	sadd.s32 $0xE, s19;
	v7 =	vsel vm1, v7, v9;
	vm1 =	vge.f32 v14, $0.0e+00;
	v12 =	vadd.f32 v16, v12;
	v8 =	vld [tilespmem:s18+$0x0]  }
0x9e: {  	v9 =	vsel vm1, v14, v15;
	v10 =	vld [tilespmem:s18+$0x10];
	vm1 =	vge.f32 v11, $0.0e+00;
	v14 =	vmul.f32 $2.000000030e-01, v11  }
0x9f: {  	s10 =	sadd.s32 $0x80, s10;
	vm2 =	vge.f32 v12, $0.0e+00;
	v15 =	vmul.f32 $2.000000030e-01, v12;
	v16 =	vadd.f32 v19, v13;
	v13 =	vld [tilespmem:s18+$0x20]  }
0xa0: {  	_ = 	snop  }
0xa1: {  	v2 =	vadd.f32 v2, v6;
	v51 =	vsel vm2, v12, v15  }
0xa2: {  	v52 =	vmul.f32 $1.442695020e+00, v16;
	v1 =	vadd.f32 v51, v1  }
0xa3: {  	v53 =	vsel vm1, v11, v14;
	v4 =	vadd.f32 v4, v5;
	v2 =	vmul.f32 $1.442695020e+00, v2  }
0xa4: {  	v54 =	vadd.f32 v7, v8;
	(erf) = vpow2.f32 v52;
	v1 =	vmul.f32 $1.442695020e+00, v1  }
0xa5: {  	v4 =	vmul.f32 $1.442695020e+00, v4;
	v55 =	vadd.f32 v9, v10;
	(erf) = vpow2.f32 v2  }
0xa6: {  	v2 =	vmul.f32 $1.442695020e+00, v54;
	v56 =	vadd.f32 v53, v13;
	(erf) = vpow2.f32 v1  }
0xa7: {  	v1 =	vmul.f32 $1.442695020e+00, v55;
	(erf) = vpow2.f32 v4  }
0xa8: {  	v57 =	vmul.f32 $1.442695020e+00, v56;
	(erf) = vpow2.f32 v2  }
0xa9: {  	v2 =	vadd.s32 s26, v0;
	(erf) = vpow2.f32 v1  }
0xaa: {  	v1 =	vadd.s32 s24, v0;
	(erf) = vpow2.f32 v57  }
0xab: {  	v58 =	vadd.s32 s30, v0  }
0xac: {  	v59 =	vpop (erf);
	v60 =	vadd.s32 s23, v0  }
0xad: {  	[tilespmem:v3+s0+$0x0] =	vst.idx.msk vm0, v59;
	v3 =	vadd.s32 s29, v0;
	v61 =	vpop (erf)  }
0xae: {  	v62 =	vadd.s32 s21, v0;
	[tilespmem:v2+s0+$0x0] =	vst.idx.msk vm0, v61;
	v2 =	vpop (erf)  }
0xaf: {  	v63 =	vadd.s32 s19, v0;
	[tilespmem:v1+s0+$0x0] =	vst.idx.msk vm0, v2;
	v1 =	vpop (erf)  }
0xb0: {  	[tilespmem:v58+s0+$0x0] =	vst.idx.msk vm0, v1;
	v1 =	vpop (erf)  }
0xb1: {  	[tilespmem:v60+s0+$0x0] =	vst.idx.msk vm0, v1;
	v1 =	vpop (erf)  }
0xb2: {  	[tilespmem:v3+s0+$0x0] =	vst.idx.msk vm0, v1;
	v1 =	vpop (erf)  }
0xb3: {  	p4 =	slt.u32 s2, $0x2;
	[tilespmem:v62+s0+$0x0] =	vst.idx.msk vm0, v1;
	v1 =	vpop (erf)  }
0xb4: {  	s8 =	sadd.s32 @!p4 $0x3, s17;
	[tilespmem:v63+s0+$0x0] =	vst.idx.msk vm0, v1  }
0xb5: {  	_ =	swait.ge @!p4 [sflag:s8], $0x50  }
0xb6: {  	[sflag:s8] =	ssyncset.done @!p4 $0x0  }
0xb7: {  	[sflag:s8] =	ssyncadd.s32 @!p4 $0xFFFFFFB0  }
0xb8: {  	_ =	swait.ge @!p4 [sflag:s8], $0x50  }
0xb9: {  	[sflag:s8] =	ssyncset.done @!p4 $0x0  }
0xba: {  	[sflag:s8] =	ssyncadd.s32 @!p4 $0xFFFFFFB0  }
0xbb: {  	_ =	swait.ge @!p4 [sflag:s8], $0x50  }
0xbc: {  	[sflag:s8] =	ssyncset.done @!p4 $0x0  }
0xbd: {  	[sflag:s8] =	ssyncadd.s32 @!p4 $0xFFFFFFB0  }
0xbe: {  	_ =	swait.ge @!p4 [sflag:s8], $0x50  }
0xbf: {  	[sflag:s8] =	ssyncset.done @!p4 $0x0  }
0xc0: {  	s10 =	sadd.s32 $0x3, s17;
	s24 =	sadd.s32 $0x8D00, s15;
	[sflag:s8] =	ssyncadd.s32 @!p4 $0xFFFFFFB0  }
0xc1: {  	[spmem:s4] =	stream.indirect.scatter.add.f32 [tilespmem:s24], [sflag:s10], $0x1, s7, s28, $0xb8;
	[tilespmem:$0x1FB90] =	vst v63  }
0xc2: {  	s26 =	sadd.s32 $0xB460, s15  }
0xc3: {  	[spmem:s4] =	stream.indirect.scatter.add.f32 [tilespmem:s26], [sflag:s10], $0x1, s13, s28, $0xb8;
	[tilespmem:$0x1FB90] =	vst v63  }
0xc4: {  	s29 =	sadd.s32 $0xDBC0, s15;
	p4 =	sgt.u32 s2, $0x7B  }
0xc5: {  	[spmem:s4] =	stream.indirect.scatter.add.f32 [tilespmem:s29], [sflag:s10], $0x1, s11, s28, $0xb8;
	[tilespmem:$0x1FB90] =	vst v63  }
0xc6: {  	s30 =	sadd.s32 $0x10320, s15;
	s7 =	sadd.s32 @!p4 $0xA0, s15  }
0xc7: {  	[spmem:s4] =	stream.indirect.scatter.add.f32 [tilespmem:s30], [sflag:s10], $0x1, s9, s28, $0xb8;
	[tilespmem:$0x1FB90] =	vst v63  }
0xc8: {  	s8 =	sadd.s32 @!p4 $0x4EC0, s6;
	s9 =	simm.s32 @!p4 $0x50;
	s10 =	rddreg [dreg:$0x6]  }
0xc9: {  	[tilespmem:s8], [sflag:s5] =	stream.indirect.gather @!p4 [hbm4b:s10+s9], $0x10, s7, s9, $0xb8;
	[tilespmem:$0x1FB90] =	vst v63  }
0xca: {  	s11 =	rddreg [dreg:$0x7];
	s8 =	sadd.s32 @!p4 $0x58C0, s6;
	s10 =	sadd.s32 @!p4 $0x2800, s15  }
0xcb: {  	[tilespmem:s8], [sflag:s5] =	stream.indirect.gather @!p4 [hbm4b:s11+s9], $0x10, s10, s9, $0xb8;
	[tilespmem:$0x1FB90] =	vst v63  }
0xcc: {  	s8 =	rddreg [dreg:$0x5]  }
0xcd: {  	s7 =	sadd.s32 @!p4 s8, s7  }
0xce: {  	s2 =	sadd.s32 $0x1, s2;
	s8 =	rddreg [dreg:$0x8];
	s7 =	sshll.u32 @!p4 s7, $0x1  }
0xcf: {  	s6 =	sadd.s32 @!p4 $0x62C0, s6;
	s7 =	sadd.s32 @!p4 s8, s7;
	s8 =	simm.s32 @!p4 $0x0  }
0xd0: {  	[tilespmem:s6], [sflag:s5] =	stream.linear.gather @!p4 [hbm4b:s7+s8], $0x500, $0x38;
	[tilespmem:$0x1FB90] =	vst v63  }
0xd1: {  	p4 =	sne.s32 s2, $0x7E  }
.Ltmp3:
0xd2: {  	_ = 	snop;
	(pc) =	sbr.rel @p4 .LBB2_2-.Ltmp3, $2  }
0xd3: {  	_ =	sdelay $0x2  }
0xd4: {  	s1 =	sadd.s32 $0x50, s1;
	p3 =	por !p3, !p3  }
0xd5: {  	s1 =	simm.s32 $0x3  }
0xd6: {  	_ =	swait.ge [sflag:s1], $0x50  }
0xd7: {  	[sflag:s1] =	ssyncset.done $0x0  }
0xd8: {  	[sflag:s1] =	ssyncadd.s32 $0xFFFFFFB0  }
0xd9: {  	_ =	swait.ge [sflag:s1], $0x50  }
0xda: {  	[sflag:s1] =	ssyncset.done $0x0  }
0xdb: {  	[sflag:s1] =	ssyncadd.s32 $0xFFFFFFB0  }
0xdc: {  	_ =	swait.ge [sflag:s1], $0x50  }
0xdd: {  	[sflag:s1] =	ssyncset.done $0x0  }
0xde: {  	[sflag:s1] =	ssyncadd.s32 $0xFFFFFFB0  }
0xdf: {  	_ =	swait.ge [sflag:s1], $0x50  }
0xe0: {  	[sflag:s1] =	ssyncset.done $0x0  }
0xe1: {  	s29 =	simm.s32 $0x4;
	[sflag:s1] =	ssyncadd.s32 $0xFFFFFFB0  }
0xe2: {  	_ =	swait.ge [sflag:s29], $0x50  }
0xe3: {  	[sflag:s29] =	ssyncset.done $0x0  }
0xe4: {  	[sflag:s29] =	ssyncadd.s32 $0xFFFFFFB0  }
0xe5: {  	_ =	swait.ge [sflag:s29], $0x50  }
0xe6: {  	[sflag:s29] =	ssyncset.done $0x0  }
0xe7: {  	[sflag:s29] =	ssyncadd.s32 $0xFFFFFFB0  }
0xe8: {  	_ =	swait.ge [sflag:s29], $0x50  }
0xe9: {  	[sflag:s29] =	ssyncset.done $0x0  }
0xea: {  	[sflag:s29] =	ssyncadd.s32 $0xFFFFFFB0  }
0xeb: {  	_ =	swait.ge [sflag:s29], $0x50  }
0xec: {  	[sflag:s29] =	ssyncset.done $0x0  }
0xed: {  	[sflag:s29] =	ssyncadd.s32 $0xFFFFFFB0  }
0xee: {  	[bflag:$0x0] =	sbarrier.arrive $0xFFFF  }
0xef: {  	s30 =	rddreg [dreg:$0x10]  }
0xf0: {  	[tilespmem:s31], [sflag:$0x5] =	stream.linear.gather [spmem:s30], $0xA00, $0x38;
	[tilespmem:$0x1FB90] =	vst v63  }
0xf1: {  	_ =	swait.ge [sflag:s25], $0xA00  }
0xf2: {  	[sflag:s25] =	ssyncset.done $0x0  }
0xf3: {  	s2 =	simm.s32 $0x40;
	s1 =	simm.s32 $0x0;
	[sflag:s25] =	ssyncadd.s32 $0xFFFFF600  }
.LBB2_6:
0xf4: {  	p3 =	sne.s32 s2, $0x27C0;
	v1 =	vld [tilespmem:s1+$0x12A80];
	_ =	sdelay $0x4  }
0xf5: {  	v1 =	vadd.f32 $1.000000020e-16, v1;
	_ =	sdelay $0x1  }
0xf6: {  	(erf) = vrcp.f32 v1;
	_ =	sdelay $0x5  }
.Ltmp4:
0xf7: {  	(pc) =	sbr.rel @p3 .LBB2_6-.Ltmp4, $3  }
0xf8: {  	_ =	sdelay $0x1  }
0xf9: {  	v1 =	vpop (erf)  }
0xfa: {  	[tilespmem:s1+$0x12A80] =	vst v1;
	s1 =	sshra.s32 s2, $0x2;
	s2 =	sadd.s32 $0x40, s2  }
0xfb: {  	v1 =	vld [tilespmem:s1+$0x12A80];
	_ =	sdelay $0x4  }
0xfc: {  	v1 =	vadd.f32 $1.000000020e-16, v1;
	_ =	sdelay $0x1  }
0xfd: {  	(erf) = vrcp.f32 v1;
	_ =	sdelay $0x8  }
0xfe: {  	v1 =	vpop (erf)  }
0xff: {  	s26 =	rddreg [dreg:$0x10];
	[tilespmem:s1+$0x12A80] =	vst v1  }
0x100: {  	[spmem:s26] =	stream.linear.scatter [tilespmem:s31], [sflag:$0x5], $0xA00, $0x38;
	[tilespmem:$0x1FB90] =	vst v63  }
0x101: {  	_ =	swait.ge [sflag:s25], $0xA00  }
0x102: {  	[sflag:s25] =	ssyncset.done $0x0  }
0x103: {  	[sflag:s25] =	ssyncadd.s32 $0xFFFFF600  }
0x104: {  	[bflag:$0x0] =	sbarrier.arrive $0xFFFF  }
0x105: {  	[tilespmem:s31], [sflag:$0x5] =	stream.linear.gather [spmem:s4], $0xA000, $0x38;
	[tilespmem:$0x1FB90] =	vst v63  }
0x106: {  	_ =	swait.ge [sflag:s25], $0xA000  }
0x107: {  	[sflag:s25] =	ssyncset.done $0x0  }
0x108: {  	s1 =	simm.s32 $0x0;
	[sflag:s25] =	ssyncadd.s32 $0xFFFF6000  }
0x109: {  	v1 =	vld [tilespmem:s1+$0x2760];
	_ =	sdelay $0x4  }
0x10a: {  	v1 =	vshll.u32 v1, $0x2;
	_ =	sdelay $0x3  }
0x10b: {  	v3 =	vld [tilespmem:s1+$0x8D00]  }
0x10c: {  	v2 =	vld.idx.msk [tilespmem:v1+s31+$0x0], $0xffff;
	_ =	sdelay $0x2  }
0x10d: {  	v4 =	vor.u32 $0x1, v1;
	_ =	sdelay $0x1  }
0x10e: {  	v2 =	vmul.f32 v2, v3;
	_ =	sdelay $0x1  }
0x10f: {  	v3 =	vld [tilespmem:s1+$0xB460];
	[tilespmem:s1+$0x8D00] =	vst v2  }
0x110: {  	v2 =	vld.idx.msk [tilespmem:v4+s31+$0x0], $0xffff;
	_ =	sdelay $0x2  }
0x111: {  	v63 =	vor.u32 $0x2, v1;
	_ =	sdelay $0x1  }
0x112: {  	v2 =	vmul.f32 v2, v3;
	_ =	sdelay $0x1  }
0x113: {  	v3 =	vld [tilespmem:s1+$0xDBC0];
	[tilespmem:s1+$0xB460] =	vst v2  }
0x114: {  	v2 =	vld.idx.msk [tilespmem:v63+s31+$0x0], $0xffff;
	_ =	sdelay $0x2  }
0x115: {  	v1 =	vor.u32 $0x3, v1;
	_ =	sdelay $0x1  }
0x116: {  	s23 =	simm.s32 $0x0;
	s29 =	rddreg [dreg:$0x0];
	v2 =	vmul.f32 v2, v3  }
0x117: {  	s5 =	simm.s32 $0x10;
	s2 =	simm.s32 $0x80;
	s30 =	rddreg [dreg:$0x1]  }
.LBB2_8:
0x118: {  	p3 =	sne.s32 s2, $0x9D40;
	v3 =	vld [tilespmem:s5+$0x2760];
	[tilespmem:s1+$0xDBC0] =	vst v2  }
0x119: {  	v1 =	vld.idx.msk [tilespmem:v1+s31+$0x0], $0xffff  }
0x11a: {  	v2 =	vld [tilespmem:s1+$0x10320];
	_ =	sdelay $0x2  }
0x11b: {  	v3 =	vshll.u32 v3, $0x2;
	_ =	sdelay $0x1  }
0x11c: {  	v1 =	vmul.f32 v1, v2;
	_ =	sdelay $0x1  }
0x11d: {  	[tilespmem:s1+$0x10320] =	vst v1;
	s1 =	smov.u32 s5  }
0x11e: {  	v1 =	vld.idx.msk [tilespmem:v3+s31+$0x0], $0xffff  }
0x11f: {  	v2 =	vld [tilespmem:s1+$0x8D00];
	_ =	sdelay $0x2  }
0x120: {  	v4 =	vor.u32 $0x1, v3;
	_ =	sdelay $0x1  }
0x121: {  	v1 =	vmul.f32 v1, v2;
	_ =	sdelay $0x1  }
0x122: {  	[tilespmem:s1+$0x8D00] =	vst v1  }
0x123: {  	v1 =	vld.idx.msk [tilespmem:v4+s31+$0x0], $0xffff  }
0x124: {  	v2 =	vld [tilespmem:s1+$0xB460];
	_ =	sdelay $0x2  }
0x125: {  	v4 =	vor.u32 $0x2, v3;
	_ =	sdelay $0x1  }
0x126: {  	v1 =	vmul.f32 v1, v2;
	_ =	sdelay $0x1  }
0x127: {  	[tilespmem:s1+$0xB460] =	vst v1  }
0x128: {  	v2 =	vld.idx.msk [tilespmem:v4+s31+$0x0], $0xffff  }
0x129: {  	v4 =	vld [tilespmem:s1+$0xDBC0];
	_ =	sdelay $0x1  }
.Ltmp5:
0x12a: {  	(pc) =	sbr.rel @p3 .LBB2_8-.Ltmp5, $3  }
0x12b: {  	v1 =	vor.u32 $0x3, v3;
	_ =	sdelay $0x1  }
0x12c: {  	v2 =	vmul.f32 v2, v4  }
0x12d: {  	s5 =	sshra.s32 s2, $0x2;
	s2 =	sadd.s32 $0x40, s2  }
0x12e: {  	_ =	sdelay $0x1  }
0x12f: {  	v3 =	vld [tilespmem:s5+$0x2760]  }
0x130: {  	[tilespmem:s1+$0xDBC0] =	vst v2;
	v2 =	vld [tilespmem:s1+$0x10320]  }
0x131: {  	v1 =	vld.idx.msk [tilespmem:v1+s31+$0x0], $0xffff;
	_ =	sdelay $0x3  }
0x132: {  	v3 =	vshll.u32 v3, $0x2  }
0x133: {  	v1 =	vmul.f32 v1, v2;
	_ =	sdelay $0x1  }
0x134: {  	[tilespmem:s1+$0x10320] =	vst v1  }
0x135: {  	v2 =	vld [tilespmem:s5+$0x8D00]  }
0x136: {  	v1 =	vld.idx.msk [tilespmem:v3+s31+$0x0], $0xffff;
	_ =	sdelay $0x2  }
0x137: {  	v4 =	vor.u32 $0x1, v3;
	_ =	sdelay $0x1  }
0x138: {  	v1 =	vmul.f32 v1, v2;
	_ =	sdelay $0x1  }
0x139: {  	v2 =	vld [tilespmem:s5+$0xB460];
	[tilespmem:s5+$0x8D00] =	vst v1  }
0x13a: {  	v1 =	vld.idx.msk [tilespmem:v4+s31+$0x0], $0xffff;
	_ =	sdelay $0x2  }
0x13b: {  	v63 =	vor.u32 $0x2, v3;
	_ =	sdelay $0x1  }
0x13c: {  	v1 =	vmul.f32 v1, v2;
	_ =	sdelay $0x1  }
0x13d: {  	v2 =	vld [tilespmem:s5+$0xDBC0];
	[tilespmem:s5+$0xB460] =	vst v1  }
0x13e: {  	v1 =	vld.idx.msk [tilespmem:v63+s31+$0x0], $0xffff;
	_ =	sdelay $0x2  }
0x13f: {  	v3 =	vor.u32 $0x3, v3;
	_ =	sdelay $0x1  }
0x140: {  	v1 =	vmul.f32 v1, v2;
	_ =	sdelay $0x1  }
0x141: {  	v2 =	vld [tilespmem:s5+$0x10320];
	[tilespmem:s5+$0xDBC0] =	vst v1  }
0x142: {  	v1 =	vld.idx.msk [tilespmem:v3+s31+$0x0], $0xffff;
	_ =	sdelay $0x2  }
.Ltmp6:
0x143: {  	_ = 	snop;
	(pc) =	sbr.rel .LBB2_10-.Ltmp6, $3  }
0x144: {  	_ = 	snop  }
0x145: {  	v1 =	vmul.f32 v1, v2;
	_ =	sdelay $0x1  }
0x146: {  	[tilespmem:s5+$0x10320] =	vst v1  }
.LBB2_15:
0x147: {  	s5 =	rddreg [dreg:$0xc]  }
.Ltmp7:
0x148: {  	s2 =	sadd.s32 s5, s2;
	(pc) =	sbr.rel @p2 .LBB2_18-.Ltmp7, $4  }
0x149: {  	[hbm:s2], [sflag:s16] =	dma.local [spmem:s20], $0x4E0  }
0x14a: {  	_ =	swait.ge [sflag:s25], $0x4E0  }
0x14b: {  	[sflag:s25] =	ssyncset.done $0x0  }
0x14c: {  	s2 =	smov.u32 s5;
	[sflag:s25] =	ssyncadd.s32 $0xFFFFFB20  }
.LBB2_16:
0x14d: {  	[bflag:$0x0] =	sbarrier.arrive $0xFFFF  }
0x14e: {  	s1 =	rddreg [dreg:$0x9]  }
0x14f: {  	[spmem:s20], [sflag:s16] =	dma.local [hbm:s1], $0x4E0  }
0x150: {  	_ =	swait.ge [sflag:s25], $0x4E0  }
0x151: {  	[sflag:s25] =	ssyncset.done $0x0  }
0x152: {  	[sflag:s25] =	ssyncadd.s32 $0xFFFFFB20  }
.LBB2_19:
0x153: {  	s23 =	sadd.s32 $0x1, s23  }
0x154: {  	p3 =	sne.s32 s23, $0x8  }
.Ltmp8:
0x155: {  	_ = 	snop;
	(pc) =	sbr.rel @!p3 .LBB2_20-.Ltmp8, $2  }
0x156: {  	_ =	sdelay $0x1  }
0x157: {  	[bflag:$0x0] =	sbarrier.arrive $0xFFFF;
	_ =	sdelay $0x1  }
.LBB2_10:
0x158: {  	v1 =	vld [tilespmem:$0x0]  }
0x159: {  	v2 =	vld [tilespmem:$0x10]  }
0x15a: {  	v3 =	vld [tilespmem:$0x20]  }
0x15b: {  	v4 =	vld [tilespmem:$0x30]  }
0x15c: {  	v5 =	vld [tilespmem:$0x40]  }
0x15d: {  	v6 =	vld [tilespmem:$0x50];
	v1 =	vshll.u32 v1, $0x3  }
0x15e: {  	v7 =	vld [tilespmem:$0x60];
	v2 =	vshll.u32 v2, $0x3;
	v1 =	vadd.s32 s23, v1  }
0x15f: {  	[tilespmem:$0x6F40] =	vst v1;
	v1 =	vadd.s32 s23, v2;
	v2 =	vshll.u32 v3, $0x3  }
0x160: {  	[tilespmem:$0x6F50] =	vst v1;
	v1 =	vadd.s32 s23, v2;
	v2 =	vshll.u32 v4, $0x3  }
0x161: {  	[tilespmem:$0x6F60] =	vst v1;
	v1 =	vadd.s32 s23, v2;
	v2 =	vshll.u32 v5, $0x3  }
0x162: {  	[tilespmem:$0x6F70] =	vst v1;
	v1 =	vadd.s32 s23, v2;
	v2 =	vshll.u32 v6, $0x3  }
0x163: {  	[tilespmem:$0x6F80] =	vst v1;
	v1 =	vadd.s32 s23, v2;
	v2 =	vshll.u32 v7, $0x3  }
0x164: {  	[tilespmem:$0x6F90] =	vst v1;
	v1 =	vadd.s32 s23, v2  }
0x165: {  	s1 =	simm.s32 $0x6F40;
	s2 =	simm.s32 $0x7100;
	[tilespmem:$0x6FA0] =	vst v1  }
0x166: {  	[tilespmem:s2], [sflag:$0x1] =	stream.indirect.gather [hbm4b:s22+s12], $0x10, s1, s12, $0xb8;
	[tilespmem:$0x1FB90] =	vst v63  }
0x167: {  	v1 =	vld [tilespmem:$0x70]  }
0x168: {  	v2 =	vld [tilespmem:$0x80]  }
0x169: {  	v3 =	vld [tilespmem:$0x90]  }
0x16a: {  	v60 =	vld [tilespmem:$0xA0]  }
0x16b: {  	v61 =	vld [tilespmem:$0xB0]  }
0x16c: {  	v62 =	vld [tilespmem:$0xC0];
	v1 =	vshll.u32 v1, $0x3  }
0x16d: {  	v63 =	vld [tilespmem:$0xD0];
	v2 =	vshll.u32 v2, $0x3;
	v1 =	vadd.s32 s23, v1  }
0x16e: {  	[tilespmem:$0x6FB0] =	vst v1;
	v1 =	vadd.s32 s23, v2;
	v2 =	vshll.u32 v3, $0x3  }
0x16f: {  	[tilespmem:$0x6FC0] =	vst v1;
	v1 =	vadd.s32 s23, v2;
	v2 =	vshll.u32 v60, $0x3  }
0x170: {  	[tilespmem:$0x6FD0] =	vst v1;
	v1 =	vadd.s32 s23, v2;
	v2 =	vshll.u32 v61, $0x3  }
0x171: {  	s26 =	sshrl.u32 s23, $0x1;
	[tilespmem:$0x6FE0] =	vst v1;
	v1 =	vadd.s32 s23, v2;
	v2 =	vshll.u32 v62, $0x3  }
0x172: {  	s1 =	smul.u32 $0x9D80, s26;
	[tilespmem:$0x6FF0] =	vst v1;
	v1 =	vadd.s32 s23, v2;
	v2 =	vshll.u32 v63, $0x3  }
0x173: {  	s5 =	simm.s32 @p1 $0x6FB0;
	s6 =	simm.s32 @p1 $0x7800;
	[tilespmem:$0x7000] =	vst v1;
	v1 =	vadd.s32 s23, v2  }
0x174: {  	p3 =	por $0x0, $0x0;
	s2 =	simm.s32 @p1 $0x70;
	s1 =	sshra.s32 s1, $0x2;
	[tilespmem:$0x7010] =	vst v1  }
0x175: {  	[tilespmem:s6], [sflag:$0x2] =	stream.indirect.gather @p1 [hbm4b:s30+s2], $0x10, s5, s2, $0xb8;
	[tilespmem:$0x1FB90] =	vst v63  }
0x176: {  	s2 =	simm.s32 @!p1 $0x70;
	s5 =	simm.s32 @!p1 $0x6FB0;
	s6 =	simm.s32 @!p1 $0x7800  }
0x177: {  	[tilespmem:s6], [sflag:$0x2] =	stream.indirect.gather @!p1 [hbm4b:s29+s2], $0x10, s5, s2, $0xb8;
	[tilespmem:$0x1FB90] =	vst v63  }
0x178: {  	s24 =	sadd.s32 $0x8D10, s1;
	s21 =	sadd.s32 $0x8D00, s1;
	v1 =	vmov s23;
	s5 =	simm.s32 $0x0  }
.LBB2_11:
0x179: {  	s19 =	sand.u32 $0x1, s5  }
0x17a: {  	s18 =	sadd.s32 $0x1, s19  }
0x17b: {  	_ =	swait.ge [sflag:s18], $0x700  }
0x17c: {  	s2 =	smul.u32 $0x70, s5;
	[sflag:s18] =	ssyncset.done $0x0  }
0x17d: {  	[sflag:s18] =	ssyncadd.s32 $0xFFFFF900  }
0x17e: {  	v2 =	vld [tilespmem:s2+$0x2760];
	_ =	sdelay $0x2  }
0x17f: {  	s17 =	smul.u32 $0x70, s19;
	_ =	sdelay $0x1  }
0x180: {  	[tilespmem:s17+$0x7020] =	vst v2  }
0x181: {  	v2 =	vld [tilespmem:s2+$0x2770];
	_ =	sdelay $0x4  }
0x182: {  	[tilespmem:s17+$0x7030] =	vst v2  }
0x183: {  	v2 =	vld [tilespmem:s2+$0x2780];
	_ =	sdelay $0x4  }
0x184: {  	[tilespmem:s17+$0x7040] =	vst v2  }
0x185: {  	v2 =	vld [tilespmem:s2+$0x2790];
	_ =	sdelay $0x4  }
0x186: {  	[tilespmem:s17+$0x7050] =	vst v2  }
0x187: {  	v2 =	vld [tilespmem:s2+$0x27A0];
	_ =	sdelay $0x4  }
0x188: {  	[tilespmem:s17+$0x7060] =	vst v2  }
0x189: {  	v2 =	vld [tilespmem:s2+$0x27B0];
	_ =	sdelay $0x4  }
0x18a: {  	[tilespmem:s17+$0x7070] =	vst v2  }
0x18b: {  	v2 =	vld [tilespmem:s2+$0x27C0];
	_ =	sdelay $0x3  }
0x18c: {  	p4 =	slt.u32 s5, $0x2  }
0x18d: {  	s1 =	simm.s32 $0x1;
	s6 =	sadd.s32 @!p4 $0x3, s19;
	[tilespmem:s17+$0x7080] =	vst v2  }
0x18e: {  	s1 =	simm.s32 @!p3 $0x0;
	_ =	swait.ge @!p4 [sflag:s6], $0x700  }
0x18f: {  	s1 =	smul.u32 $0x1C00, s1;
	[sflag:s6] =	ssyncset.done @!p4 $0x0  }
0x190: {  	[sflag:s6] =	ssyncadd.s32 @!p4 $0xFFFFF900  }
0x191: {  	s1 =	sshrl.u32 s1, $0x2;
	v2 =	vld [tilespmem:s24+$0x0]  }
0x192: {  	s26 =	sadd.s32 $0x7200, s1;
	v4 =	vld [tilespmem:s24+$0xFFFFFFF0]  }
0x193: {  	v3 =	vld [tilespmem:s26+$0x0];
	_ =	sdelay $0x1  }
0x194: {  	v5 =	vld [tilespmem:s26+$0xFFFFFF00]  }
0x195: {  	v6 =	vbroadcast v2, $0x0;
	_ =	sdelay $0x1  }
0x196: {  	v7 =	vbroadcast v4, $0x0;
	v3 =	vmul.f32 v6, v3  }
0x197: {  	s1 =	sor.u32 $0x8000, s1  }
0x198: {  	[tilespmem:s1+$0x0] =	vst v3;
	v3 =	vmul.f32 v7, v5  }
0x199: {  	v5 =	vld [tilespmem:s26+$0x10]  }
0x19a: {  	[tilespmem:s1+$0xFFFFFF00] =	vst v3  }
0x19b: {  	v3 =	vld [tilespmem:s26+$0xFFFFFF10]  }
0x19c: {  	v6 =	vbroadcast v2, $0x1;
	_ =	sdelay $0x1  }
0x19d: {  	v7 =	vbroadcast v4, $0x1;
	v5 =	vmul.f32 v5, v6;
	_ =	sdelay $0x1  }
0x19e: {  	[tilespmem:s1+$0x10] =	vst v5;
	v3 =	vmul.f32 v3, v7  }
0x19f: {  	v5 =	vld [tilespmem:s26+$0x20]  }
0x1a0: {  	[tilespmem:s1+$0xFFFFFF10] =	vst v3  }
0x1a1: {  	v3 =	vld [tilespmem:s26+$0xFFFFFF20]  }
0x1a2: {  	v6 =	vbroadcast v2, $0x2;
	_ =	sdelay $0x1  }
0x1a3: {  	v7 =	vbroadcast v4, $0x2;
	v5 =	vmul.f32 v5, v6;
	_ =	sdelay $0x1  }
0x1a4: {  	[tilespmem:s1+$0x20] =	vst v5;
	v3 =	vmul.f32 v3, v7  }
0x1a5: {  	v5 =	vld [tilespmem:s26+$0x30]  }
0x1a6: {  	[tilespmem:s1+$0xFFFFFF20] =	vst v3  }
0x1a7: {  	v3 =	vld [tilespmem:s26+$0xFFFFFF30]  }
0x1a8: {  	v6 =	vbroadcast v2, $0x3;
	_ =	sdelay $0x1  }
0x1a9: {  	v7 =	vbroadcast v4, $0x3;
	v5 =	vmul.f32 v5, v6;
	_ =	sdelay $0x1  }
0x1aa: {  	[tilespmem:s1+$0x30] =	vst v5;
	v3 =	vmul.f32 v3, v7  }
0x1ab: {  	v5 =	vld [tilespmem:s26+$0x40]  }
0x1ac: {  	[tilespmem:s1+$0xFFFFFF30] =	vst v3  }
0x1ad: {  	v3 =	vld [tilespmem:s26+$0xFFFFFF40]  }
0x1ae: {  	v6 =	vbroadcast v2, $0x4;
	_ =	sdelay $0x1  }
0x1af: {  	v7 =	vbroadcast v4, $0x4;
	v5 =	vmul.f32 v5, v6;
	_ =	sdelay $0x1  }
0x1b0: {  	v3 =	vmul.f32 v3, v7;
	[tilespmem:s1+$0x40] =	vst v5  }
0x1b1: {  	v5 =	vld [tilespmem:s26+$0x50]  }
0x1b2: {  	[tilespmem:s1+$0xFFFFFF40] =	vst v3  }
0x1b3: {  	v6 =	vld [tilespmem:s26+$0xFFFFFF50]  }
0x1b4: {  	v7 =	vbroadcast v2, $0x5  }
0x1b5: {  	s7 =	sadd.s32 $0x20, s24  }
0x1b6: {  	s11 =	sadd.s32 $0x200, s26;
	v8 =	vbroadcast v4, $0x5;
	v3 =	vld [tilespmem:s7+$0x0];
	v5 =	vmul.f32 v5, v7  }
0x1b7: {  	v9 =	vld [tilespmem:s11+$0x0]  }
0x1b8: {  	v7 =	vld [tilespmem:s7+$0xFFFFFFF0];
	v6 =	vmul.f32 v6, v8;
	[tilespmem:s1+$0x50] =	vst v5  }
0x1b9: {  	v5 =	vld [tilespmem:s26+$0x60]  }
0x1ba: {  	[tilespmem:s1+$0xFFFFFF50] =	vst v6;
	v6 =	vld [tilespmem:s11+$0xFFFFFF00]  }
0x1bb: {  	v8 =	vbroadcast v3, $0x0  }
0x1bc: {  	v11 =	vbroadcast v2, $0x6;
	v10 =	vld [tilespmem:s26+$0xFFFFFF60]  }
0x1bd: {  	v8 =	vmul.f32 v8, v9;
	v12 =	vbroadcast v7, $0x0  }
0x1be: {  	s13 =	sadd.s32 $0x200, s1;
	v5 =	vmul.f32 v5, v11  }
0x1bf: {  	v9 =	vbroadcast v4, $0x6;
	[tilespmem:s13+$0x0] =	vst v8;
	v6 =	vmul.f32 v12, v6  }
0x1c0: {  	v8 =	vld [tilespmem:s11+$0x10];
	[tilespmem:s1+$0x60] =	vst v5  }
0x1c1: {  	v5 =	vmul.f32 v10, v9;
	v9 =	vld [tilespmem:s26+$0x70];
	[tilespmem:s13+$0xFFFFFF00] =	vst v6  }
0x1c2: {  	v6 =	vld [tilespmem:s11+$0xFFFFFF10]  }
0x1c3: {  	[tilespmem:s1+$0xFFFFFF60] =	vst v5;
	v5 =	vbroadcast v3, $0x1  }
0x1c4: {  	v11 =	vbroadcast v2, $0x7;
	v10 =	vld [tilespmem:s26+$0xFFFFFF70]  }
0x1c5: {  	v12 =	vbroadcast v7, $0x1;
	v5 =	vmul.f32 v8, v5  }
0x1c6: {  	v9 =	vmul.f32 v9, v11  }
0x1c7: {  	v8 =	vbroadcast v4, $0x7;
	[tilespmem:s13+$0x10] =	vst v5;
	v5 =	vmul.f32 v6, v12  }
0x1c8: {  	v6 =	vld [tilespmem:s11+$0x20];
	[tilespmem:s1+$0x70] =	vst v9  }
0x1c9: {  	v8 =	vmul.f32 v10, v8;
	v9 =	vld [tilespmem:s26+$0x80];
	[tilespmem:s13+$0xFFFFFF10] =	vst v5  }
0x1ca: {  	v5 =	vld [tilespmem:s11+$0xFFFFFF20]  }
0x1cb: {  	[tilespmem:s1+$0xFFFFFF70] =	vst v8;
	v8 =	vbroadcast v3, $0x2  }
0x1cc: {  	v11 =	vbroadcast v2, $0x8;
	v10 =	vld [tilespmem:s26+$0xFFFFFF80]  }
0x1cd: {  	v12 =	vbroadcast v7, $0x2;
	v6 =	vmul.f32 v6, v8  }
0x1ce: {  	v9 =	vmul.f32 v9, v11  }
0x1cf: {  	v8 =	vbroadcast v4, $0x8;
	[tilespmem:s13+$0x20] =	vst v6;
	v5 =	vmul.f32 v5, v12  }
0x1d0: {  	v6 =	vld [tilespmem:s11+$0x30];
	[tilespmem:s1+$0x80] =	vst v9  }
0x1d1: {  	v8 =	vmul.f32 v10, v8;
	v9 =	vld [tilespmem:s26+$0x90];
	[tilespmem:s13+$0xFFFFFF20] =	vst v5  }
0x1d2: {  	v5 =	vld [tilespmem:s11+$0xFFFFFF30]  }
0x1d3: {  	[tilespmem:s1+$0xFFFFFF80] =	vst v8;
	v8 =	vbroadcast v3, $0x3  }
0x1d4: {  	v13 =	vbroadcast v2, $0x9;
	v12 =	vld [tilespmem:s26+$0xFFFFFF90]  }
0x1d5: {  	v14 =	vbroadcast v7, $0x3;
	v6 =	vmul.f32 v6, v8  }
0x1d6: {  	v20 =	vbroadcast v4, $0xA;
	v9 =	vmul.f32 v9, v13  }
0x1d7: {  	v11 =	vbroadcast v4, $0x9;
	[tilespmem:s13+$0x30] =	vst v6;
	v13 =	vmul.f32 v5, v14  }
0x1d8: {  	v23 =	vbroadcast v2, $0xB;
	v26 =	vbroadcast v3, $0x5;
	[tilespmem:s1+$0x90] =	vst v9;
	v9 =	vld [tilespmem:s11+$0x40]  }
0x1d9: {  	v18 =	vbroadcast v7, $0x4;
	v11 =	vmul.f32 v12, v11;
	[tilespmem:s13+$0xFFFFFF30] =	vst v13;
	v12 =	vld [tilespmem:s26+$0xA0]  }
0x1da: {  	v19 =	vbroadcast v7, $0x5;
	v17 =	vbroadcast v7, $0x6;
	v21 =	vld [tilespmem:s11+$0xFFFFFF40]  }
0x1db: {  	v16 =	vbroadcast v7, $0x7;
	[tilespmem:s1+$0xFFFFFF90] =	vst v11;
	v11 =	vbroadcast v3, $0x4  }
0x1dc: {  	v15 =	vbroadcast v7, $0x8;
	v13 =	vbroadcast v2, $0xA;
	v22 =	vld [tilespmem:s26+$0xFFFFFFA0]  }
0x1dd: {  	v10 =	vbroadcast v4, $0xB;
	v9 =	vmul.f32 v9, v11  }
0x1de: {  	v8 =	vbroadcast v4, $0xC;
	v11 =	vmul.f32 v12, v13  }
0x1df: {  	v6 =	vbroadcast v4, $0xD;
	v21 =	vmul.f32 v21, v18;
	[tilespmem:s13+$0x40] =	vst v9  }
0x1e0: {  	v5 =	vbroadcast v4, $0xE;
	v4 =	vbroadcast v4, $0xF;
	v24 =	vld [tilespmem:s11+$0x50];
	[tilespmem:s1+$0xA0] =	vst v11  }
0x1e1: {  	v14 =	vbroadcast v7, $0x9;
	v20 =	vmul.f32 v22, v20;
	[tilespmem:s13+$0xFFFFFF40] =	vst v21;
	v21 =	vld [tilespmem:s26+$0xB0]  }
0x1e2: {  	s8 =	simm.s32 $0x2;
	v13 =	vbroadcast v7, $0xA;
	v12 =	vbroadcast v7, $0xC;
	v25 =	vld [tilespmem:s11+$0xFFFFFF50]  }
0x1e3: {  	s10 =	sadd.s32 $0x20, s7;
	s9 =	sadd.s32 s2, s21;
	s15 =	sadd.s32 $0x7020, s17;
	v18 =	vbroadcast v7, $0xB;
	v9 =	vbroadcast v7, $0xE;
	[tilespmem:s1+$0xFFFFFFA0] =	vst v20  }
0x1e4: {  	s14 =	smov.u32 s13;
	s6 =	smul.u32 $0x700, s19;
	s7 =	smov.u32 s11;
	v11 =	vbroadcast v7, $0xD;
	v7 =	vbroadcast v7, $0xF;
	v22 =	vld [tilespmem:s26+$0xFFFFFFB0]  }
.LBB2_12:
0x1e5: {  	v20 =	vld [tilespmem:s10+$0x0];
	v24 =	vmul.f32 v24, v26  }
0x1e6: {  	s11 =	sadd.s32 $0x200, s11;
	v26 =	vld [tilespmem:s10+$0xFFFFFFF0];
	v21 =	vmul.f32 v21, v23  }
0x1e7: {  	s8 =	sadd.s32 $0x2, s8;
	v23 =	vld [tilespmem:s11+$0x0];
	v19 =	vmul.f32 v25, v19;
	[tilespmem:s13+$0x50] =	vst v24  }
0x1e8: {  	p4 =	slt.u32 s8, $0x4;
	v24 =	vld [tilespmem:s7+$0x60];
	[tilespmem:s1+$0xB0] =	vst v21  }
0x1e9: {  	[tilespmem:s13+$0xFFFFFF50] =	vst v19;
	v19 =	vmul.f32 v22, v10;
	v21 =	vld [tilespmem:s26+$0xC0];
	v10 =	vmov v18  }
0x1ea: {  	v18 =	vld [tilespmem:s11+$0xFFFFFF00];
	v22 =	vbroadcast v20, $0x0  }
0x1eb: {  	v28 =	vbroadcast v3, $0x6;
	v25 =	vbroadcast v26, $0x0;
	v27 =	vld [tilespmem:s7+$0xFFFFFF60];
	[tilespmem:s1+$0xFFFFFFB0] =	vst v19  }
0x1ec: {  	v19 =	vmul.f32 v22, v23;
	v22 =	vld [tilespmem:s26+$0xFFFFFFC0];
	v23 =	vbroadcast v2, $0xC  }
0x1ed: {  	s13 =	sadd.s32 $0x200, s13;
	v29 =	vbroadcast v26, $0x1;
	v24 =	vmul.f32 v24, v28  }
0x1ee: {  	v28 =	vbroadcast v26, $0x2;
	[tilespmem:s13+$0x0] =	vst v19;
	v23 =	vmul.f32 v21, v23  }
0x1ef: {  	v18 =	vmul.f32 v25, v18;
	v25 =	vbroadcast v26, $0x3;
	v30 =	vld [tilespmem:s11+$0x10];
	[tilespmem:s14+$0x60] =	vst v24  }
0x1f0: {  	v21 =	vbroadcast v26, $0x4;
	v19 =	vbroadcast v26, $0x5;
	v24 =	vld [tilespmem:s7+$0x70];
	[tilespmem:s1+$0xC0] =	vst v23  }
0x1f1: {  	[tilespmem:s13+$0xFFFFFF00] =	vst v18;
	v18 =	vmul.f32 v27, v17;
	v17 =	vbroadcast v26, $0x6;
	v23 =	vld [tilespmem:s26+$0xD0]  }
0x1f2: {  	v32 =	vbroadcast v20, $0x1;
	v31 =	vbroadcast v26, $0x7;
	v27 =	vld [tilespmem:s11+$0xFFFFFF10]  }
0x1f3: {  	v33 =	vbroadcast v26, $0x8;
	[tilespmem:s14+$0xFFFFFF60] =	vst v18;
	v18 =	vbroadcast v3, $0x7  }
0x1f4: {  	v34 =	vbroadcast v2, $0xD;
	v30 =	vmul.f32 v30, v32;
	v32 =	vld [tilespmem:s7+$0xFFFFFF70]  }
0x1f5: {  	v35 =	vbroadcast v26, $0x9;
	v24 =	vmul.f32 v24, v18  }
0x1f6: {  	v36 =	vbroadcast v26, $0xA;
	[tilespmem:s13+$0x10] =	vst v30;
	v23 =	vmul.f32 v23, v34  }
0x1f7: {  	v18 =	vbroadcast v26, $0xB;
	v27 =	vmul.f32 v27, v29;
	v29 =	vld [tilespmem:s11+$0x20];
	[tilespmem:s14+$0x70] =	vst v24  }
0x1f8: {  	v22 =	vmul.f32 v22, v8;
	v8 =	vmov v12;
	v12 =	vbroadcast v26, $0xC;
	v24 =	vld [tilespmem:s7+$0x80];
	[tilespmem:s1+$0xD0] =	vst v23  }
0x1f9: {  	v23 =	vbroadcast v26, $0xD;
	[tilespmem:s13+$0xFFFFFF10] =	vst v27;
	v27 =	vmul.f32 v32, v16;
	v30 =	vld [tilespmem:s26+$0xE0];
	v16 =	vmov v31  }
0x1fa: {  	v34 =	vbroadcast v20, $0x2;
	v32 =	vbroadcast v26, $0xE;
	v31 =	vld [tilespmem:s11+$0xFFFFFF20];
	[tilespmem:s1+$0xFFFFFFC0] =	vst v22  }
0x1fb: {  	v22 =	vbroadcast v26, $0xF;
	v26 =	vbroadcast v3, $0x8;
	[tilespmem:s14+$0xFFFFFF70] =	vst v27;
	v27 =	vld [tilespmem:s26+$0xFFFFFFD0]  }
0x1fc: {  	v37 =	vbroadcast v2, $0xE;
	v29 =	vmul.f32 v29, v34;
	v34 =	vld [tilespmem:s7+$0xFFFFFF80]  }
0x1fd: {  	v24 =	vmul.f32 v24, v26  }
0x1fe: {  	[tilespmem:s13+$0x20] =	vst v29;
	v26 =	vmul.f32 v30, v37  }
0x1ff: {  	v28 =	vmul.f32 v31, v28;
	v29 =	vld [tilespmem:s11+$0x30];
	[tilespmem:s14+$0x80] =	vst v24  }
0x200: {  	v24 =	vld [tilespmem:s7+$0x90];
	v27 =	vmul.f32 v27, v6;
	[tilespmem:s1+$0xE0] =	vst v26;
	v6 =	vmov v11;
	v11 =	vmov v23  }
0x201: {  	[tilespmem:s13+$0xFFFFFF20] =	vst v28;
	v23 =	vmul.f32 v34, v15;
	v26 =	vld [tilespmem:s26+$0xF0];
	v15 =	vmov v33  }
0x202: {  	v30 =	vbroadcast v20, $0x3;
	v28 =	vld [tilespmem:s11+$0xFFFFFF30];
	[tilespmem:s1+$0xFFFFFFD0] =	vst v27  }
0x203: {  	[tilespmem:s14+$0xFFFFFF80] =	vst v23;
	v23 =	vbroadcast v3, $0x9;
	v27 =	vld [tilespmem:s26+$0xFFFFFFE0]  }
0x204: {  	v31 =	vbroadcast v2, $0xF;
	v2 =	vmovc v3;
	v3 =	vmov v20;
	v29 =	vmul.f32 v29, v30;
	v30 =	vld [tilespmem:s7+$0xFFFFFF90]  }
0x205: {  	v20 =	vmul.f32 v24, v23  }
0x206: {  	[tilespmem:s13+$0x30] =	vst v29;
	v23 =	vmul.f32 v26, v31  }
0x207: {  	v24 =	vmul.f32 v28, v25;
	[tilespmem:s14+$0x90] =	vst v20  }
0x208: {  	v20 =	vld [tilespmem:s11+$0x40];
	v25 =	vmul.f32 v27, v5;
	[tilespmem:s1+$0xF0] =	vst v23;
	v5 =	vmov v9;
	v9 =	vmov v32  }
0x209: {  	[tilespmem:s13+$0xFFFFFF30] =	vst v24;
	v23 =	vmul.f32 v30, v14;
	v24 =	vld [tilespmem:s7+$0xA0];
	v14 =	vmov v35  }
0x20a: {  	v26 =	vld [tilespmem:s11+$0xFFFFFF40];
	[tilespmem:s1+$0xFFFFFFE0] =	vst v25  }
0x20b: {  	v25 =	vbroadcast v3, $0x4;
	[tilespmem:s14+$0xFFFFFF90] =	vst v23;
	v23 =	vld [tilespmem:s26+$0xFFFFFFF0];
	s26 =	smov.u32 s7;
	s7 =	smov.u32 s11  }
0x20c: {  	v28 =	vbroadcast v2, $0xA;
	v27 =	vld [tilespmem:s26+$0xFFFFFFA0]  }
0x20d: {  	v20 =	vmul.f32 v20, v25  }
0x20e: {  	v25 =	vmul.f32 v24, v28  }
0x20f: {  	v21 =	vmul.f32 v26, v21;
	[tilespmem:s13+$0x40] =	vst v20  }
.Ltmp9:
0x210: {  	v24 =	vld [tilespmem:s11+$0x50];
	[tilespmem:s14+$0xA0] =	vst v25;
	v20 =	vmul.f32 v23, v4;
	v4 =	vmov v7;
	v7 =	vmov v22;
	(pc) =	sbr.rel @p4 .LBB2_12-.Ltmp9, $4  }
0x211: {  	[tilespmem:s13+$0xFFFFFF40] =	vst v21;
	v22 =	vmul.f32 v27, v13;
	v21 =	vld [tilespmem:s26+$0xB0];
	v13 =	vmov v36  }
0x212: {  	v25 =	vld [tilespmem:s11+$0xFFFFFF50];
	[tilespmem:s1+$0xFFFFFFF0] =	vst v20;
	s1 =	smov.u32 s14;
	s14 =	smov.u32 s13  }
0x213: {  	v26 =	vbroadcast v3, $0x5;
	[tilespmem:s1+$0xFFFFFFA0] =	vst v22  }
0x214: {  	s10 =	sadd.s32 $0x20, s10;
	v23 =	vbroadcast v2, $0xB;
	v22 =	vld [tilespmem:s26+$0xFFFFFFB0]  }
0x215: {  	_ = 	snop  }
0x216: {  	v20 =	vmul.f32 v24, v26  }
0x217: {  	v19 =	vmul.f32 v25, v19  }
0x218: {  	[tilespmem:s13+$0x50] =	vst v20  }
0x219: {  	v20 =	vld [tilespmem:s7+$0x60];
	[tilespmem:s13+$0xFFFFFF50] =	vst v19  }
0x21a: {  	v19 =	vld [tilespmem:s7+$0xFFFFFF60];
	_ =	sdelay $0x1  }
0x21b: {  	v42 =	vbroadcast v3, $0x6;
	_ =	sdelay $0x1  }
0x21c: {  	v20 =	vmul.f32 v20, v42  }
0x21d: {  	v17 =	vmul.f32 v19, v17  }
0x21e: {  	[tilespmem:s14+$0x60] =	vst v20  }
0x21f: {  	v43 =	vld [tilespmem:s7+$0x70];
	[tilespmem:s14+$0xFFFFFF60] =	vst v17  }
0x220: {  	v17 =	vld [tilespmem:s7+$0xFFFFFF70];
	_ =	sdelay $0x1  }
0x221: {  	v44 =	vbroadcast v3, $0x7;
	_ =	sdelay $0x1  }
0x222: {  	v19 =	vmul.f32 v43, v44  }
0x223: {  	v16 =	vmul.f32 v17, v16  }
0x224: {  	[tilespmem:s14+$0x70] =	vst v19  }
0x225: {  	v45 =	vld [tilespmem:s7+$0x80];
	[tilespmem:s14+$0xFFFFFF70] =	vst v16  }
0x226: {  	v16 =	vld [tilespmem:s7+$0xFFFFFF80];
	_ =	sdelay $0x1  }
0x227: {  	v46 =	vbroadcast v3, $0x8;
	_ =	sdelay $0x1  }
0x228: {  	v17 =	vmul.f32 v45, v46  }
0x229: {  	v15 =	vmul.f32 v16, v15  }
0x22a: {  	[tilespmem:s14+$0x80] =	vst v17  }
0x22b: {  	v47 =	vld [tilespmem:s7+$0x90];
	[tilespmem:s14+$0xFFFFFF80] =	vst v15  }
0x22c: {  	v15 =	vld [tilespmem:s7+$0xFFFFFF90];
	_ =	sdelay $0x1  }
0x22d: {  	v48 =	vbroadcast v3, $0x9;
	_ =	sdelay $0x1  }
0x22e: {  	v16 =	vmul.f32 v47, v48  }
0x22f: {  	v14 =	vmul.f32 v15, v14  }
0x230: {  	[tilespmem:s14+$0x90] =	vst v16  }
0x231: {  	v49 =	vld [tilespmem:s7+$0xA0];
	[tilespmem:s14+$0xFFFFFF90] =	vst v14  }
0x232: {  	v14 =	vld [tilespmem:s7+$0xFFFFFFA0];
	_ =	sdelay $0x1  }
0x233: {  	v50 =	vbroadcast v3, $0xA;
	_ =	sdelay $0x1  }
0x234: {  	v15 =	vmul.f32 v49, v50  }
0x235: {  	v13 =	vmul.f32 v14, v13  }
0x236: {  	[tilespmem:s14+$0xA0] =	vst v15  }
0x237: {  	v51 =	vld [tilespmem:s7+$0xB0];
	[tilespmem:s14+$0xFFFFFFA0] =	vst v13  }
0x238: {  	v13 =	vld [tilespmem:s7+$0xFFFFFFB0];
	_ =	sdelay $0x1  }
0x239: {  	v53 =	vbroadcast v3, $0xB;
	v52 =	vmul.f32 v21, v23  }
0x23a: {  	v10 =	vmul.f32 v22, v10  }
0x23b: {  	[tilespmem:s1+$0xB0] =	vst v52;
	v14 =	vmul.f32 v51, v53  }
0x23c: {  	[tilespmem:s1+$0xFFFFFFB0] =	vst v10;
	v15 =	vld [tilespmem:s26+$0xC0];
	v54 =	vmul.f32 v13, v18  }
0x23d: {  	v55 =	vld [tilespmem:s26+$0xFFFFFFC0];
	[tilespmem:s14+$0xB0] =	vst v14  }
0x23e: {  	v14 =	vld [tilespmem:s7+$0xC0];
	[tilespmem:s14+$0xFFFFFFB0] =	vst v54  }
0x23f: {  	v56 =	vbroadcast v2, $0xC;
	v57 =	vld [tilespmem:s7+$0xFFFFFFC0];
	_ =	sdelay $0x1  }
0x240: {  	v58 =	vbroadcast v3, $0xC;
	v10 =	vmul.f32 v15, v56  }
0x241: {  	v8 =	vmul.f32 v55, v8  }
0x242: {  	[tilespmem:s1+$0xC0] =	vst v10;
	v59 =	vmul.f32 v14, v58  }
0x243: {  	[tilespmem:s1+$0xFFFFFFC0] =	vst v8;
	v60 =	vld [tilespmem:s26+$0xD0];
	v61 =	vmul.f32 v57, v12  }
0x244: {  	v62 =	vld [tilespmem:s26+$0xFFFFFFD0];
	[tilespmem:s14+$0xC0] =	vst v59  }
0x245: {  	v10 =	vld [tilespmem:s7+$0xD0];
	[tilespmem:s14+$0xFFFFFFC0] =	vst v61  }
0x246: {  	v63 =	vbroadcast v2, $0xD;
	v16 =	vld [tilespmem:s7+$0xFFFFFFD0];
	_ =	sdelay $0x1  }
0x247: {  	v17 =	vbroadcast v3, $0xD;
	v8 =	vmul.f32 v60, v63  }
0x248: {  	v6 =	vmul.f32 v62, v6  }
0x249: {  	[tilespmem:s1+$0xD0] =	vst v8;
	v18 =	vmul.f32 v10, v17  }
0x24a: {  	[tilespmem:s1+$0xFFFFFFD0] =	vst v6;
	v19 =	vld [tilespmem:s26+$0xE0];
	v20 =	vmul.f32 v16, v11  }
0x24b: {  	v21 =	vld [tilespmem:s26+$0xFFFFFFE0];
	[tilespmem:s14+$0xD0] =	vst v18  }
0x24c: {  	v8 =	vld [tilespmem:s7+$0xE0];
	[tilespmem:s14+$0xFFFFFFD0] =	vst v20  }
0x24d: {  	v22 =	vbroadcast v2, $0xE;
	v23 =	vld [tilespmem:s7+$0xFFFFFFE0];
	_ =	sdelay $0x1  }
0x24e: {  	v24 =	vbroadcast v3, $0xE;
	v6 =	vmul.f32 v19, v22  }
0x24f: {  	v5 =	vmul.f32 v21, v5  }
0x250: {  	[tilespmem:s1+$0xE0] =	vst v6;
	v25 =	vmul.f32 v8, v24  }
0x251: {  	[tilespmem:s1+$0xFFFFFFE0] =	vst v5;
	v26 =	vld [tilespmem:s26+$0xF0];
	v27 =	vmul.f32 v23, v9  }
0x252: {  	v28 =	vld [tilespmem:s26+$0xFFFFFFF0];
	[tilespmem:s14+$0xE0] =	vst v25  }
0x253: {  	v6 =	vld [tilespmem:s7+$0xF0];
	[tilespmem:s14+$0xFFFFFFE0] =	vst v27  }
0x254: {  	v2 =	vbroadcast v2, $0xF;
	v5 =	vld [tilespmem:s7+$0xFFFFFFF0];
	_ =	sdelay $0x1  }
0x255: {  	v3 =	vbroadcast v3, $0xF;
	v2 =	vmul.f32 v26, v2  }
0x256: {  	v4 =	vmul.f32 v28, v4  }
0x257: {  	[tilespmem:s1+$0xF0] =	vst v2;
	v2 =	vmul.f32 v6, v3  }
0x258: {  	[tilespmem:s1+$0xFFFFFFF0] =	vst v4;
	v3 =	vmul.f32 v5, v7  }
0x259: {  	[tilespmem:s14+$0xF0] =	vst v2  }
0x25a: {  	[tilespmem:s14+$0xFFFFFFF0] =	vst v3  }
0x25b: {  	v2 =	vld [tilespmem:s9+$0x60];
	_ =	sdelay $0x1  }
0x25c: {  	v3 =	vld [tilespmem:s6+$0x7700]  }
0x25d: {  	v4 =	vld [tilespmem:s6+$0x7710]  }
0x25e: {  	v31 =	vld [tilespmem:s6+$0x7730]  }
0x25f: {  	v29 =	vld [tilespmem:s6+$0x7720];
	v30 =	vbroadcast v2, $0x0  }
0x260: {  	v35 =	vld [tilespmem:s6+$0x7750];
	v32 =	vbroadcast v2, $0x1;
	v34 =	vbroadcast v2, $0x2  }
0x261: {  	v33 =	vld [tilespmem:s6+$0x7740];
	v36 =	vbroadcast v2, $0x3;
	v3 =	vmul.f32 v30, v3  }
0x262: {  	v39 =	vld [tilespmem:s6+$0x7770];
	v38 =	vbroadcast v2, $0x4;
	v4 =	vmul.f32 v4, v32  }
0x263: {  	v37 =	vld [tilespmem:s6+$0x7760];
	v41 =	vbroadcast v2, $0x5;
	v40 =	vmul.f32 v31, v36;
	[tilespmem:s6+$0x8500] =	vst v3  }
0x264: {  	v44 =	vld [tilespmem:s6+$0x7790];
	v43 =	vbroadcast v2, $0x6;
	v3 =	vmul.f32 v29, v34;
	[tilespmem:s6+$0x8510] =	vst v4  }
0x265: {  	v42 =	vld [tilespmem:s6+$0x7780];
	v46 =	vbroadcast v2, $0x7;
	v45 =	vmul.f32 v35, v41;
	[tilespmem:s6+$0x8530] =	vst v40  }
0x266: {  	v49 =	vld [tilespmem:s6+$0x77B0];
	v48 =	vbroadcast v2, $0x8;
	[tilespmem:s6+$0x8520] =	vst v3;
	v3 =	vmul.f32 v33, v38  }
0x267: {  	v47 =	vld [tilespmem:s6+$0x77A0];
	v51 =	vbroadcast v2, $0x9;
	v50 =	vmul.f32 v39, v46;
	[tilespmem:s6+$0x8550] =	vst v45  }
0x268: {  	v54 =	vld [tilespmem:s6+$0x77D0];
	v53 =	vbroadcast v2, $0xA;
	[tilespmem:s6+$0x8540] =	vst v3;
	v3 =	vmul.f32 v37, v43  }
0x269: {  	v52 =	vld [tilespmem:s6+$0x77C0];
	v56 =	vbroadcast v2, $0xB;
	v55 =	vmul.f32 v44, v51;
	[tilespmem:s6+$0x8570] =	vst v50  }
0x26a: {  	v59 =	vld [tilespmem:s6+$0x77F0];
	v58 =	vbroadcast v2, $0xC;
	[tilespmem:s6+$0x8560] =	vst v3;
	v3 =	vmul.f32 v42, v48  }
0x26b: {  	v57 =	vld [tilespmem:s6+$0x77E0];
	v61 =	vbroadcast v2, $0xD;
	v60 =	vmul.f32 v49, v56;
	[tilespmem:s6+$0x8590] =	vst v55  }
0x26c: {  	v62 =	vbroadcast v2, $0xE;
	[tilespmem:s6+$0x8580] =	vst v3;
	v3 =	vmul.f32 v47, v53  }
0x26d: {  	v2 =	vbroadcast v2, $0xF;
	v63 =	vmul.f32 v54, v61;
	[tilespmem:s6+$0x85B0] =	vst v60  }
0x26e: {  	[tilespmem:s6+$0x85A0] =	vst v3;
	v3 =	vmul.f32 v52, v58  }
0x26f: {  	v2 =	vmul.f32 v59, v2;
	[tilespmem:s6+$0x85D0] =	vst v63  }
0x270: {  	[tilespmem:s6+$0x85C0] =	vst v3;
	v3 =	vmul.f32 v57, v62  }
0x271: {  	[tilespmem:s6+$0x85F0] =	vst v2  }
0x272: {  	p4 =	sgt.u32 s5, $0x57;
	s26 =	sadd.s32 $0x3, s19;
	s14 =	sadd.s32 $0x7F00, s6;
	[tilespmem:s6+$0x85E0] =	vst v3  }
0x273: {  	[spmem:s3] =	stream.indirect.scatter.add.f32 [tilespmem:s14], [sflag:s26], $0x10, s15, s12, $0xb8;
	[tilespmem:$0x1FB90] =	vst v63  }
0x274: {  	v2 =	vld @!p4 [tilespmem:s2+$0xE0];
	_ =	sdelay $0x4  }
0x275: {  	v2 =	vshll.u32 @!p4 v2, $0x3  }
0x276: {  	v2 =	vadd.s32 @!p4 v1, v2  }
0x277: {  	[tilespmem:s17+$0x6F40] =	vst @!p4 v2  }
0x278: {  	v2 =	vld @!p4 [tilespmem:s2+$0xF0];
	_ =	sdelay $0x4  }
0x279: {  	v2 =	vshll.u32 @!p4 v2, $0x3  }
0x27a: {  	v2 =	vadd.s32 @!p4 v1, v2  }
0x27b: {  	[tilespmem:s17+$0x6F50] =	vst @!p4 v2  }
0x27c: {  	v2 =	vld @!p4 [tilespmem:s2+$0x100];
	_ =	sdelay $0x4  }
0x27d: {  	v2 =	vshll.u32 @!p4 v2, $0x3  }
0x27e: {  	v2 =	vadd.s32 @!p4 v1, v2  }
0x27f: {  	[tilespmem:s17+$0x6F60] =	vst @!p4 v2  }
0x280: {  	v2 =	vld @!p4 [tilespmem:s2+$0x110];
	_ =	sdelay $0x4  }
0x281: {  	v2 =	vshll.u32 @!p4 v2, $0x3  }
0x282: {  	v2 =	vadd.s32 @!p4 v1, v2  }
0x283: {  	[tilespmem:s17+$0x6F70] =	vst @!p4 v2  }
0x284: {  	v2 =	vld @!p4 [tilespmem:s2+$0x120];
	_ =	sdelay $0x4  }
0x285: {  	v2 =	vshll.u32 @!p4 v2, $0x3  }
0x286: {  	v2 =	vadd.s32 @!p4 v1, v2  }
0x287: {  	[tilespmem:s17+$0x6F80] =	vst @!p4 v2  }
0x288: {  	v2 =	vld @!p4 [tilespmem:s2+$0x130];
	_ =	sdelay $0x4  }
0x289: {  	v2 =	vshll.u32 @!p4 v2, $0x3  }
0x28a: {  	v2 =	vadd.s32 @!p4 v1, v2  }
0x28b: {  	[tilespmem:s17+$0x6F90] =	vst @!p4 v2  }
0x28c: {  	v2 =	vld @!p4 [tilespmem:s2+$0x140];
	_ =	sdelay $0x3  }
0x28d: {  	s1 =	smul.u32 @!p4 $0x1C00, s19  }
0x28e: {  	v2 =	vshll.u32 @!p4 v2, $0x3  }
0x28f: {  	s5 =	sadd.s32 $0x1, s5;
	s1 =	sshrl.u32 @!p4 s1, $0x2;
	v2 =	vadd.s32 @!p4 v1, v2  }
0x290: {  	s1 =	sadd.s32 @!p4 $0x7100, s1;
	s6 =	simm.s32 @!p4 $0x70;
	s2 =	sadd.s32 @!p4 $0x6F40, s17;
	[tilespmem:s17+$0x6FA0] =	vst @!p4 v2  }
0x291: {  	[tilespmem:s1], [sflag:s18] =	stream.indirect.gather @!p4 [hbm4b:s22+s6], $0x10, s2, s6, $0xb8;
	[tilespmem:$0x1FB90] =	vst v63  }
0x292: {  	p4 =	sne.s32 s5, $0x5A  }
.Ltmp10:
0x293: {  	_ = 	snop;
	(pc) =	sbr.rel @p4 .LBB2_11-.Ltmp10, $2  }
0x294: {  	_ =	sdelay $0x2  }
0x295: {  	p3 =	por !p3, !p3;
	s24 =	sadd.s32 $0x70, s24  }
0x296: {  	s1 =	simm.s32 $0x3  }
0x297: {  	_ =	swait.ge [sflag:s1], $0x700  }
0x298: {  	[sflag:s1] =	ssyncset.done $0x0  }
0x299: {  	s2 =	simm.s32 $0x4;
	[sflag:s1] =	ssyncadd.s32 $0xFFFFF900  }
.Ltmp11:
0x29a: {  	_ =	swait.ge [sflag:s2], $0x700;
	(pc) =	sbr.rel @!p1 .LBB2_15-.Ltmp11, $4  }
0x29b: {  	s1 =	smul.u32 $0x27100, s23;
	[sflag:s2] =	ssyncset.done $0x0  }
0x29c: {  	s26 =	rddreg [dreg:$0xa];
	[sflag:s2] =	ssyncadd.s32 $0xFFFFF900  }
0x29d: {  	s2 =	sadd.s32 s26, s1;
	[bflag:$0x0] =	sbarrier.arrive $0xFFFF  }
0x29e: {  	s2 =	sshrl.u32 s2, $0x3  }
0x29f: {  	s5 =	rddreg [dreg:$0xd]  }
.Ltmp12:
0x2a0: {  	s2 =	sadd.s32 s5, s2;
	(pc) =	sbr.rel @p0 .LBB2_16-.Ltmp12, $4  }
0x2a1: {  	[hbm:s2], [sflag:s16] =	dma.local [spmem:s20], $0x4E0  }
0x2a2: {  	_ =	swait.ge [sflag:s25], $0x4E0  }
0x2a3: {  	[sflag:s25] =	ssyncset.done $0x0  }
0x2a4: {  	s2 =	smov.u32 s5;
	[sflag:s25] =	ssyncadd.s32 $0xFFFFFB20  }
.LBB2_18:
0x2a5: {  	s1 =	sshrl.u32 s1, $0x3  }
0x2a6: {  	s24 =	rddreg [dreg:$0xf];
	s1 =	sadd.s32 s2, s1  }
0x2a7: {  	s2 =	sshrl.u32 s24, $0x3;
	s1 =	sadd.s32 $0x4E00, s1  }
0x2a8: {  	[hbm:s1], [sflag:s16] =	dma.local [spmem:s2], $0x20  }
0x2a9: {  	_ =	swait.ge [sflag:s25], $0x20  }
0x2aa: {  	[sflag:s25] =	ssyncset.done $0x0  }
0x2ab: {  	[sflag:s25] =	ssyncadd.s32 $0xFFFFFFE0  }
0x2ac: {  	[bflag:$0x0] =	sbarrier.arrive $0xFFFF  }
0x2ad: {  	s26 =	rddreg [dreg:$0x9]  }
0x2ae: {  	[spmem:s20], [sflag:s16] =	dma.local [hbm:s26], $0x4E0  }
0x2af: {  	_ =	swait.ge [sflag:s25], $0x4E0  }
0x2b0: {  	[sflag:s25] =	ssyncset.done $0x0  }
.Ltmp13:
0x2b1: {  	[sflag:s25] =	ssyncadd.s32 $0xFFFFFB20;
	(pc) =	sbr.rel .LBB2_19-.Ltmp13, $4  }
0x2b2: {  	[spmem:s2], [sflag:s16] =	dma.local [hbm:s26], $0x20  }
0x2b3: {  	_ =	swait.ge [sflag:s25], $0x20  }
0x2b4: {  	[sflag:s25] =	ssyncset.done $0x0  }
0x2b5: {  	[sflag:s25] =	ssyncadd.s32 $0xFFFFFFE0  }
.LBB2_21:
0x2b6: {  	_ =	sfence.sel $0x180000  }
0x2b7: {  	[bflag:$0x0] =	sbarrier.arrive $0xFFFF  }
0x2b8: {  	_ =	strace $0x90000047  }
0x2b9: {  	[bflag:$0x2] =	sbarrier.arrive $0xFFFF  }
0x2ba: {  	s0 =	rddreg [dreg:$0x4]  }
0x2bb: {  	s0 =	sadd.s32 @!p0 $0x100000, s0  }
0x2bc: {  	[sflag:s0] =	ssyncadd.tile.s32 @!p0 $0x1;
	_ =	shalt  }
.Lfunc_end2:
_tile_overlayer_lowered:
.L_overlay_start_2:
0x2bd: {  	(tag) =	ssettag $0x2  }
0x2be: {  	s0 =	rddreg [dreg:$0x0];
	s2 =	stileid.u32  }
0x2bf: {  	s1 =	rddreg [dreg:$0x1];
	p0 =	sne.s32 s2, $0x0  }
0x2c0: {  	s3 =	rddreg [dreg:$0x2];
	[bflag:$0x3] =	sbarrier.arrive $0xFFFF;
	s2 =	simm.s32 @!p0 $0x1C05  }
0x2c1: {  	[timem:s3], [sflag:s2] =	dma.local @!p0 [hbm:s0], s1  }
0x2c2: {  	s0 =	simm.s32 @!p0 $0x5  }
0x2c3: {  	_ =	swait.ge @!p0 [sflag:s0], s1  }
0x2c4: {  	s1 =	ssub.s32 @!p0 $0x0, s1;
	[sflag:s0] =	ssyncset.done @!p0 $0x0  }
0x2c5: {  	[sflag:s0] =	ssyncadd.s32 @!p0 s1  }
0x2c6: {  	[bflag:$0x3] =	sbarrier.arrive $0xFFFF  }
0x2c7: {  	_ =	shalt  }

</sc_bundles>
